<compile_context>
chip_gen: v7x
topology: tpu7x:2x2x1
jax: 0.10.2.dev20260603
libtpu: 0.0.44.dev20260713+nightly
codegen_flags: <defaults>
</compile_context>

<pallas_src>
import functools

import jax
import jax.numpy as jnp
from jax import lax
from jax.experimental import pallas as pl
from jax.experimental.pallas import tpu as pltpu
from jax.experimental.pallas import tpu_sc as plsc

_N = 10000
_E = 320000
_D = 128
_G = 64
_C = 10

_NC = 2
_NS = 16
_NW = _NC * _NS

_EK = 128
_RT = 80
_ERP = _NW * _RT
_EPAD = _ERP * _EK - _E
_NH = _N + 8
_NACC = _N + 8
_NB = 2
_GS = 1
_QR = _EK // _GS
_HALF = 40
_RT0 = 80
_RT1 = 80

_ZR = 632
_ZR_LAST = _N - 15 * _ZR

_ROWBLK = 1000


def _gelu_exact(x):
    return 0.5 * x * (1.0 + lax.erf(x * 0.7071067811865476))


def _zero_acc(zeros_hbm, acc, s):
    @pl.when(s < _NS - 1)
    def _():
        pltpu.sync_copy(zeros_hbm.at[pl.ds(0, _ZR)],
                        acc.at[pl.ds(s * _ZR, _ZR)])

    @pl.when(s == _NS - 1)
    def _():
        pltpu.sync_copy(zeros_hbm.at[pl.ds(0, _ZR_LAST)],
                        acc.at[pl.ds(15 * _ZR, _ZR_LAST)])


def _write_out(acc, out_hbm, c, s):
    @pl.when(s < _NS - 1)
    def _():
        pltpu.sync_copy(acc.at[pl.ds(s * _ZR, _ZR)],
                        out_hbm.at[c, pl.ds(s * _ZR, _ZR)])

    @pl.when(s == _NS - 1)
    def _():
        pltpu.sync_copy(acc.at[pl.ds(15 * _ZR, _ZR_LAST)],
                        out_hbm.at[c, pl.ds(15 * _ZR, _ZR_LAST)])


def _load_slab(src2d, buf, rbase):
    pltpu.sync_copy(src2d.at[pl.ds(rbase, _RT)], buf)


def _sc_degree(dst2d, ones_blk, zeros_blk):
    mesh = plsc.VectorSubcoreMesh(core_axis_name="c", subcore_axis_name="s")

    @functools.partial(
        pl.kernel,
        out_type=jax.ShapeDtypeStruct((_NC, _N, _D), jnp.float32),
        mesh=mesh,
        scratch_types=[
            pltpu.VMEM((_RT, _EK), jnp.int32),
            pltpu.VMEM((_EK, _D), jnp.float32),
            pltpu.VMEM_SHARED((_NACC, _D), jnp.float32),
        ] + [pltpu.SemaphoreType.DMA] * _NB,
    )
    def k(dst_hbm, ones_hbm, zeros_hbm, out_hbm, didxb, ones_v, acc, *sems):
        c = lax.axis_index("c")
        s = lax.axis_index("s")
        t = c * _NS + s
        rbase = t * _RT

        _zero_acc(zeros_hbm, acc, s)
        pltpu.sync_copy(ones_hbm, ones_v)
        _load_slab(dst_hbm, didxb, rbase)
        plsc.subcore_barrier()

        def start(j, b):
            pltpu.async_copy(ones_v, acc.at[didxb.at[j]], sems[b], add=True)

        def wait(j, b):
            pltpu.make_async_copy(ones_v, acc.at[didxb.at[j]], sems[b]).wait()

        for b in range(_NB):
            start(b, b)
        nloops = (_RT - _NB) // _NB

        @pl.loop(0, nloops)
        def _(g):
            for b in range(_NB):
                j = g * _NB + b
                wait(j, b)
                start(j + _NB, b)

        for b in range(_NB):
            j = nloops * _NB + b
            wait(j, b)

        plsc.subcore_barrier()
        _write_out(acc, out_hbm, c, s)

    return k(dst2d, ones_blk, zeros_blk)


def _sc_scatter(hp, src2d, dst2d, zeros_blk):
    mesh = plsc.VectorSubcoreMesh(core_axis_name="c", subcore_axis_name="s")

    @functools.partial(
        pl.kernel,
        out_type=jax.ShapeDtypeStruct((_NC, _N, _D), jnp.float32),
        mesh=mesh,
        scratch_types=[
            pltpu.VMEM((_HALF, _EK), jnp.int32),
            pltpu.VMEM((_HALF, _EK), jnp.int32),
            pltpu.VMEM((_NB, _EK, _D), jnp.float32),
            pltpu.VMEM_SHARED((_NACC, _D), jnp.float32),
        ] + [pltpu.SemaphoreType.DMA] * (_NB * _GS),
    )
    def k(hp_hbm, src_hbm, dst_hbm, zeros_hbm, out_hbm,
          sidxb, didxb, rows, acc, *sems):
        c = lax.axis_index("c")
        s = lax.axis_index("s")

        def start_gather(j, b):
            for q in range(_GS):
                pltpu.async_copy(
                    hp_hbm.at[sidxb.at[j, pl.ds(q * _QR, _QR)]],
                    rows.at[b, pl.ds(q * _QR, _QR)], sems[b * _GS + q])

        def wait_gather(j, b):
            for q in range(_GS):
                pltpu.make_async_copy(
                    hp_hbm.at[sidxb.at[j, pl.ds(q * _QR, _QR)]],
                    rows.at[b, pl.ds(q * _QR, _QR)], sems[b * _GS + q]).wait()

        def scatter(j, b):
            pltpu.sync_copy(rows.at[b], acc.at[didxb.at[j]], add=True)

        nloops = (_HALF - _NB) // _NB

        def pipe(base, nstages):
            for st in range(nstages):
                rbase = base + st * _HALF
                pltpu.sync_copy(src_hbm.at[pl.ds(rbase, _HALF)], sidxb)
                pltpu.sync_copy(dst_hbm.at[pl.ds(rbase, _HALF)], didxb)

                for b in range(_NB):
                    start_gather(b, b)

                if st == 0:
                    _zero_acc(zeros_hbm, acc, s)
                    plsc.subcore_barrier()

                @pl.loop(0, nloops)
                def _(g):
                    for b in range(_NB):
                        j = g * _NB + b
                        wait_gather(j, b)
                        scatter(j, b)
                        start_gather(j + _NB, b)

                for b in range(_NB):
                    j = nloops * _NB + b
                    wait_gather(j, b)
                    scatter(j, b)

        t = c * _NS + s
        pipe(t * _RT0, _RT0 // _HALF)

        plsc.subcore_barrier()
        _write_out(acc, out_hbm, c, s)

    return k(hp, src2d, dst2d, zeros_blk)


def _tc_matmul1(x, W1):

    def body(x_ref, w_ref, h_ref):
        h_ref[...] = jnp.dot(x_ref[...], w_ref[...],
                             preferred_element_type=jnp.float32)

    return pl.pallas_call(
        body,
        grid=(_N // _ROWBLK,),
        in_specs=[
            pl.BlockSpec((_ROWBLK, _D), lambda i: (i, 0)),
            pl.BlockSpec((_D, _D), lambda i: (0, 0)),
        ],
        out_specs=pl.BlockSpec((_ROWBLK, _D), lambda i: (i, 0)),
        out_shape=jax.ShapeDtypeStruct((_N, _D), jnp.float32),
    )(x, W1)


def _tc_scale(degp, h1):

    def body(degp_ref, h_ref, hp_ref, inv_ref):
        dp = degp_ref[0] + degp_ref[1]
        inv = lax.rsqrt(dp[:, 0:1] + 1.0)
        hp_ref[...] = h_ref[...] * inv
        inv_ref[...] = inv

    return pl.pallas_call(
        body,
        grid=(_N // _ROWBLK,),
        in_specs=[
            pl.BlockSpec((_NC, _ROWBLK, _D), lambda i: (0, i, 0)),
            pl.BlockSpec((_ROWBLK, _D), lambda i: (i, 0)),
        ],
        out_specs=[
            pl.BlockSpec((_ROWBLK, _D), lambda i: (i, 0)),
            pl.BlockSpec((_ROWBLK, 1), lambda i: (i, 0)),
        ],
        out_shape=[
            jax.ShapeDtypeStruct((_NH, _D), jnp.float32),
            jax.ShapeDtypeStruct((_N, 1), jnp.float32),
        ],
    )(degp, h1)


def _tc_combine_prep(part, hp, inv, b, W):

    def body(part_ref, hp_ref, inv_ref, b_ref, w_ref, out_ref):
        inv_v = inv_ref[...]
        t = (part_ref[0] + part_ref[1] + hp_ref[...]) * inv_v + b_ref[...]
        h = _gelu_exact(t)
        out_ref[...] = jnp.dot(h, w_ref[...],
                               preferred_element_type=jnp.float32) * inv_v

    return pl.pallas_call(
        body,
        grid=(_N // _ROWBLK,),
        in_specs=[
            pl.BlockSpec((_NC, _ROWBLK, _D), lambda i: (0, i, 0)),
            pl.BlockSpec((_ROWBLK, _D), lambda i: (i, 0)),
            pl.BlockSpec((_ROWBLK, 1), lambda i: (i, 0)),
            pl.BlockSpec((1, _D), lambda i: (0, 0)),
            pl.BlockSpec((_D, _D), lambda i: (0, 0)),
        ],
        out_specs=pl.BlockSpec((_ROWBLK, _D), lambda i: (i, 0)),
        out_shape=jax.ShapeDtypeStruct((_NH, _D), jnp.float32),
    )(part, hp, inv, b, W)


def _tc_final(part, hp, inv, b, batch3d, Wc, bc):
    steps = _N // _ROWBLK

    def body(part_ref, hp_ref, inv_ref, b_ref, bat_ref, wc_ref, bc_ref,
             out_ref, accs, accc):
        i = pl.program_id(0)

        @pl.when(i == 0)
        def _():
            accs[...] = jnp.zeros_like(accs)
            accc[...] = jnp.zeros_like(accc)

        inv_v = inv_ref[...]
        t = (part_ref[0] + part_ref[1] + hp_ref[...]) * inv_v + b_ref[...]
        h = _gelu_exact(t)
        oht = (bat_ref[0] ==
               lax.broadcasted_iota(jnp.int32, (_G, _ROWBLK), 0)
               ).astype(jnp.float32)
        accs[...] += jnp.dot(oht, h, preferred_element_type=jnp.float32)
        accc[...] += jnp.dot(oht, jnp.ones((_ROWBLK, 1), jnp.float32),
                             preferred_element_type=jnp.float32)

        @pl.when(i == steps - 1)
        def _():
            g = accs[...] / jnp.maximum(accc[...], 1.0)
            out_ref[...] = jnp.dot(g, wc_ref[...],
                                   preferred_element_type=jnp.float32) + bc_ref[...]

    return pl.pallas_call(
        body,
        grid=(steps,),
        in_specs=[
            pl.BlockSpec((_NC, _ROWBLK, _D), lambda i: (0, i, 0)),
            pl.BlockSpec((_ROWBLK, _D), lambda i: (i, 0)),
            pl.BlockSpec((_ROWBLK, 1), lambda i: (i, 0)),
            pl.BlockSpec((1, _D), lambda i: (0, 0)),
            pl.BlockSpec((1, 1, _ROWBLK), lambda i: (i, 0, 0)),
            pl.BlockSpec((_D, _C), lambda i: (0, 0)),
            pl.BlockSpec((1, _C), lambda i: (0, 0)),
        ],
        out_specs=pl.BlockSpec((_G, _C), lambda i: (0, 0)),
        out_shape=jax.ShapeDtypeStruct((_G, _C), jnp.float32),
        scratch_shapes=[
            pltpu.VMEM((_G, _D), jnp.float32),
            pltpu.VMEM((_G, 1), jnp.float32),
        ],
    )(part, hp, inv, b, batch3d, Wc, bc)


def kernel(x, edge_index, batch, W1, b1, W2, b2, Wc, bc):
    dpw = _EPAD // _NW
    dummy_src = (jnp.arange(_NW * dpw, dtype=jnp.int32) % _N).reshape(_NW, dpw)
    dummy_dst = jnp.full((_NW, dpw), _N, jnp.int32)
    src2d = jnp.concatenate(
        [edge_index[0].reshape(_NW, _E // _NW), dummy_src], axis=1
    ).reshape(_ERP, _EK)
    dst2d = jnp.concatenate(
        [edge_index[1].reshape(_NW, _E // _NW), dummy_dst], axis=1
    ).reshape(_ERP, _EK)
    ones_blk = jnp.ones((_EK, _D), jnp.float32)
    zeros_blk = jnp.zeros((_ZR, _D), jnp.float32)

    degp = _sc_degree(dst2d, ones_blk, zeros_blk)
    h1 = _tc_matmul1(x, W1)
    hp1, inv = _tc_scale(degp, h1)
    part1 = _sc_scatter(hp1, src2d, dst2d, zeros_blk)
    hp2 = _tc_combine_prep(part1, hp1, inv, b1.reshape(1, _D), W2)
    part2 = _sc_scatter(hp2, src2d, dst2d, zeros_blk)
    return _tc_final(part2, hp2, inv, b2.reshape(1, _D),
                     batch.reshape(_N // _ROWBLK, 1, _ROWBLK), Wc,
                     bc.reshape(1, _C))

# --- scband reference (transcript-rebuilt; emitter-appended) ---
"""Pipeline reference for scband-modular-graph-21526376087890 (READ-ONLY COPY).

The authoritative reference and input builder live on the scoring server;
editing this copy changes nothing except your own understanding.
"""

import jax, jax.numpy as jnp
import numpy as np

N = 10000
E = 320000
D = 128
G = 64
C = 10


def setup_inputs(seed: int = 0) -> dict:
    key = jax.random.key(seed)
    ks = jax.random.split(key, 8)
    x = jax.random.normal(ks[0], (N, D), dtype=jnp.float32)
    edge_index = jax.random.randint(ks[1], (2, E), 0, N, dtype=jnp.int32)
    batch = jnp.sort(jax.random.randint(ks[2], (N,), 0, G, dtype=jnp.int32))
    W1 = jax.random.normal(ks[3], (D, D), dtype=jnp.float32) * 0.05
    b1 = jnp.zeros((D,), dtype=jnp.float32)
    W2 = jax.random.normal(ks[4], (D, D), dtype=jnp.float32) * 0.05
    b2 = jnp.zeros((D,), dtype=jnp.float32)
    Wc = jax.random.normal(ks[5], (D, C), dtype=jnp.float32) * 0.05
    bc = jnp.zeros((C,), dtype=jnp.float32)
    return {"x": x, "edge_index": edge_index, "batch": batch, "W1": W1, "b1": b1, "W2": W2, "b2": b2, "Wc": Wc, "bc": bc}


def _gcn_conv(x, src, dst, W, b, n):
    # PyG GCNConv: linear transform, add self loops, symmetric normalization, scatter-add
    h = x @ W
    loop = jnp.arange(n, dtype=src.dtype)
    s = jnp.concatenate([src, loop])
    d = jnp.concatenate([dst, loop])
    deg = jax.ops.segment_sum(jnp.ones(s.shape[0], dtype=h.dtype), d, num_segments=n)
    inv_sqrt = jnp.where(deg > 0, jax.lax.rsqrt(jnp.maximum(deg, 1e-12)), 0.0)
    coef = inv_sqrt[s] * inv_sqrt[d]
    msg = h[s] * coef[:, None]
    out = jax.ops.segment_sum(msg, d, num_segments=n)
    return out + b


def reference(x, edge_index, batch, W1, b1, W2, b2, Wc, bc):
    src, dst = edge_index[0], edge_index[1]
    h = _gcn_conv(x, src, dst, W1, b1, N)
    h = jax.nn.gelu(h, approximate=False)
    h = _gcn_conv(h, src, dst, W2, b2, N)
    h = jax.nn.gelu(h, approximate=False)
    sums = jax.ops.segment_sum(h, batch, num_segments=G)
    cnts = jax.ops.segment_sum(jnp.ones((N,), dtype=h.dtype), batch, num_segments=G)
    g = sums / jnp.maximum(cnts, 1.0)[:, None]
    return g @ Wc + bc

if __name__ == "__main__":
    import jax
    _d = setup_inputs()
    print(jax.jit(kernel)(*tuple(_d.values())))

</pallas_src>

<mosaic_0001>
#map = affine_map<(d0, d1) -> (0, 0)>
#map1 = affine_map<(d0, d1) -> (0, 0, 0)>
module attributes {stable_mosaic.version = 14 : i64} {
  func.func @k(%arg0: i32, %arg1: i32, %arg2: memref<10008x128xf32, #tpu.memory_space<hbm>>, %arg3: memref<2560x128xi32, #tpu.memory_space<hbm>>, %arg4: memref<2560x128xi32, #tpu.memory_space<hbm>>, %arg5: memref<632x128xf32, #tpu.memory_space<hbm>>, %arg6: memref<2x10000x128xf32, #tpu.memory_space<hbm>>, %arg7: memref<40x128xi32, #tpu.memory_space<vmem>>, %arg8: memref<40x128xi32, #tpu.memory_space<vmem>>, %arg9: memref<2x128x128xf32, #tpu.memory_space<vmem>>, %arg10: memref<10008x128xf32, #tpu.memory_space<vmem_shared>>, %arg11: memref<!tpu.dma_semaphore, #tpu.memory_space<semaphore_mem>>, %arg12: memref<!tpu.dma_semaphore, #tpu.memory_space<semaphore_mem>>) attributes {dimension_semantics = [#tpu.dimension_semantics<core_parallel>, #tpu.dimension_semantics<subcore_parallel>], iteration_bounds = array<i64: 2, 16>, scalar_prefetch = 0 : i64, scratch_operands = 6 : i64, tpu.core_type = #tpu.core_type<sc_vector_subcore>, window_params = [{transform_indices = #map}, {transform_indices = #map}, {transform_indices = #map}, {transform_indices = #map}, {transform_indices = #map1}]} {
    %mul3A = arith.constant 16 : i32
    %mul3A_0 = arith.muli %arg0, %mul3A : i32
    %add3A = arith.addi %mul3A_0, %arg1 : i32
    %mul3A_1 = arith.constant 80 : i32
    %mul3A_2 = arith.muli %add3A, %mul3A_1 : i32
    %add3A_3 = arith.constant 0 : i32
    %add3A_4 = arith.addi %mul3A_2, %add3A_3 : i32
    "tpu.region"() ({
      %run_scoped3A_134 = tpu.sem_alloc : memref<!tpu.dma_semaphore, #tpu.memory_space<semaphore_mem>>
      %dma_start3A_135 = arith.constant 0 : i32
      %dma_start3A_136 = tpu.memref_slice %arg3[%add3A_4, %dma_start3A_135] : memref<2560x128xi32, #tpu.memory_space<hbm>> -> memref<40x128xi32, #tpu.memory_space<hbm>>
      %dma_start3A_137 = arith.constant 0 : i32
      %dma_start3A_138 = tpu.memref_slice %arg3[%add3A_4, %dma_start3A_137] : memref<2560x128xi32, #tpu.memory_space<hbm>> -> memref<40x128xi32, #tpu.memory_space<hbm>>
      tpu.enqueue_dma source(%dma_start3A_138 : memref<40x128xi32, #tpu.memory_space<hbm>>) target(%arg7 : memref<40x128xi32, #tpu.memory_space<vmem>>) target_semaphore(%run_scoped3A_134 : memref<!tpu.dma_semaphore, #tpu.memory_space<semaphore_mem>>)
      %dma_wait3A_139 = arith.constant 0 : i32
      %dma_wait3A_140 = tpu.memref_slice %arg3[%add3A_4, %dma_wait3A_139] : memref<2560x128xi32, #tpu.memory_space<hbm>> -> memref<40x128xi32, #tpu.memory_space<hbm>>
      %dma_wait3A_141 = arith.constant 0 : i32
      %dma_wait3A_142 = tpu.memref_slice %arg3[%add3A_4, %dma_wait3A_141] : memref<2560x128xi32, #tpu.memory_space<hbm>> -> memref<40x128xi32, #tpu.memory_space<hbm>>
      tpu.wait_dma2 semaphore(%run_scoped3A_134 : memref<!tpu.dma_semaphore, #tpu.memory_space<semaphore_mem>>) src(%dma_wait3A_142 : memref<40x128xi32, #tpu.memory_space<hbm>>) dst(%arg7 : memref<40x128xi32, #tpu.memory_space<vmem>>)
      tpu.yield
    }) : () -> ()
    "tpu.region"() ({
      %run_scoped3A_134 = tpu.sem_alloc : memref<!tpu.dma_semaphore, #tpu.memory_space<semaphore_mem>>
      %dma_start3A_135 = arith.constant 0 : i32
      %dma_start3A_136 = tpu.memref_slice %arg4[%add3A_4, %dma_start3A_135] : memref<2560x128xi32, #tpu.memory_space<hbm>> -> memref<40x128xi32, #tpu.memory_space<hbm>>
      %dma_start3A_137 = arith.constant 0 : i32
      %dma_start3A_138 = tpu.memref_slice %arg4[%add3A_4, %dma_start3A_137] : memref<2560x128xi32, #tpu.memory_space<hbm>> -> memref<40x128xi32, #tpu.memory_space<hbm>>
      tpu.enqueue_dma source(%dma_start3A_138 : memref<40x128xi32, #tpu.memory_space<hbm>>) target(%arg8 : memref<40x128xi32, #tpu.memory_space<vmem>>) target_semaphore(%run_scoped3A_134 : memref<!tpu.dma_semaphore, #tpu.memory_space<semaphore_mem>>)
      %dma_wait3A_139 = arith.constant 0 : i32
      %dma_wait3A_140 = tpu.memref_slice %arg4[%add3A_4, %dma_wait3A_139] : memref<2560x128xi32, #tpu.memory_space<hbm>> -> memref<40x128xi32, #tpu.memory_space<hbm>>
      %dma_wait3A_141 = arith.constant 0 : i32
      %dma_wait3A_142 = tpu.memref_slice %arg4[%add3A_4, %dma_wait3A_141] : memref<2560x128xi32, #tpu.memory_space<hbm>> -> memref<40x128xi32, #tpu.memory_space<hbm>>
      tpu.wait_dma2 semaphore(%run_scoped3A_134 : memref<!tpu.dma_semaphore, #tpu.memory_space<semaphore_mem>>) src(%dma_wait3A_142 : memref<40x128xi32, #tpu.memory_space<hbm>>) dst(%arg8 : memref<40x128xi32, #tpu.memory_space<vmem>>)
      tpu.yield
    }) : () -> ()
    %dma_start3A = arith.constant 0 : i32
    %dma_start3A_5 = arith.constant 0 : i32
    %dma_start3A_6 = arith.constant 0 : i32
    %dma_start3A_7 = arith.constant 0 : i32
    %dma_start3A_8 = tpu.memref_slice %arg9[%dma_start3A_5, %dma_start3A_6, %dma_start3A_7] : memref<2x128x128xf32, #tpu.memory_space<vmem>> -> memref<1x128x128xf32, #tpu.memory_space<vmem>>
    %dma_start3A_9 = tpu.memref_squeeze %dma_start3A_8 : memref<1x128x128xf32, #tpu.memory_space<vmem>> -> memref<128x128xf32, #tpu.memory_space<vmem>>
    %dma_start3A_10 = arith.constant 0 : i32
    %dma_start3A_11 = tpu.memref_slice %arg7[%dma_start3A, %dma_start3A_10] : memref<40x128xi32, #tpu.memory_space<vmem>> -> memref<1x128xi32, #tpu.memory_space<vmem>>
    %dma_start3A_12 = tpu.memref_squeeze %dma_start3A_11 : memref<1x128xi32, #tpu.memory_space<vmem>> -> memref<128xi32, #tpu.memory_space<vmem>>
    %dma_start3A_13 = arith.constant 0 : i32
    %dma_start3A_14 = arith.constant 0 : i32
    %dma_start3A_15 = tpu.memref_slice %arg2[%dma_start3A_13, %dma_start3A_14] : memref<10008x128xf32, #tpu.memory_space<hbm>> -> memref<10008x128xf32, #tpu.memory_space<hbm>>
    tpu.enqueue_indirect_dma source(%dma_start3A_15 : memref<10008x128xf32, #tpu.memory_space<hbm>>) target(%dma_start3A_9 : memref<128x128xf32, #tpu.memory_space<vmem>>) offsets(%dma_start3A_12 : memref<128xi32, #tpu.memory_space<vmem>>) semaphore(%arg11 : memref<!tpu.dma_semaphore, #tpu.memory_space<semaphore_mem>>)
    %dma_start3A_16 = arith.constant 1 : i32
    %dma_start3A_17 = arith.constant 1 : i32
    %dma_start3A_18 = arith.constant 0 : i32
    %dma_start3A_19 = arith.constant 0 : i32
    %dma_start3A_20 = tpu.memref_slice %arg9[%dma_start3A_17, %dma_start3A_18, %dma_start3A_19] : memref<2x128x128xf32, #tpu.memory_space<vmem>> -> memref<1x128x128xf32, #tpu.memory_space<vmem>>
    %dma_start3A_21 = tpu.memref_squeeze %dma_start3A_20 : memref<1x128x128xf32, #tpu.memory_space<vmem>> -> memref<128x128xf32, #tpu.memory_space<vmem>>
    %dma_start3A_22 = arith.constant 0 : i32
    %dma_start3A_23 = tpu.memref_slice %arg7[%dma_start3A_16, %dma_start3A_22] : memref<40x128xi32, #tpu.memory_space<vmem>> -> memref<1x128xi32, #tpu.memory_space<vmem>>
    %dma_start3A_24 = tpu.memref_squeeze %dma_start3A_23 : memref<1x128xi32, #tpu.memory_space<vmem>> -> memref<128xi32, #tpu.memory_space<vmem>>
    %dma_start3A_25 = arith.constant 0 : i32
    %dma_start3A_26 = arith.constant 0 : i32
    %dma_start3A_27 = tpu.memref_slice %arg2[%dma_start3A_25, %dma_start3A_26] : memref<10008x128xf32, #tpu.memory_space<hbm>> -> memref<10008x128xf32, #tpu.memory_space<hbm>>
    tpu.enqueue_indirect_dma source(%dma_start3A_27 : memref<10008x128xf32, #tpu.memory_space<hbm>>) target(%dma_start3A_21 : memref<128x128xf32, #tpu.memory_space<vmem>>) offsets(%dma_start3A_24 : memref<128xi32, #tpu.memory_space<vmem>>) semaphore(%arg12 : memref<!tpu.dma_semaphore, #tpu.memory_space<semaphore_mem>>)
    %lt3A = arith.constant 15 : i32
    %lt3A_28 = arith.cmpi slt, %arg1, %lt3A : i32
    %convert_element_type3A = arith.extui %lt3A_28 : i1 to i32
    %cond3A = arith.constant 0 : i32
    %cond3A_29 = arith.cmpi ne, %convert_element_type3A, %cond3A : i32
    scf.if %cond3A_29 {
      %mul3A_134 = arith.constant 632 : i32
      %mul3A_135 = arith.muli %arg1, %mul3A_134 : i32
      "tpu.region"() ({
        %run_scoped3A_136 = tpu.sem_alloc : memref<!tpu.dma_semaphore, #tpu.memory_space<semaphore_mem>>
        %dma_start3A_137 = arith.constant 0 : i32
        %dma_start3A_138 = tpu.memref_slice %arg10[%mul3A_135, %dma_start3A_137] : memref<10008x128xf32, #tpu.memory_space<vmem_shared>> -> memref<632x128xf32, #tpu.memory_space<vmem_shared>>
        %dma_start3A_139 = arith.constant 0 : i32
        %dma_start3A_140 = arith.constant 0 : i32
        %dma_start3A_141 = tpu.memref_slice %arg5[%dma_start3A_139, %dma_start3A_140] : memref<632x128xf32, #tpu.memory_space<hbm>> -> memref<632x128xf32, #tpu.memory_space<hbm>>
        tpu.enqueue_dma source(%dma_start3A_141 : memref<632x128xf32, #tpu.memory_space<hbm>>) target(%dma_start3A_138 : memref<632x128xf32, #tpu.memory_space<vmem_shared>>) target_semaphore(%run_scoped3A_136 : memref<!tpu.dma_semaphore, #tpu.memory_space<semaphore_mem>>)
        %dma_wait3A_142 = arith.constant 0 : i32
        %dma_wait3A_143 = tpu.memref_slice %arg10[%mul3A_135, %dma_wait3A_142] : memref<10008x128xf32, #tpu.memory_space<vmem_shared>> -> memref<632x128xf32, #tpu.memory_space<vmem_shared>>
        %dma_wait3A_144 = arith.constant 0 : i32
        %dma_wait3A_145 = arith.constant 0 : i32
        %dma_wait3A_146 = tpu.memref_slice %arg5[%dma_wait3A_144, %dma_wait3A_145] : memref<632x128xf32, #tpu.memory_space<hbm>> -> memref<632x128xf32, #tpu.memory_space<hbm>>
        tpu.wait_dma2 semaphore(%run_scoped3A_136 : memref<!tpu.dma_semaphore, #tpu.memory_space<semaphore_mem>>) src(%dma_wait3A_146 : memref<632x128xf32, #tpu.memory_space<hbm>>) dst(%dma_wait3A_143 : memref<632x128xf32, #tpu.memory_space<vmem_shared>>)
        tpu.yield
      }) : () -> ()
    } else {
    }
    %eq3A = arith.constant 15 : i32
    %eq3A_30 = arith.cmpi eq, %arg1, %eq3A : i32
    %convert_element_type3A_31 = arith.extui %eq3A_30 : i1 to i32
    %cond3A_32 = arith.constant 0 : i32
    %cond3A_33 = arith.cmpi ne, %convert_element_type3A_31, %cond3A_32 : i32
    scf.if %cond3A_33 {
      "tpu.region"() ({
        %run_scoped3A_134 = tpu.sem_alloc : memref<!tpu.dma_semaphore, #tpu.memory_space<semaphore_mem>>
        %dma_start3A_135 = arith.constant 9480 : i32
        %dma_start3A_136 = arith.constant 0 : i32
        %dma_start3A_137 = tpu.memref_slice %arg10[%dma_start3A_135, %dma_start3A_136] : memref<10008x128xf32, #tpu.memory_space<vmem_shared>> -> memref<520x128xf32, #tpu.memory_space<vmem_shared>>
        %dma_start3A_138 = arith.constant 0 : i32
        %dma_start3A_139 = arith.constant 0 : i32
        %dma_start3A_140 = tpu.memref_slice %arg5[%dma_start3A_138, %dma_start3A_139] : memref<632x128xf32, #tpu.memory_space<hbm>> -> memref<520x128xf32, #tpu.memory_space<hbm>>
        tpu.enqueue_dma source(%dma_start3A_140 : memref<520x128xf32, #tpu.memory_space<hbm>>) target(%dma_start3A_137 : memref<520x128xf32, #tpu.memory_space<vmem_shared>>) target_semaphore(%run_scoped3A_134 : memref<!tpu.dma_semaphore, #tpu.memory_space<semaphore_mem>>)
        %dma_wait3A_141 = arith.constant 9480 : i32
        %dma_wait3A_142 = arith.constant 0 : i32
        %dma_wait3A_143 = tpu.memref_slice %arg10[%dma_wait3A_141, %dma_wait3A_142] : memref<10008x128xf32, #tpu.memory_space<vmem_shared>> -> memref<520x128xf32, #tpu.memory_space<vmem_shared>>
        %dma_wait3A_144 = arith.constant 0 : i32
        %dma_wait3A_145 = arith.constant 0 : i32
        %dma_wait3A_146 = tpu.memref_slice %arg5[%dma_wait3A_144, %dma_wait3A_145] : memref<632x128xf32, #tpu.memory_space<hbm>> -> memref<520x128xf32, #tpu.memory_space<hbm>>
        tpu.wait_dma2 semaphore(%run_scoped3A_134 : memref<!tpu.dma_semaphore, #tpu.memory_space<semaphore_mem>>) src(%dma_wait3A_146 : memref<520x128xf32, #tpu.memory_space<hbm>>) dst(%dma_wait3A_143 : memref<520x128xf32, #tpu.memory_space<vmem_shared>>)
        tpu.yield
      }) : () -> ()
    } else {
    }
    %barrier3A = arith.constant 0 : index
    tpu.barrier barrier_id(%barrier3A)
    %scan3A = arith.constant 0 : i32
    %scan3A_34 = arith.constant 19 : i32
    %scan3A_35 = arith.addi %scan3A, %scan3A_34 : i32
    %scan3A_36 = arith.constant 1 : i32
    scf.for %scan3A_134 = %scan3A to %scan3A_35 step %scan3A_36  : i32 {
      %mul3A_135 = arith.constant 1 : i32
      %mul3A_136 = arith.muli %scan3A_134, %mul3A_135 : i32
      %add3A_137 = arith.constant 0 : i32
      %add3A_138 = arith.addi %add3A_137, %mul3A_136 : i32
      %mul3A_139 = arith.constant 2 : i32
      %mul3A_140 = arith.muli %add3A_138, %mul3A_139 : i32
      %add3A_141 = arith.constant 0 : i32
      %add3A_142 = arith.addi %mul3A_140, %add3A_141 : i32
      %dma_wait3A_143 = arith.constant 0 : i32
      %dma_wait3A_144 = arith.constant 0 : i32
      %dma_wait3A_145 = arith.constant 0 : i32
      %dma_wait3A_146 = tpu.memref_slice %arg9[%dma_wait3A_143, %dma_wait3A_144, %dma_wait3A_145] : memref<2x128x128xf32, #tpu.memory_space<vmem>> -> memref<1x128x128xf32, #tpu.memory_space<vmem>>
      %dma_wait3A_147 = tpu.memref_squeeze %dma_wait3A_146 : memref<1x128x128xf32, #tpu.memory_space<vmem>> -> memref<128x128xf32, #tpu.memory_space<vmem>>
      %dma_wait3A_148 = arith.constant 0 : i32
      %dma_wait3A_149 = tpu.memref_slice %arg7[%add3A_142, %dma_wait3A_148] : memref<40x128xi32, #tpu.memory_space<vmem>> -> memref<1x128xi32, #tpu.memory_space<vmem>>
      %dma_wait3A_150 = tpu.memref_squeeze %dma_wait3A_149 : memref<1x128xi32, #tpu.memory_space<vmem>> -> memref<128xi32, #tpu.memory_space<vmem>>
      %dma_wait3A_151 = arith.constant 0 : i32
      %dma_wait3A_152 = arith.constant 0 : i32
      %dma_wait3A_153 = tpu.memref_slice %arg2[%dma_wait3A_151, %dma_wait3A_152] : memref<10008x128xf32, #tpu.memory_space<hbm>> -> memref<10008x128xf32, #tpu.memory_space<hbm>>
      tpu.wait_indirect_dma semaphore(%arg11 : memref<!tpu.dma_semaphore, #tpu.memory_space<semaphore_mem>>) src(%dma_wait3A_153 : memref<10008x128xf32, #tpu.memory_space<hbm>>) dst(%dma_wait3A_147 : memref<128x128xf32, #tpu.memory_space<vmem>>)
      %run_scoped3A_154 = arith.constant 0 : i32
      "tpu.region"() ({
        %run_scoped3A_197 = tpu.sem_alloc : memref<!tpu.dma_semaphore, #tpu.memory_space<semaphore_mem>>
        %dma_start3A_198 = arith.constant 0 : i32
        %dma_start3A_199 = arith.constant 0 : i32
        %dma_start3A_200 = tpu.memref_slice %arg9[%run_scoped3A_154, %dma_start3A_198, %dma_start3A_199] : memref<2x128x128xf32, #tpu.memory_space<vmem>> -> memref<1x128x128xf32, #tpu.memory_space<vmem>>
        %dma_start3A_201 = tpu.memref_squeeze %dma_start3A_200 : memref<1x128x128xf32, #tpu.memory_space<vmem>> -> memref<128x128xf32, #tpu.memory_space<vmem>>
        %dma_start3A_202 = arith.constant 0 : i32
        %dma_start3A_203 = tpu.memref_slice %arg8[%add3A_142, %dma_start3A_202] : memref<40x128xi32, #tpu.memory_space<vmem>> -> memref<1x128xi32, #tpu.memory_space<vmem>>
        %dma_start3A_204 = tpu.memref_squeeze %dma_start3A_203 : memref<1x128xi32, #tpu.memory_space<vmem>> -> memref<128xi32, #tpu.memory_space<vmem>>
        %dma_start3A_205 = arith.constant 0 : i32
        %dma_start3A_206 = arith.constant 0 : i32
        %dma_start3A_207 = tpu.memref_slice %arg10[%dma_start3A_205, %dma_start3A_206] : memref<10008x128xf32, #tpu.memory_space<vmem_shared>> -> memref<10008x128xf32, #tpu.memory_space<vmem_shared>>
        tpu.enqueue_indirect_dma source(%dma_start3A_201 : memref<128x128xf32, #tpu.memory_space<vmem>>) target(%dma_start3A_207 : memref<10008x128xf32, #tpu.memory_space<vmem_shared>>) offsets(%dma_start3A_204 : memref<128xi32, #tpu.memory_space<vmem>>) semaphore(%run_scoped3A_197 : memref<!tpu.dma_semaphore, #tpu.memory_space<semaphore_mem>>) {add = true}
        %dma_wait3A_208 = arith.constant 0 : i32
        %dma_wait3A_209 = arith.constant 0 : i32
        %dma_wait3A_210 = tpu.memref_slice %arg9[%run_scoped3A_154, %dma_wait3A_208, %dma_wait3A_209] : memref<2x128x128xf32, #tpu.memory_space<vmem>> -> memref<1x128x128xf32, #tpu.memory_space<vmem>>
        %dma_wait3A_211 = tpu.memref_squeeze %dma_wait3A_210 : memref<1x128x128xf32, #tpu.memory_space<vmem>> -> memref<128x128xf32, #tpu.memory_space<vmem>>
        %dma_wait3A_212 = arith.constant 0 : i32
        %dma_wait3A_213 = tpu.memref_slice %arg8[%add3A_142, %dma_wait3A_212] : memref<40x128xi32, #tpu.memory_space<vmem>> -> memref<1x128xi32, #tpu.memory_space<vmem>>
        %dma_wait3A_214 = tpu.memref_squeeze %dma_wait3A_213 : memref<1x128xi32, #tpu.memory_space<vmem>> -> memref<128xi32, #tpu.memory_space<vmem>>
        %dma_wait3A_215 = arith.constant 0 : i32
        %dma_wait3A_216 = arith.constant 0 : i32
        %dma_wait3A_217 = tpu.memref_slice %arg10[%dma_wait3A_215, %dma_wait3A_216] : memref<10008x128xf32, #tpu.memory_space<vmem_shared>> -> memref<10008x128xf32, #tpu.memory_space<vmem_shared>>
        tpu.wait_indirect_dma semaphore(%run_scoped3A_197 : memref<!tpu.dma_semaphore, #tpu.memory_space<semaphore_mem>>) src(%dma_wait3A_211 : memref<128x128xf32, #tpu.memory_space<vmem>>) dst(%dma_wait3A_217 : memref<10008x128xf32, #tpu.memory_space<vmem_shared>>)
        tpu.yield
      }) : () -> ()
      %add3A_155 = arith.constant 2 : i32
      %add3A_156 = arith.addi %add3A_142, %add3A_155 : i32
      %dma_start3A_157 = arith.constant 0 : i32
      %dma_start3A_158 = arith.constant 0 : i32
      %dma_start3A_159 = arith.constant 0 : i32
      %dma_start3A_160 = tpu.memref_slice %arg9[%dma_start3A_157, %dma_start3A_158, %dma_start3A_159] : memref<2x128x128xf32, #tpu.memory_space<vmem>> -> memref<1x128x128xf32, #tpu.memory_space<vmem>>
      %dma_start3A_161 = tpu.memref_squeeze %dma_start3A_160 : memref<1x128x128xf32, #tpu.memory_space<vmem>> -> memref<128x128xf32, #tpu.memory_space<vmem>>
      %dma_start3A_162 = arith.constant 0 : i32
      %dma_start3A_163 = tpu.memref_slice %arg7[%add3A_156, %dma_start3A_162] : memref<40x128xi32, #tpu.memory_space<vmem>> -> memref<1x128xi32, #tpu.memory_space<vmem>>
      %dma_start3A_164 = tpu.memref_squeeze %dma_start3A_163 : memref<1x128xi32, #tpu.memory_space<vmem>> -> memref<128xi32, #tpu.memory_space<vmem>>
      %dma_start3A_165 = arith.constant 0 : i32
      %dma_start3A_166 = arith.constant 0 : i32
      %dma_start3A_167 = tpu.memref_slice %arg2[%dma_start3A_165, %dma_start3A_166] : memref<10008x128xf32, #tpu.memory_space<hbm>> -> memref<10008x128xf32, #tpu.memory_space<hbm>>
      tpu.enqueue_indirect_dma source(%dma_start3A_167 : memref<10008x128xf32, #tpu.memory_space<hbm>>) target(%dma_start3A_161 : memref<128x128xf32, #tpu.memory_space<vmem>>) offsets(%dma_start3A_164 : memref<128xi32, #tpu.memory_space<vmem>>) semaphore(%arg11 : memref<!tpu.dma_semaphore, #tpu.memory_space<semaphore_mem>>)
      %mul3A_168 = arith.constant 2 : i32
      %mul3A_169 = arith.muli %add3A_138, %mul3A_168 : i32
      %add3A_170 = arith.constant 1 : i32
      %add3A_171 = arith.addi %mul3A_169, %add3A_170 : i32
      %dma_wait3A_172 = arith.constant 1 : i32
      %dma_wait3A_173 = arith.constant 0 : i32
      %dma_wait3A_174 = arith.constant 0 : i32
      %dma_wait3A_175 = tpu.memref_slice %arg9[%dma_wait3A_172, %dma_wait3A_173, %dma_wait3A_174] : memref<2x128x128xf32, #tpu.memory_space<vmem>> -> memref<1x128x128xf32, #tpu.memory_space<vmem>>
      %dma_wait3A_176 = tpu.memref_squeeze %dma_wait3A_175 : memref<1x128x128xf32, #tpu.memory_space<vmem>> -> memref<128x128xf32, #tpu.memory_space<vmem>>
      %dma_wait3A_177 = arith.constant 0 : i32
      %dma_wait3A_178 = tpu.memref_slice %arg7[%add3A_171, %dma_wait3A_177] : memref<40x128xi32, #tpu.memory_space<vmem>> -> memref<1x128xi32, #tpu.memory_space<vmem>>
      %dma_wait3A_179 = tpu.memref_squeeze %dma_wait3A_178 : memref<1x128xi32, #tpu.memory_space<vmem>> -> memref<128xi32, #tpu.memory_space<vmem>>
      %dma_wait3A_180 = arith.constant 0 : i32
      %dma_wait3A_181 = arith.constant 0 : i32
      %dma_wait3A_182 = tpu.memref_slice %arg2[%dma_wait3A_180, %dma_wait3A_181] : memref<10008x128xf32, #tpu.memory_space<hbm>> -> memref<10008x128xf32, #tpu.memory_space<hbm>>
      tpu.wait_indirect_dma semaphore(%arg12 : memref<!tpu.dma_semaphore, #tpu.memory_space<semaphore_mem>>) src(%dma_wait3A_182 : memref<10008x128xf32, #tpu.memory_space<hbm>>) dst(%dma_wait3A_176 : memref<128x128xf32, #tpu.memory_space<vmem>>)
      %run_scoped3A_183 = arith.constant 1 : i32
      "tpu.region"() ({
        %run_scoped3A_197 = tpu.sem_alloc : memref<!tpu.dma_semaphore, #tpu.memory_space<semaphore_mem>>
        %dma_start3A_198 = arith.constant 0 : i32
        %dma_start3A_199 = arith.constant 0 : i32
        %dma_start3A_200 = tpu.memref_slice %arg9[%run_scoped3A_183, %dma_start3A_198, %dma_start3A_199] : memref<2x128x128xf32, #tpu.memory_space<vmem>> -> memref<1x128x128xf32, #tpu.memory_space<vmem>>
        %dma_start3A_201 = tpu.memref_squeeze %dma_start3A_200 : memref<1x128x128xf32, #tpu.memory_space<vmem>> -> memref<128x128xf32, #tpu.memory_space<vmem>>
        %dma_start3A_202 = arith.constant 0 : i32
        %dma_start3A_203 = tpu.memref_slice %arg8[%add3A_171, %dma_start3A_202] : memref<40x128xi32, #tpu.memory_space<vmem>> -> memref<1x128xi32, #tpu.memory_space<vmem>>
        %dma_start3A_204 = tpu.memref_squeeze %dma_start3A_203 : memref<1x128xi32, #tpu.memory_space<vmem>> -> memref<128xi32, #tpu.memory_space<vmem>>
        %dma_start3A_205 = arith.constant 0 : i32
        %dma_start3A_206 = arith.constant 0 : i32
        %dma_start3A_207 = tpu.memref_slice %arg10[%dma_start3A_205, %dma_start3A_206] : memref<10008x128xf32, #tpu.memory_space<vmem_shared>> -> memref<10008x128xf32, #tpu.memory_space<vmem_shared>>
        tpu.enqueue_indirect_dma source(%dma_start3A_201 : memref<128x128xf32, #tpu.memory_space<vmem>>) target(%dma_start3A_207 : memref<10008x128xf32, #tpu.memory_space<vmem_shared>>) offsets(%dma_start3A_204 : memref<128xi32, #tpu.memory_space<vmem>>) semaphore(%run_scoped3A_197 : memref<!tpu.dma_semaphore, #tpu.memory_space<semaphore_mem>>) {add = true}
        %dma_wait3A_208 = arith.constant 0 : i32
        %dma_wait3A_209 = arith.constant 0 : i32
        %dma_wait3A_210 = tpu.memref_slice %arg9[%run_scoped3A_183, %dma_wait3A_208, %dma_wait3A_209] : memref<2x128x128xf32, #tpu.memory_space<vmem>> -> memref<1x128x128xf32, #tpu.memory_space<vmem>>
        %dma_wait3A_211 = tpu.memref_squeeze %dma_wait3A_210 : memref<1x128x128xf32, #tpu.memory_space<vmem>> -> memref<128x128xf32, #tpu.memory_space<vmem>>
        %dma_wait3A_212 = arith.constant 0 : i32
        %dma_wait3A_213 = tpu.memref_slice %arg8[%add3A_171, %dma_wait3A_212] : memref<40x128xi32, #tpu.memory_space<vmem>> -> memref<1x128xi32, #tpu.memory_space<vmem>>
        %dma_wait3A_214 = tpu.memref_squeeze %dma_wait3A_213 : memref<1x128xi32, #tpu.memory_space<vmem>> -> memref<128xi32, #tpu.memory_space<vmem>>
        %dma_wait3A_215 = arith.constant 0 : i32
        %dma_wait3A_216 = arith.constant 0 : i32
        %dma_wait3A_217 = tpu.memref_slice %arg10[%dma_wait3A_215, %dma_wait3A_216] : memref<10008x128xf32, #tpu.memory_space<vmem_shared>> -> memref<10008x128xf32, #tpu.memory_space<vmem_shared>>
        tpu.wait_indirect_dma semaphore(%run_scoped3A_197 : memref<!tpu.dma_semaphore, #tpu.memory_space<semaphore_mem>>) src(%dma_wait3A_211 : memref<128x128xf32, #tpu.memory_space<vmem>>) dst(%dma_wait3A_217 : memref<10008x128xf32, #tpu.memory_space<vmem_shared>>)
        tpu.yield
      }) : () -> ()
      %add3A_184 = arith.constant 2 : i32
      %add3A_185 = arith.addi %add3A_171, %add3A_184 : i32
      %dma_start3A_186 = arith.constant 1 : i32
      %dma_start3A_187 = arith.constant 0 : i32
      %dma_start3A_188 = arith.constant 0 : i32
      %dma_start3A_189 = tpu.memref_slice %arg9[%dma_start3A_186, %dma_start3A_187, %dma_start3A_188] : memref<2x128x128xf32, #tpu.memory_space<vmem>> -> memref<1x128x128xf32, #tpu.memory_space<vmem>>
      %dma_start3A_190 = tpu.memref_squeeze %dma_start3A_189 : memref<1x128x128xf32, #tpu.memory_space<vmem>> -> memref<128x128xf32, #tpu.memory_space<vmem>>
      %dma_start3A_191 = arith.constant 0 : i32
      %dma_start3A_192 = tpu.memref_slice %arg7[%add3A_185, %dma_start3A_191] : memref<40x128xi32, #tpu.memory_space<vmem>> -> memref<1x128xi32, #tpu.memory_space<vmem>>
      %dma_start3A_193 = tpu.memref_squeeze %dma_start3A_192 : memref<1x128xi32, #tpu.memory_space<vmem>> -> memref<128xi32, #tpu.memory_space<vmem>>
      %dma_start3A_194 = arith.constant 0 : i32
      %dma_start3A_195 = arith.constant 0 : i32
      %dma_start3A_196 = tpu.memref_slice %arg2[%dma_start3A_194, %dma_start3A_195] : memref<10008x128xf32, #tpu.memory_space<hbm>> -> memref<10008x128xf32, #tpu.memory_space<hbm>>
      tpu.enqueue_indirect_dma source(%dma_start3A_196 : memref<10008x128xf32, #tpu.memory_space<hbm>>) target(%dma_start3A_190 : memref<128x128xf32, #tpu.memory_space<vmem>>) offsets(%dma_start3A_193 : memref<128xi32, #tpu.memory_space<vmem>>) semaphore(%arg12 : memref<!tpu.dma_semaphore, #tpu.memory_space<semaphore_mem>>)
    }
    %scan3A_37 = arith.constant 19 : i32
    %dma_wait3A = arith.constant 38 : i32
    %dma_wait3A_38 = arith.constant 0 : i32
    %dma_wait3A_39 = arith.constant 0 : i32
    %dma_wait3A_40 = arith.constant 0 : i32
    %dma_wait3A_41 = tpu.memref_slice %arg9[%dma_wait3A_38, %dma_wait3A_39, %dma_wait3A_40] : memref<2x128x128xf32, #tpu.memory_space<vmem>> -> memref<1x128x128xf32, #tpu.memory_space<vmem>>
    %dma_wait3A_42 = tpu.memref_squeeze %dma_wait3A_41 : memref<1x128x128xf32, #tpu.memory_space<vmem>> -> memref<128x128xf32, #tpu.memory_space<vmem>>
    %dma_wait3A_43 = arith.constant 0 : i32
    %dma_wait3A_44 = tpu.memref_slice %arg7[%dma_wait3A, %dma_wait3A_43] : memref<40x128xi32, #tpu.memory_space<vmem>> -> memref<1x128xi32, #tpu.memory_space<vmem>>
    %dma_wait3A_45 = tpu.memref_squeeze %dma_wait3A_44 : memref<1x128xi32, #tpu.memory_space<vmem>> -> memref<128xi32, #tpu.memory_space<vmem>>
    %dma_wait3A_46 = arith.constant 0 : i32
    %dma_wait3A_47 = arith.constant 0 : i32
    %dma_wait3A_48 = tpu.memref_slice %arg2[%dma_wait3A_46, %dma_wait3A_47] : memref<10008x128xf32, #tpu.memory_space<hbm>> -> memref<10008x128xf32, #tpu.memory_space<hbm>>
    tpu.wait_indirect_dma semaphore(%arg11 : memref<!tpu.dma_semaphore, #tpu.memory_space<semaphore_mem>>) src(%dma_wait3A_48 : memref<10008x128xf32, #tpu.memory_space<hbm>>) dst(%dma_wait3A_42 : memref<128x128xf32, #tpu.memory_space<vmem>>)
    %run_scoped3A = arith.constant 0 : i32
    %run_scoped3A_49 = arith.constant 38 : i32
    "tpu.region"() ({
      %run_scoped3A_134 = tpu.sem_alloc : memref<!tpu.dma_semaphore, #tpu.memory_space<semaphore_mem>>
      %dma_start3A_135 = arith.constant 0 : i32
      %dma_start3A_136 = arith.constant 0 : i32
      %dma_start3A_137 = tpu.memref_slice %arg9[%run_scoped3A, %dma_start3A_135, %dma_start3A_136] : memref<2x128x128xf32, #tpu.memory_space<vmem>> -> memref<1x128x128xf32, #tpu.memory_space<vmem>>
      %dma_start3A_138 = tpu.memref_squeeze %dma_start3A_137 : memref<1x128x128xf32, #tpu.memory_space<vmem>> -> memref<128x128xf32, #tpu.memory_space<vmem>>
      %dma_start3A_139 = arith.constant 0 : i32
      %dma_start3A_140 = tpu.memref_slice %arg8[%run_scoped3A_49, %dma_start3A_139] : memref<40x128xi32, #tpu.memory_space<vmem>> -> memref<1x128xi32, #tpu.memory_space<vmem>>
      %dma_start3A_141 = tpu.memref_squeeze %dma_start3A_140 : memref<1x128xi32, #tpu.memory_space<vmem>> -> memref<128xi32, #tpu.memory_space<vmem>>
      %dma_start3A_142 = arith.constant 0 : i32
      %dma_start3A_143 = arith.constant 0 : i32
      %dma_start3A_144 = tpu.memref_slice %arg10[%dma_start3A_142, %dma_start3A_143] : memref<10008x128xf32, #tpu.memory_space<vmem_shared>> -> memref<10008x128xf32, #tpu.memory_space<vmem_shared>>
      tpu.enqueue_indirect_dma source(%dma_start3A_138 : memref<128x128xf32, #tpu.memory_space<vmem>>) target(%dma_start3A_144 : memref<10008x128xf32, #tpu.memory_space<vmem_shared>>) offsets(%dma_start3A_141 : memref<128xi32, #tpu.memory_space<vmem>>) semaphore(%run_scoped3A_134 : memref<!tpu.dma_semaphore, #tpu.memory_space<semaphore_mem>>) {add = true}
      %dma_wait3A_145 = arith.constant 0 : i32
      %dma_wait3A_146 = arith.constant 0 : i32
      %dma_wait3A_147 = tpu.memref_slice %arg9[%run_scoped3A, %dma_wait3A_145, %dma_wait3A_146] : memref<2x128x128xf32, #tpu.memory_space<vmem>> -> memref<1x128x128xf32, #tpu.memory_space<vmem>>
      %dma_wait3A_148 = tpu.memref_squeeze %dma_wait3A_147 : memref<1x128x128xf32, #tpu.memory_space<vmem>> -> memref<128x128xf32, #tpu.memory_space<vmem>>
      %dma_wait3A_149 = arith.constant 0 : i32
      %dma_wait3A_150 = tpu.memref_slice %arg8[%run_scoped3A_49, %dma_wait3A_149] : memref<40x128xi32, #tpu.memory_space<vmem>> -> memref<1x128xi32, #tpu.memory_space<vmem>>
      %dma_wait3A_151 = tpu.memref_squeeze %dma_wait3A_150 : memref<1x128xi32, #tpu.memory_space<vmem>> -> memref<128xi32, #tpu.memory_space<vmem>>
      %dma_wait3A_152 = arith.constant 0 : i32
      %dma_wait3A_153 = arith.constant 0 : i32
      %dma_wait3A_154 = tpu.memref_slice %arg10[%dma_wait3A_152, %dma_wait3A_153] : memref<10008x128xf32, #tpu.memory_space<vmem_shared>> -> memref<10008x128xf32, #tpu.memory_space<vmem_shared>>
      tpu.wait_indirect_dma semaphore(%run_scoped3A_134 : memref<!tpu.dma_semaphore, #tpu.memory_space<semaphore_mem>>) src(%dma_wait3A_148 : memref<128x128xf32, #tpu.memory_space<vmem>>) dst(%dma_wait3A_154 : memref<10008x128xf32, #tpu.memory_space<vmem_shared>>)
      tpu.yield
    }) : () -> ()
    %dma_wait3A_50 = arith.constant 39 : i32
    %dma_wait3A_51 = arith.constant 1 : i32
    %dma_wait3A_52 = arith.constant 0 : i32
    %dma_wait3A_53 = arith.constant 0 : i32
    %dma_wait3A_54 = tpu.memref_slice %arg9[%dma_wait3A_51, %dma_wait3A_52, %dma_wait3A_53] : memref<2x128x128xf32, #tpu.memory_space<vmem>> -> memref<1x128x128xf32, #tpu.memory_space<vmem>>
    %dma_wait3A_55 = tpu.memref_squeeze %dma_wait3A_54 : memref<1x128x128xf32, #tpu.memory_space<vmem>> -> memref<128x128xf32, #tpu.memory_space<vmem>>
    %dma_wait3A_56 = arith.constant 0 : i32
    %dma_wait3A_57 = tpu.memref_slice %arg7[%dma_wait3A_50, %dma_wait3A_56] : memref<40x128xi32, #tpu.memory_space<vmem>> -> memref<1x128xi32, #tpu.memory_space<vmem>>
    %dma_wait3A_58 = tpu.memref_squeeze %dma_wait3A_57 : memref<1x128xi32, #tpu.memory_space<vmem>> -> memref<128xi32, #tpu.memory_space<vmem>>
    %dma_wait3A_59 = arith.constant 0 : i32
    %dma_wait3A_60 = arith.constant 0 : i32
    %dma_wait3A_61 = tpu.memref_slice %arg2[%dma_wait3A_59, %dma_wait3A_60] : memref<10008x128xf32, #tpu.memory_space<hbm>> -> memref<10008x128xf32, #tpu.memory_space<hbm>>
    tpu.wait_indirect_dma semaphore(%arg12 : memref<!tpu.dma_semaphore, #tpu.memory_space<semaphore_mem>>) src(%dma_wait3A_61 : memref<10008x128xf32, #tpu.memory_space<hbm>>) dst(%dma_wait3A_55 : memref<128x128xf32, #tpu.memory_space<vmem>>)
    %run_scoped3A_62 = arith.constant 1 : i32
    %run_scoped3A_63 = arith.constant 39 : i32
    "tpu.region"() ({
      %run_scoped3A_134 = tpu.sem_alloc : memref<!tpu.dma_semaphore, #tpu.memory_space<semaphore_mem>>
      %dma_start3A_135 = arith.constant 0 : i32
      %dma_start3A_136 = arith.constant 0 : i32
      %dma_start3A_137 = tpu.memref_slice %arg9[%run_scoped3A_62, %dma_start3A_135, %dma_start3A_136] : memref<2x128x128xf32, #tpu.memory_space<vmem>> -> memref<1x128x128xf32, #tpu.memory_space<vmem>>
      %dma_start3A_138 = tpu.memref_squeeze %dma_start3A_137 : memref<1x128x128xf32, #tpu.memory_space<vmem>> -> memref<128x128xf32, #tpu.memory_space<vmem>>
      %dma_start3A_139 = arith.constant 0 : i32
      %dma_start3A_140 = tpu.memref_slice %arg8[%run_scoped3A_63, %dma_start3A_139] : memref<40x128xi32, #tpu.memory_space<vmem>> -> memref<1x128xi32, #tpu.memory_space<vmem>>
      %dma_start3A_141 = tpu.memref_squeeze %dma_start3A_140 : memref<1x128xi32, #tpu.memory_space<vmem>> -> memref<128xi32, #tpu.memory_space<vmem>>
      %dma_start3A_142 = arith.constant 0 : i32
      %dma_start3A_143 = arith.constant 0 : i32
      %dma_start3A_144 = tpu.memref_slice %arg10[%dma_start3A_142, %dma_start3A_143] : memref<10008x128xf32, #tpu.memory_space<vmem_shared>> -> memref<10008x128xf32, #tpu.memory_space<vmem_shared>>
      tpu.enqueue_indirect_dma source(%dma_start3A_138 : memref<128x128xf32, #tpu.memory_space<vmem>>) target(%dma_start3A_144 : memref<10008x128xf32, #tpu.memory_space<vmem_shared>>) offsets(%dma_start3A_141 : memref<128xi32, #tpu.memory_space<vmem>>) semaphore(%run_scoped3A_134 : memref<!tpu.dma_semaphore, #tpu.memory_space<semaphore_mem>>) {add = true}
      %dma_wait3A_145 = arith.constant 0 : i32
      %dma_wait3A_146 = arith.constant 0 : i32
      %dma_wait3A_147 = tpu.memref_slice %arg9[%run_scoped3A_62, %dma_wait3A_145, %dma_wait3A_146] : memref<2x128x128xf32, #tpu.memory_space<vmem>> -> memref<1x128x128xf32, #tpu.memory_space<vmem>>
      %dma_wait3A_148 = tpu.memref_squeeze %dma_wait3A_147 : memref<1x128x128xf32, #tpu.memory_space<vmem>> -> memref<128x128xf32, #tpu.memory_space<vmem>>
      %dma_wait3A_149 = arith.constant 0 : i32
      %dma_wait3A_150 = tpu.memref_slice %arg8[%run_scoped3A_63, %dma_wait3A_149] : memref<40x128xi32, #tpu.memory_space<vmem>> -> memref<1x128xi32, #tpu.memory_space<vmem>>
      %dma_wait3A_151 = tpu.memref_squeeze %dma_wait3A_150 : memref<1x128xi32, #tpu.memory_space<vmem>> -> memref<128xi32, #tpu.memory_space<vmem>>
      %dma_wait3A_152 = arith.constant 0 : i32
      %dma_wait3A_153 = arith.constant 0 : i32
      %dma_wait3A_154 = tpu.memref_slice %arg10[%dma_wait3A_152, %dma_wait3A_153] : memref<10008x128xf32, #tpu.memory_space<vmem_shared>> -> memref<10008x128xf32, #tpu.memory_space<vmem_shared>>
      tpu.wait_indirect_dma semaphore(%run_scoped3A_134 : memref<!tpu.dma_semaphore, #tpu.memory_space<semaphore_mem>>) src(%dma_wait3A_148 : memref<128x128xf32, #tpu.memory_space<vmem>>) dst(%dma_wait3A_154 : memref<10008x128xf32, #tpu.memory_space<vmem_shared>>)
      tpu.yield
    }) : () -> ()
    %add3A_64 = arith.constant 40 : i32
    %add3A_65 = arith.addi %mul3A_2, %add3A_64 : i32
    "tpu.region"() ({
      %run_scoped3A_134 = tpu.sem_alloc : memref<!tpu.dma_semaphore, #tpu.memory_space<semaphore_mem>>
      %dma_start3A_135 = arith.constant 0 : i32
      %dma_start3A_136 = tpu.memref_slice %arg3[%add3A_65, %dma_start3A_135] : memref<2560x128xi32, #tpu.memory_space<hbm>> -> memref<40x128xi32, #tpu.memory_space<hbm>>
      %dma_start3A_137 = arith.constant 0 : i32
      %dma_start3A_138 = tpu.memref_slice %arg3[%add3A_65, %dma_start3A_137] : memref<2560x128xi32, #tpu.memory_space<hbm>> -> memref<40x128xi32, #tpu.memory_space<hbm>>
      tpu.enqueue_dma source(%dma_start3A_138 : memref<40x128xi32, #tpu.memory_space<hbm>>) target(%arg7 : memref<40x128xi32, #tpu.memory_space<vmem>>) target_semaphore(%run_scoped3A_134 : memref<!tpu.dma_semaphore, #tpu.memory_space<semaphore_mem>>)
      %dma_wait3A_139 = arith.constant 0 : i32
      %dma_wait3A_140 = tpu.memref_slice %arg3[%add3A_65, %dma_wait3A_139] : memref<2560x128xi32, #tpu.memory_space<hbm>> -> memref<40x128xi32, #tpu.memory_space<hbm>>
      %dma_wait3A_141 = arith.constant 0 : i32
      %dma_wait3A_142 = tpu.memref_slice %arg3[%add3A_65, %dma_wait3A_141] : memref<2560x128xi32, #tpu.memory_space<hbm>> -> memref<40x128xi32, #tpu.memory_space<hbm>>
      tpu.wait_dma2 semaphore(%run_scoped3A_134 : memref<!tpu.dma_semaphore, #tpu.memory_space<semaphore_mem>>) src(%dma_wait3A_142 : memref<40x128xi32, #tpu.memory_space<hbm>>) dst(%arg7 : memref<40x128xi32, #tpu.memory_space<vmem>>)
      tpu.yield
    }) : () -> ()
    "tpu.region"() ({
      %run_scoped3A_134 = tpu.sem_alloc : memref<!tpu.dma_semaphore, #tpu.memory_space<semaphore_mem>>
      %dma_start3A_135 = arith.constant 0 : i32
      %dma_start3A_136 = tpu.memref_slice %arg4[%add3A_65, %dma_start3A_135] : memref<2560x128xi32, #tpu.memory_space<hbm>> -> memref<40x128xi32, #tpu.memory_space<hbm>>
      %dma_start3A_137 = arith.constant 0 : i32
      %dma_start3A_138 = tpu.memref_slice %arg4[%add3A_65, %dma_start3A_137] : memref<2560x128xi32, #tpu.memory_space<hbm>> -> memref<40x128xi32, #tpu.memory_space<hbm>>
      tpu.enqueue_dma source(%dma_start3A_138 : memref<40x128xi32, #tpu.memory_space<hbm>>) target(%arg8 : memref<40x128xi32, #tpu.memory_space<vmem>>) target_semaphore(%run_scoped3A_134 : memref<!tpu.dma_semaphore, #tpu.memory_space<semaphore_mem>>)
      %dma_wait3A_139 = arith.constant 0 : i32
      %dma_wait3A_140 = tpu.memref_slice %arg4[%add3A_65, %dma_wait3A_139] : memref<2560x128xi32, #tpu.memory_space<hbm>> -> memref<40x128xi32, #tpu.memory_space<hbm>>
      %dma_wait3A_141 = arith.constant 0 : i32
      %dma_wait3A_142 = tpu.memref_slice %arg4[%add3A_65, %dma_wait3A_141] : memref<2560x128xi32, #tpu.memory_space<hbm>> -> memref<40x128xi32, #tpu.memory_space<hbm>>
      tpu.wait_dma2 semaphore(%run_scoped3A_134 : memref<!tpu.dma_semaphore, #tpu.memory_space<semaphore_mem>>) src(%dma_wait3A_142 : memref<40x128xi32, #tpu.memory_space<hbm>>) dst(%arg8 : memref<40x128xi32, #tpu.memory_space<vmem>>)
      tpu.yield
    }) : () -> ()
    %dma_start3A_66 = arith.constant 0 : i32
    %dma_start3A_67 = arith.constant 0 : i32
    %dma_start3A_68 = arith.constant 0 : i32
    %dma_start3A_69 = arith.constant 0 : i32
    %dma_start3A_70 = tpu.memref_slice %arg9[%dma_start3A_67, %dma_start3A_68, %dma_start3A_69] : memref<2x128x128xf32, #tpu.memory_space<vmem>> -> memref<1x128x128xf32, #tpu.memory_space<vmem>>
    %dma_start3A_71 = tpu.memref_squeeze %dma_start3A_70 : memref<1x128x128xf32, #tpu.memory_space<vmem>> -> memref<128x128xf32, #tpu.memory_space<vmem>>
    %dma_start3A_72 = arith.constant 0 : i32
    %dma_start3A_73 = tpu.memref_slice %arg7[%dma_start3A_66, %dma_start3A_72] : memref<40x128xi32, #tpu.memory_space<vmem>> -> memref<1x128xi32, #tpu.memory_space<vmem>>
    %dma_start3A_74 = tpu.memref_squeeze %dma_start3A_73 : memref<1x128xi32, #tpu.memory_space<vmem>> -> memref<128xi32, #tpu.memory_space<vmem>>
    %dma_start3A_75 = arith.constant 0 : i32
    %dma_start3A_76 = arith.constant 0 : i32
    %dma_start3A_77 = tpu.memref_slice %arg2[%dma_start3A_75, %dma_start3A_76] : memref<10008x128xf32, #tpu.memory_space<hbm>> -> memref<10008x128xf32, #tpu.memory_space<hbm>>
    tpu.enqueue_indirect_dma source(%dma_start3A_77 : memref<10008x128xf32, #tpu.memory_space<hbm>>) target(%dma_start3A_71 : memref<128x128xf32, #tpu.memory_space<vmem>>) offsets(%dma_start3A_74 : memref<128xi32, #tpu.memory_space<vmem>>) semaphore(%arg11 : memref<!tpu.dma_semaphore, #tpu.memory_space<semaphore_mem>>)
    %dma_start3A_78 = arith.constant 1 : i32
    %dma_start3A_79 = arith.constant 1 : i32
    %dma_start3A_80 = arith.constant 0 : i32
    %dma_start3A_81 = arith.constant 0 : i32
    %dma_start3A_82 = tpu.memref_slice %arg9[%dma_start3A_79, %dma_start3A_80, %dma_start3A_81] : memref<2x128x128xf32, #tpu.memory_space<vmem>> -> memref<1x128x128xf32, #tpu.memory_space<vmem>>
    %dma_start3A_83 = tpu.memref_squeeze %dma_start3A_82 : memref<1x128x128xf32, #tpu.memory_space<vmem>> -> memref<128x128xf32, #tpu.memory_space<vmem>>
    %dma_start3A_84 = arith.constant 0 : i32
    %dma_start3A_85 = tpu.memref_slice %arg7[%dma_start3A_78, %dma_start3A_84] : memref<40x128xi32, #tpu.memory_space<vmem>> -> memref<1x128xi32, #tpu.memory_space<vmem>>
    %dma_start3A_86 = tpu.memref_squeeze %dma_start3A_85 : memref<1x128xi32, #tpu.memory_space<vmem>> -> memref<128xi32, #tpu.memory_space<vmem>>
    %dma_start3A_87 = arith.constant 0 : i32
    %dma_start3A_88 = arith.constant 0 : i32
    %dma_start3A_89 = tpu.memref_slice %arg2[%dma_start3A_87, %dma_start3A_88] : memref<10008x128xf32, #tpu.memory_space<hbm>> -> memref<10008x128xf32, #tpu.memory_space<hbm>>
    tpu.enqueue_indirect_dma source(%dma_start3A_89 : memref<10008x128xf32, #tpu.memory_space<hbm>>) target(%dma_start3A_83 : memref<128x128xf32, #tpu.memory_space<vmem>>) offsets(%dma_start3A_86 : memref<128xi32, #tpu.memory_space<vmem>>) semaphore(%arg12 : memref<!tpu.dma_semaphore, #tpu.memory_space<semaphore_mem>>)
    %scan3A_90 = arith.constant 0 : i32
    %scan3A_91 = arith.constant 19 : i32
    %scan3A_92 = arith.addi %scan3A_90, %scan3A_91 : i32
    %scan3A_93 = arith.constant 1 : i32
    scf.for %scan3A_134 = %scan3A_90 to %scan3A_92 step %scan3A_93  : i32 {
      %mul3A_135 = arith.constant 1 : i32
      %mul3A_136 = arith.muli %scan3A_134, %mul3A_135 : i32
      %add3A_137 = arith.constant 0 : i32
      %add3A_138 = arith.addi %add3A_137, %mul3A_136 : i32
      %mul3A_139 = arith.constant 2 : i32
      %mul3A_140 = arith.muli %add3A_138, %mul3A_139 : i32
      %add3A_141 = arith.constant 0 : i32
      %add3A_142 = arith.addi %mul3A_140, %add3A_141 : i32
      %dma_wait3A_143 = arith.constant 0 : i32
      %dma_wait3A_144 = arith.constant 0 : i32
      %dma_wait3A_145 = arith.constant 0 : i32
      %dma_wait3A_146 = tpu.memref_slice %arg9[%dma_wait3A_143, %dma_wait3A_144, %dma_wait3A_145] : memref<2x128x128xf32, #tpu.memory_space<vmem>> -> memref<1x128x128xf32, #tpu.memory_space<vmem>>
      %dma_wait3A_147 = tpu.memref_squeeze %dma_wait3A_146 : memref<1x128x128xf32, #tpu.memory_space<vmem>> -> memref<128x128xf32, #tpu.memory_space<vmem>>
      %dma_wait3A_148 = arith.constant 0 : i32
      %dma_wait3A_149 = tpu.memref_slice %arg7[%add3A_142, %dma_wait3A_148] : memref<40x128xi32, #tpu.memory_space<vmem>> -> memref<1x128xi32, #tpu.memory_space<vmem>>
      %dma_wait3A_150 = tpu.memref_squeeze %dma_wait3A_149 : memref<1x128xi32, #tpu.memory_space<vmem>> -> memref<128xi32, #tpu.memory_space<vmem>>
      %dma_wait3A_151 = arith.constant 0 : i32
      %dma_wait3A_152 = arith.constant 0 : i32
      %dma_wait3A_153 = tpu.memref_slice %arg2[%dma_wait3A_151, %dma_wait3A_152] : memref<10008x128xf32, #tpu.memory_space<hbm>> -> memref<10008x128xf32, #tpu.memory_space<hbm>>
      tpu.wait_indirect_dma semaphore(%arg11 : memref<!tpu.dma_semaphore, #tpu.memory_space<semaphore_mem>>) src(%dma_wait3A_153 : memref<10008x128xf32, #tpu.memory_space<hbm>>) dst(%dma_wait3A_147 : memref<128x128xf32, #tpu.memory_space<vmem>>)
      %run_scoped3A_154 = arith.constant 0 : i32
      "tpu.region"() ({
        %run_scoped3A_197 = tpu.sem_alloc : memref<!tpu.dma_semaphore, #tpu.memory_space<semaphore_mem>>
        %dma_start3A_198 = arith.constant 0 : i32
        %dma_start3A_199 = arith.constant 0 : i32
        %dma_start3A_200 = tpu.memref_slice %arg9[%run_scoped3A_154, %dma_start3A_198, %dma_start3A_199] : memref<2x128x128xf32, #tpu.memory_space<vmem>> -> memref<1x128x128xf32, #tpu.memory_space<vmem>>
        %dma_start3A_201 = tpu.memref_squeeze %dma_start3A_200 : memref<1x128x128xf32, #tpu.memory_space<vmem>> -> memref<128x128xf32, #tpu.memory_space<vmem>>
        %dma_start3A_202 = arith.constant 0 : i32
        %dma_start3A_203 = tpu.memref_slice %arg8[%add3A_142, %dma_start3A_202] : memref<40x128xi32, #tpu.memory_space<vmem>> -> memref<1x128xi32, #tpu.memory_space<vmem>>
        %dma_start3A_204 = tpu.memref_squeeze %dma_start3A_203 : memref<1x128xi32, #tpu.memory_space<vmem>> -> memref<128xi32, #tpu.memory_space<vmem>>
        %dma_start3A_205 = arith.constant 0 : i32
        %dma_start3A_206 = arith.constant 0 : i32
        %dma_start3A_207 = tpu.memref_slice %arg10[%dma_start3A_205, %dma_start3A_206] : memref<10008x128xf32, #tpu.memory_space<vmem_shared>> -> memref<10008x128xf32, #tpu.memory_space<vmem_shared>>
        tpu.enqueue_indirect_dma source(%dma_start3A_201 : memref<128x128xf32, #tpu.memory_space<vmem>>) target(%dma_start3A_207 : memref<10008x128xf32, #tpu.memory_space<vmem_shared>>) offsets(%dma_start3A_204 : memref<128xi32, #tpu.memory_space<vmem>>) semaphore(%run_scoped3A_197 : memref<!tpu.dma_semaphore, #tpu.memory_space<semaphore_mem>>) {add = true}
        %dma_wait3A_208 = arith.constant 0 : i32
        %dma_wait3A_209 = arith.constant 0 : i32
        %dma_wait3A_210 = tpu.memref_slice %arg9[%run_scoped3A_154, %dma_wait3A_208, %dma_wait3A_209] : memref<2x128x128xf32, #tpu.memory_space<vmem>> -> memref<1x128x128xf32, #tpu.memory_space<vmem>>
        %dma_wait3A_211 = tpu.memref_squeeze %dma_wait3A_210 : memref<1x128x128xf32, #tpu.memory_space<vmem>> -> memref<128x128xf32, #tpu.memory_space<vmem>>
        %dma_wait3A_212 = arith.constant 0 : i32
        %dma_wait3A_213 = tpu.memref_slice %arg8[%add3A_142, %dma_wait3A_212] : memref<40x128xi32, #tpu.memory_space<vmem>> -> memref<1x128xi32, #tpu.memory_space<vmem>>
        %dma_wait3A_214 = tpu.memref_squeeze %dma_wait3A_213 : memref<1x128xi32, #tpu.memory_space<vmem>> -> memref<128xi32, #tpu.memory_space<vmem>>
        %dma_wait3A_215 = arith.constant 0 : i32
        %dma_wait3A_216 = arith.constant 0 : i32
        %dma_wait3A_217 = tpu.memref_slice %arg10[%dma_wait3A_215, %dma_wait3A_216] : memref<10008x128xf32, #tpu.memory_space<vmem_shared>> -> memref<10008x128xf32, #tpu.memory_space<vmem_shared>>
        tpu.wait_indirect_dma semaphore(%run_scoped3A_197 : memref<!tpu.dma_semaphore, #tpu.memory_space<semaphore_mem>>) src(%dma_wait3A_211 : memref<128x128xf32, #tpu.memory_space<vmem>>) dst(%dma_wait3A_217 : memref<10008x128xf32, #tpu.memory_space<vmem_shared>>)
        tpu.yield
      }) : () -> ()
      %add3A_155 = arith.constant 2 : i32
      %add3A_156 = arith.addi %add3A_142, %add3A_155 : i32
      %dma_start3A_157 = arith.constant 0 : i32
      %dma_start3A_158 = arith.constant 0 : i32
      %dma_start3A_159 = arith.constant 0 : i32
      %dma_start3A_160 = tpu.memref_slice %arg9[%dma_start3A_157, %dma_start3A_158, %dma_start3A_159] : memref<2x128x128xf32, #tpu.memory_space<vmem>> -> memref<1x128x128xf32, #tpu.memory_space<vmem>>
      %dma_start3A_161 = tpu.memref_squeeze %dma_start3A_160 : memref<1x128x128xf32, #tpu.memory_space<vmem>> -> memref<128x128xf32, #tpu.memory_space<vmem>>
      %dma_start3A_162 = arith.constant 0 : i32
      %dma_start3A_163 = tpu.memref_slice %arg7[%add3A_156, %dma_start3A_162] : memref<40x128xi32, #tpu.memory_space<vmem>> -> memref<1x128xi32, #tpu.memory_space<vmem>>
      %dma_start3A_164 = tpu.memref_squeeze %dma_start3A_163 : memref<1x128xi32, #tpu.memory_space<vmem>> -> memref<128xi32, #tpu.memory_space<vmem>>
      %dma_start3A_165 = arith.constant 0 : i32
      %dma_start3A_166 = arith.constant 0 : i32
      %dma_start3A_167 = tpu.memref_slice %arg2[%dma_start3A_165, %dma_start3A_166] : memref<10008x128xf32, #tpu.memory_space<hbm>> -> memref<10008x128xf32, #tpu.memory_space<hbm>>
      tpu.enqueue_indirect_dma source(%dma_start3A_167 : memref<10008x128xf32, #tpu.memory_space<hbm>>) target(%dma_start3A_161 : memref<128x128xf32, #tpu.memory_space<vmem>>) offsets(%dma_start3A_164 : memref<128xi32, #tpu.memory_space<vmem>>) semaphore(%arg11 : memref<!tpu.dma_semaphore, #tpu.memory_space<semaphore_mem>>)
      %mul3A_168 = arith.constant 2 : i32
      %mul3A_169 = arith.muli %add3A_138, %mul3A_168 : i32
      %add3A_170 = arith.constant 1 : i32
      %add3A_171 = arith.addi %mul3A_169, %add3A_170 : i32
      %dma_wait3A_172 = arith.constant 1 : i32
      %dma_wait3A_173 = arith.constant 0 : i32
      %dma_wait3A_174 = arith.constant 0 : i32
      %dma_wait3A_175 = tpu.memref_slice %arg9[%dma_wait3A_172, %dma_wait3A_173, %dma_wait3A_174] : memref<2x128x128xf32, #tpu.memory_space<vmem>> -> memref<1x128x128xf32, #tpu.memory_space<vmem>>
      %dma_wait3A_176 = tpu.memref_squeeze %dma_wait3A_175 : memref<1x128x128xf32, #tpu.memory_space<vmem>> -> memref<128x128xf32, #tpu.memory_space<vmem>>
      %dma_wait3A_177 = arith.constant 0 : i32
      %dma_wait3A_178 = tpu.memref_slice %arg7[%add3A_171, %dma_wait3A_177] : memref<40x128xi32, #tpu.memory_space<vmem>> -> memref<1x128xi32, #tpu.memory_space<vmem>>
      %dma_wait3A_179 = tpu.memref_squeeze %dma_wait3A_178 : memref<1x128xi32, #tpu.memory_space<vmem>> -> memref<128xi32, #tpu.memory_space<vmem>>
      %dma_wait3A_180 = arith.constant 0 : i32
      %dma_wait3A_181 = arith.constant 0 : i32
      %dma_wait3A_182 = tpu.memref_slice %arg2[%dma_wait3A_180, %dma_wait3A_181] : memref<10008x128xf32, #tpu.memory_space<hbm>> -> memref<10008x128xf32, #tpu.memory_space<hbm>>
      tpu.wait_indirect_dma semaphore(%arg12 : memref<!tpu.dma_semaphore, #tpu.memory_space<semaphore_mem>>) src(%dma_wait3A_182 : memref<10008x128xf32, #tpu.memory_space<hbm>>) dst(%dma_wait3A_176 : memref<128x128xf32, #tpu.memory_space<vmem>>)
      %run_scoped3A_183 = arith.constant 1 : i32
      "tpu.region"() ({
        %run_scoped3A_197 = tpu.sem_alloc : memref<!tpu.dma_semaphore, #tpu.memory_space<semaphore_mem>>
        %dma_start3A_198 = arith.constant 0 : i32
        %dma_start3A_199 = arith.constant 0 : i32
        %dma_start3A_200 = tpu.memref_slice %arg9[%run_scoped3A_183, %dma_start3A_198, %dma_start3A_199] : memref<2x128x128xf32, #tpu.memory_space<vmem>> -> memref<1x128x128xf32, #tpu.memory_space<vmem>>
        %dma_start3A_201 = tpu.memref_squeeze %dma_start3A_200 : memref<1x128x128xf32, #tpu.memory_space<vmem>> -> memref<128x128xf32, #tpu.memory_space<vmem>>
        %dma_start3A_202 = arith.constant 0 : i32
        %dma_start3A_203 = tpu.memref_slice %arg8[%add3A_171, %dma_start3A_202] : memref<40x128xi32, #tpu.memory_space<vmem>> -> memref<1x128xi32, #tpu.memory_space<vmem>>
        %dma_start3A_204 = tpu.memref_squeeze %dma_start3A_203 : memref<1x128xi32, #tpu.memory_space<vmem>> -> memref<128xi32, #tpu.memory_space<vmem>>
        %dma_start3A_205 = arith.constant 0 : i32
        %dma_start3A_206 = arith.constant 0 : i32
        %dma_start3A_207 = tpu.memref_slice %arg10[%dma_start3A_205, %dma_start3A_206] : memref<10008x128xf32, #tpu.memory_space<vmem_shared>> -> memref<10008x128xf32, #tpu.memory_space<vmem_shared>>
        tpu.enqueue_indirect_dma source(%dma_start3A_201 : memref<128x128xf32, #tpu.memory_space<vmem>>) target(%dma_start3A_207 : memref<10008x128xf32, #tpu.memory_space<vmem_shared>>) offsets(%dma_start3A_204 : memref<128xi32, #tpu.memory_space<vmem>>) semaphore(%run_scoped3A_197 : memref<!tpu.dma_semaphore, #tpu.memory_space<semaphore_mem>>) {add = true}
        %dma_wait3A_208 = arith.constant 0 : i32
        %dma_wait3A_209 = arith.constant 0 : i32
        %dma_wait3A_210 = tpu.memref_slice %arg9[%run_scoped3A_183, %dma_wait3A_208, %dma_wait3A_209] : memref<2x128x128xf32, #tpu.memory_space<vmem>> -> memref<1x128x128xf32, #tpu.memory_space<vmem>>
        %dma_wait3A_211 = tpu.memref_squeeze %dma_wait3A_210 : memref<1x128x128xf32, #tpu.memory_space<vmem>> -> memref<128x128xf32, #tpu.memory_space<vmem>>
        %dma_wait3A_212 = arith.constant 0 : i32
        %dma_wait3A_213 = tpu.memref_slice %arg8[%add3A_171, %dma_wait3A_212] : memref<40x128xi32, #tpu.memory_space<vmem>> -> memref<1x128xi32, #tpu.memory_space<vmem>>
        %dma_wait3A_214 = tpu.memref_squeeze %dma_wait3A_213 : memref<1x128xi32, #tpu.memory_space<vmem>> -> memref<128xi32, #tpu.memory_space<vmem>>
        %dma_wait3A_215 = arith.constant 0 : i32
        %dma_wait3A_216 = arith.constant 0 : i32
        %dma_wait3A_217 = tpu.memref_slice %arg10[%dma_wait3A_215, %dma_wait3A_216] : memref<10008x128xf32, #tpu.memory_space<vmem_shared>> -> memref<10008x128xf32, #tpu.memory_space<vmem_shared>>
        tpu.wait_indirect_dma semaphore(%run_scoped3A_197 : memref<!tpu.dma_semaphore, #tpu.memory_space<semaphore_mem>>) src(%dma_wait3A_211 : memref<128x128xf32, #tpu.memory_space<vmem>>) dst(%dma_wait3A_217 : memref<10008x128xf32, #tpu.memory_space<vmem_shared>>)
        tpu.yield
      }) : () -> ()
      %add3A_184 = arith.constant 2 : i32
      %add3A_185 = arith.addi %add3A_171, %add3A_184 : i32
      %dma_start3A_186 = arith.constant 1 : i32
      %dma_start3A_187 = arith.constant 0 : i32
      %dma_start3A_188 = arith.constant 0 : i32
      %dma_start3A_189 = tpu.memref_slice %arg9[%dma_start3A_186, %dma_start3A_187, %dma_start3A_188] : memref<2x128x128xf32, #tpu.memory_space<vmem>> -> memref<1x128x128xf32, #tpu.memory_space<vmem>>
      %dma_start3A_190 = tpu.memref_squeeze %dma_start3A_189 : memref<1x128x128xf32, #tpu.memory_space<vmem>> -> memref<128x128xf32, #tpu.memory_space<vmem>>
      %dma_start3A_191 = arith.constant 0 : i32
      %dma_start3A_192 = tpu.memref_slice %arg7[%add3A_185, %dma_start3A_191] : memref<40x128xi32, #tpu.memory_space<vmem>> -> memref<1x128xi32, #tpu.memory_space<vmem>>
      %dma_start3A_193 = tpu.memref_squeeze %dma_start3A_192 : memref<1x128xi32, #tpu.memory_space<vmem>> -> memref<128xi32, #tpu.memory_space<vmem>>
      %dma_start3A_194 = arith.constant 0 : i32
      %dma_start3A_195 = arith.constant 0 : i32
      %dma_start3A_196 = tpu.memref_slice %arg2[%dma_start3A_194, %dma_start3A_195] : memref<10008x128xf32, #tpu.memory_space<hbm>> -> memref<10008x128xf32, #tpu.memory_space<hbm>>
      tpu.enqueue_indirect_dma source(%dma_start3A_196 : memref<10008x128xf32, #tpu.memory_space<hbm>>) target(%dma_start3A_190 : memref<128x128xf32, #tpu.memory_space<vmem>>) offsets(%dma_start3A_193 : memref<128xi32, #tpu.memory_space<vmem>>) semaphore(%arg12 : memref<!tpu.dma_semaphore, #tpu.memory_space<semaphore_mem>>)
    }
    %scan3A_94 = arith.constant 19 : i32
    %dma_wait3A_95 = arith.constant 38 : i32
    %dma_wait3A_96 = arith.constant 0 : i32
    %dma_wait3A_97 = arith.constant 0 : i32
    %dma_wait3A_98 = arith.constant 0 : i32
    %dma_wait3A_99 = tpu.memref_slice %arg9[%dma_wait3A_96, %dma_wait3A_97, %dma_wait3A_98] : memref<2x128x128xf32, #tpu.memory_space<vmem>> -> memref<1x128x128xf32, #tpu.memory_space<vmem>>
    %dma_wait3A_100 = tpu.memref_squeeze %dma_wait3A_99 : memref<1x128x128xf32, #tpu.memory_space<vmem>> -> memref<128x128xf32, #tpu.memory_space<vmem>>
    %dma_wait3A_101 = arith.constant 0 : i32
    %dma_wait3A_102 = tpu.memref_slice %arg7[%dma_wait3A_95, %dma_wait3A_101] : memref<40x128xi32, #tpu.memory_space<vmem>> -> memref<1x128xi32, #tpu.memory_space<vmem>>
    %dma_wait3A_103 = tpu.memref_squeeze %dma_wait3A_102 : memref<1x128xi32, #tpu.memory_space<vmem>> -> memref<128xi32, #tpu.memory_space<vmem>>
    %dma_wait3A_104 = arith.constant 0 : i32
    %dma_wait3A_105 = arith.constant 0 : i32
    %dma_wait3A_106 = tpu.memref_slice %arg2[%dma_wait3A_104, %dma_wait3A_105] : memref<10008x128xf32, #tpu.memory_space<hbm>> -> memref<10008x128xf32, #tpu.memory_space<hbm>>
    tpu.wait_indirect_dma semaphore(%arg11 : memref<!tpu.dma_semaphore, #tpu.memory_space<semaphore_mem>>) src(%dma_wait3A_106 : memref<10008x128xf32, #tpu.memory_space<hbm>>) dst(%dma_wait3A_100 : memref<128x128xf32, #tpu.memory_space<vmem>>)
    %run_scoped3A_107 = arith.constant 0 : i32
    %run_scoped3A_108 = arith.constant 38 : i32
    "tpu.region"() ({
      %run_scoped3A_134 = tpu.sem_alloc : memref<!tpu.dma_semaphore, #tpu.memory_space<semaphore_mem>>
      %dma_start3A_135 = arith.constant 0 : i32
      %dma_start3A_136 = arith.constant 0 : i32
      %dma_start3A_137 = tpu.memref_slice %arg9[%run_scoped3A_107, %dma_start3A_135, %dma_start3A_136] : memref<2x128x128xf32, #tpu.memory_space<vmem>> -> memref<1x128x128xf32, #tpu.memory_space<vmem>>
      %dma_start3A_138 = tpu.memref_squeeze %dma_start3A_137 : memref<1x128x128xf32, #tpu.memory_space<vmem>> -> memref<128x128xf32, #tpu.memory_space<vmem>>
      %dma_start3A_139 = arith.constant 0 : i32
      %dma_start3A_140 = tpu.memref_slice %arg8[%run_scoped3A_108, %dma_start3A_139] : memref<40x128xi32, #tpu.memory_space<vmem>> -> memref<1x128xi32, #tpu.memory_space<vmem>>
      %dma_start3A_141 = tpu.memref_squeeze %dma_start3A_140 : memref<1x128xi32, #tpu.memory_space<vmem>> -> memref<128xi32, #tpu.memory_space<vmem>>
      %dma_start3A_142 = arith.constant 0 : i32
      %dma_start3A_143 = arith.constant 0 : i32
      %dma_start3A_144 = tpu.memref_slice %arg10[%dma_start3A_142, %dma_start3A_143] : memref<10008x128xf32, #tpu.memory_space<vmem_shared>> -> memref<10008x128xf32, #tpu.memory_space<vmem_shared>>
      tpu.enqueue_indirect_dma source(%dma_start3A_138 : memref<128x128xf32, #tpu.memory_space<vmem>>) target(%dma_start3A_144 : memref<10008x128xf32, #tpu.memory_space<vmem_shared>>) offsets(%dma_start3A_141 : memref<128xi32, #tpu.memory_space<vmem>>) semaphore(%run_scoped3A_134 : memref<!tpu.dma_semaphore, #tpu.memory_space<semaphore_mem>>) {add = true}
      %dma_wait3A_145 = arith.constant 0 : i32
      %dma_wait3A_146 = arith.constant 0 : i32
      %dma_wait3A_147 = tpu.memref_slice %arg9[%run_scoped3A_107, %dma_wait3A_145, %dma_wait3A_146] : memref<2x128x128xf32, #tpu.memory_space<vmem>> -> memref<1x128x128xf32, #tpu.memory_space<vmem>>
      %dma_wait3A_148 = tpu.memref_squeeze %dma_wait3A_147 : memref<1x128x128xf32, #tpu.memory_space<vmem>> -> memref<128x128xf32, #tpu.memory_space<vmem>>
      %dma_wait3A_149 = arith.constant 0 : i32
      %dma_wait3A_150 = tpu.memref_slice %arg8[%run_scoped3A_108, %dma_wait3A_149] : memref<40x128xi32, #tpu.memory_space<vmem>> -> memref<1x128xi32, #tpu.memory_space<vmem>>
      %dma_wait3A_151 = tpu.memref_squeeze %dma_wait3A_150 : memref<1x128xi32, #tpu.memory_space<vmem>> -> memref<128xi32, #tpu.memory_space<vmem>>
      %dma_wait3A_152 = arith.constant 0 : i32
      %dma_wait3A_153 = arith.constant 0 : i32
      %dma_wait3A_154 = tpu.memref_slice %arg10[%dma_wait3A_152, %dma_wait3A_153] : memref<10008x128xf32, #tpu.memory_space<vmem_shared>> -> memref<10008x128xf32, #tpu.memory_space<vmem_shared>>
      tpu.wait_indirect_dma semaphore(%run_scoped3A_134 : memref<!tpu.dma_semaphore, #tpu.memory_space<semaphore_mem>>) src(%dma_wait3A_148 : memref<128x128xf32, #tpu.memory_space<vmem>>) dst(%dma_wait3A_154 : memref<10008x128xf32, #tpu.memory_space<vmem_shared>>)
      tpu.yield
    }) : () -> ()
    %dma_wait3A_109 = arith.constant 39 : i32
    %dma_wait3A_110 = arith.constant 1 : i32
    %dma_wait3A_111 = arith.constant 0 : i32
    %dma_wait3A_112 = arith.constant 0 : i32
    %dma_wait3A_113 = tpu.memref_slice %arg9[%dma_wait3A_110, %dma_wait3A_111, %dma_wait3A_112] : memref<2x128x128xf32, #tpu.memory_space<vmem>> -> memref<1x128x128xf32, #tpu.memory_space<vmem>>
    %dma_wait3A_114 = tpu.memref_squeeze %dma_wait3A_113 : memref<1x128x128xf32, #tpu.memory_space<vmem>> -> memref<128x128xf32, #tpu.memory_space<vmem>>
    %dma_wait3A_115 = arith.constant 0 : i32
    %dma_wait3A_116 = tpu.memref_slice %arg7[%dma_wait3A_109, %dma_wait3A_115] : memref<40x128xi32, #tpu.memory_space<vmem>> -> memref<1x128xi32, #tpu.memory_space<vmem>>
    %dma_wait3A_117 = tpu.memref_squeeze %dma_wait3A_116 : memref<1x128xi32, #tpu.memory_space<vmem>> -> memref<128xi32, #tpu.memory_space<vmem>>
    %dma_wait3A_118 = arith.constant 0 : i32
    %dma_wait3A_119 = arith.constant 0 : i32
    %dma_wait3A_120 = tpu.memref_slice %arg2[%dma_wait3A_118, %dma_wait3A_119] : memref<10008x128xf32, #tpu.memory_space<hbm>> -> memref<10008x128xf32, #tpu.memory_space<hbm>>
    tpu.wait_indirect_dma semaphore(%arg12 : memref<!tpu.dma_semaphore, #tpu.memory_space<semaphore_mem>>) src(%dma_wait3A_120 : memref<10008x128xf32, #tpu.memory_space<hbm>>) dst(%dma_wait3A_114 : memref<128x128xf32, #tpu.memory_space<vmem>>)
    %run_scoped3A_121 = arith.constant 1 : i32
    %run_scoped3A_122 = arith.constant 39 : i32
    "tpu.region"() ({
      %run_scoped3A_134 = tpu.sem_alloc : memref<!tpu.dma_semaphore, #tpu.memory_space<semaphore_mem>>
      %dma_start3A_135 = arith.constant 0 : i32
      %dma_start3A_136 = arith.constant 0 : i32
      %dma_start3A_137 = tpu.memref_slice %arg9[%run_scoped3A_121, %dma_start3A_135, %dma_start3A_136] : memref<2x128x128xf32, #tpu.memory_space<vmem>> -> memref<1x128x128xf32, #tpu.memory_space<vmem>>
      %dma_start3A_138 = tpu.memref_squeeze %dma_start3A_137 : memref<1x128x128xf32, #tpu.memory_space<vmem>> -> memref<128x128xf32, #tpu.memory_space<vmem>>
      %dma_start3A_139 = arith.constant 0 : i32
      %dma_start3A_140 = tpu.memref_slice %arg8[%run_scoped3A_122, %dma_start3A_139] : memref<40x128xi32, #tpu.memory_space<vmem>> -> memref<1x128xi32, #tpu.memory_space<vmem>>
      %dma_start3A_141 = tpu.memref_squeeze %dma_start3A_140 : memref<1x128xi32, #tpu.memory_space<vmem>> -> memref<128xi32, #tpu.memory_space<vmem>>
      %dma_start3A_142 = arith.constant 0 : i32
      %dma_start3A_143 = arith.constant 0 : i32
      %dma_start3A_144 = tpu.memref_slice %arg10[%dma_start3A_142, %dma_start3A_143] : memref<10008x128xf32, #tpu.memory_space<vmem_shared>> -> memref<10008x128xf32, #tpu.memory_space<vmem_shared>>
      tpu.enqueue_indirect_dma source(%dma_start3A_138 : memref<128x128xf32, #tpu.memory_space<vmem>>) target(%dma_start3A_144 : memref<10008x128xf32, #tpu.memory_space<vmem_shared>>) offsets(%dma_start3A_141 : memref<128xi32, #tpu.memory_space<vmem>>) semaphore(%run_scoped3A_134 : memref<!tpu.dma_semaphore, #tpu.memory_space<semaphore_mem>>) {add = true}
      %dma_wait3A_145 = arith.constant 0 : i32
      %dma_wait3A_146 = arith.constant 0 : i32
      %dma_wait3A_147 = tpu.memref_slice %arg9[%run_scoped3A_121, %dma_wait3A_145, %dma_wait3A_146] : memref<2x128x128xf32, #tpu.memory_space<vmem>> -> memref<1x128x128xf32, #tpu.memory_space<vmem>>
      %dma_wait3A_148 = tpu.memref_squeeze %dma_wait3A_147 : memref<1x128x128xf32, #tpu.memory_space<vmem>> -> memref<128x128xf32, #tpu.memory_space<vmem>>
      %dma_wait3A_149 = arith.constant 0 : i32
      %dma_wait3A_150 = tpu.memref_slice %arg8[%run_scoped3A_122, %dma_wait3A_149] : memref<40x128xi32, #tpu.memory_space<vmem>> -> memref<1x128xi32, #tpu.memory_space<vmem>>
      %dma_wait3A_151 = tpu.memref_squeeze %dma_wait3A_150 : memref<1x128xi32, #tpu.memory_space<vmem>> -> memref<128xi32, #tpu.memory_space<vmem>>
      %dma_wait3A_152 = arith.constant 0 : i32
      %dma_wait3A_153 = arith.constant 0 : i32
      %dma_wait3A_154 = tpu.memref_slice %arg10[%dma_wait3A_152, %dma_wait3A_153] : memref<10008x128xf32, #tpu.memory_space<vmem_shared>> -> memref<10008x128xf32, #tpu.memory_space<vmem_shared>>
      tpu.wait_indirect_dma semaphore(%run_scoped3A_134 : memref<!tpu.dma_semaphore, #tpu.memory_space<semaphore_mem>>) src(%dma_wait3A_148 : memref<128x128xf32, #tpu.memory_space<vmem>>) dst(%dma_wait3A_154 : memref<10008x128xf32, #tpu.memory_space<vmem_shared>>)
      tpu.yield
    }) : () -> ()
    %barrier3A_123 = arith.constant 0 : index
    tpu.barrier barrier_id(%barrier3A_123)
    %lt3A_124 = arith.constant 15 : i32
    %lt3A_125 = arith.cmpi slt, %arg1, %lt3A_124 : i32
    %convert_element_type3A_126 = arith.extui %lt3A_125 : i1 to i32
    %cond3A_127 = arith.constant 0 : i32
    %cond3A_128 = arith.cmpi ne, %convert_element_type3A_126, %cond3A_127 : i32
    scf.if %cond3A_128 {
      %mul3A_134 = arith.constant 632 : i32
      %mul3A_135 = arith.muli %arg1, %mul3A_134 : i32
      %mul3A_136 = arith.constant 632 : i32
      %mul3A_137 = arith.muli %arg1, %mul3A_136 : i32
      "tpu.region"() ({
        %run_scoped3A_138 = tpu.sem_alloc : memref<!tpu.dma_semaphore, #tpu.memory_space<semaphore_mem>>
        %dma_start3A_139 = arith.constant 0 : i32
        %dma_start3A_140 = tpu.memref_slice %arg6[%arg0, %mul3A_137, %dma_start3A_139] : memref<2x10000x128xf32, #tpu.memory_space<hbm>> -> memref<1x632x128xf32, #tpu.memory_space<hbm>>
        %dma_start3A_141 = tpu.memref_squeeze %dma_start3A_140 : memref<1x632x128xf32, #tpu.memory_space<hbm>> -> memref<632x128xf32, #tpu.memory_space<hbm>>
        %dma_start3A_142 = arith.constant 0 : i32
        %dma_start3A_143 = tpu.memref_slice %arg10[%mul3A_135, %dma_start3A_142] : memref<10008x128xf32, #tpu.memory_space<vmem_shared>> -> memref<632x128xf32, #tpu.memory_space<vmem_shared>>
        tpu.enqueue_dma source(%dma_start3A_143 : memref<632x128xf32, #tpu.memory_space<vmem_shared>>) target(%dma_start3A_141 : memref<632x128xf32, #tpu.memory_space<hbm>>) target_semaphore(%run_scoped3A_138 : memref<!tpu.dma_semaphore, #tpu.memory_space<semaphore_mem>>)
        %dma_wait3A_144 = arith.constant 0 : i32
        %dma_wait3A_145 = tpu.memref_slice %arg6[%arg0, %mul3A_137, %dma_wait3A_144] : memref<2x10000x128xf32, #tpu.memory_space<hbm>> -> memref<1x632x128xf32, #tpu.memory_space<hbm>>
        %dma_wait3A_146 = tpu.memref_squeeze %dma_wait3A_145 : memref<1x632x128xf32, #tpu.memory_space<hbm>> -> memref<632x128xf32, #tpu.memory_space<hbm>>
        %dma_wait3A_147 = arith.constant 0 : i32
        %dma_wait3A_148 = tpu.memref_slice %arg10[%mul3A_135, %dma_wait3A_147] : memref<10008x128xf32, #tpu.memory_space<vmem_shared>> -> memref<632x128xf32, #tpu.memory_space<vmem_shared>>
        tpu.wait_dma2 semaphore(%run_scoped3A_138 : memref<!tpu.dma_semaphore, #tpu.memory_space<semaphore_mem>>) src(%dma_wait3A_148 : memref<632x128xf32, #tpu.memory_space<vmem_shared>>) dst(%dma_wait3A_146 : memref<632x128xf32, #tpu.memory_space<hbm>>)
        tpu.yield
      }) : () -> ()
    } else {
    }
    %eq3A_129 = arith.constant 15 : i32
    %eq3A_130 = arith.cmpi eq, %arg1, %eq3A_129 : i32
    %convert_element_type3A_131 = arith.extui %eq3A_130 : i1 to i32
    %cond3A_132 = arith.constant 0 : i32
    %cond3A_133 = arith.cmpi ne, %convert_element_type3A_131, %cond3A_132 : i32
    scf.if %cond3A_133 {
      "tpu.region"() ({
        %run_scoped3A_134 = tpu.sem_alloc : memref<!tpu.dma_semaphore, #tpu.memory_space<semaphore_mem>>
        %dma_start3A_135 = arith.constant 9480 : i32
        %dma_start3A_136 = arith.constant 0 : i32
        %dma_start3A_137 = tpu.memref_slice %arg6[%arg0, %dma_start3A_135, %dma_start3A_136] : memref<2x10000x128xf32, #tpu.memory_space<hbm>> -> memref<1x520x128xf32, #tpu.memory_space<hbm>>
        %dma_start3A_138 = tpu.memref_squeeze %dma_start3A_137 : memref<1x520x128xf32, #tpu.memory_space<hbm>> -> memref<520x128xf32, #tpu.memory_space<hbm>>
        %dma_start3A_139 = arith.constant 9480 : i32
        %dma_start3A_140 = arith.constant 0 : i32
        %dma_start3A_141 = tpu.memref_slice %arg10[%dma_start3A_139, %dma_start3A_140] : memref<10008x128xf32, #tpu.memory_space<vmem_shared>> -> memref<520x128xf32, #tpu.memory_space<vmem_shared>>
        tpu.enqueue_dma source(%dma_start3A_141 : memref<520x128xf32, #tpu.memory_space<vmem_shared>>) target(%dma_start3A_138 : memref<520x128xf32, #tpu.memory_space<hbm>>) target_semaphore(%run_scoped3A_134 : memref<!tpu.dma_semaphore, #tpu.memory_space<semaphore_mem>>)
        %dma_wait3A_142 = arith.constant 9480 : i32
        %dma_wait3A_143 = arith.constant 0 : i32
        %dma_wait3A_144 = tpu.memref_slice %arg6[%arg0, %dma_wait3A_142, %dma_wait3A_143] : memref<2x10000x128xf32, #tpu.memory_space<hbm>> -> memref<1x520x128xf32, #tpu.memory_space<hbm>>
        %dma_wait3A_145 = tpu.memref_squeeze %dma_wait3A_144 : memref<1x520x128xf32, #tpu.memory_space<hbm>> -> memref<520x128xf32, #tpu.memory_space<hbm>>
        %dma_wait3A_146 = arith.constant 9480 : i32
        %dma_wait3A_147 = arith.constant 0 : i32
        %dma_wait3A_148 = tpu.memref_slice %arg10[%dma_wait3A_146, %dma_wait3A_147] : memref<10008x128xf32, #tpu.memory_space<vmem_shared>> -> memref<520x128xf32, #tpu.memory_space<vmem_shared>>
        tpu.wait_dma2 semaphore(%run_scoped3A_134 : memref<!tpu.dma_semaphore, #tpu.memory_space<semaphore_mem>>) src(%dma_wait3A_148 : memref<520x128xf32, #tpu.memory_space<vmem_shared>>) dst(%dma_wait3A_145 : memref<520x128xf32, #tpu.memory_space<hbm>>)
        tpu.yield
      }) : () -> ()
    } else {
    }
    return
  }
}

#map = affine_map<(d0, d1) -> (0, 0)>
#map1 = affine_map<(d0, d1) -> (0, 0, 0)>
module attributes {stable_mosaic.version = 14 : i64} {
  func.func @k(%arg0: i32, %arg1: i32, %arg2: memref<2560x128xi32, #tpu.memory_space<hbm>>, %arg3: memref<128x128xf32, #tpu.memory_space<hbm>>, %arg4: memref<632x128xf32, #tpu.memory_space<hbm>>, %arg5: memref<2x10000x128xf32, #tpu.memory_space<hbm>>, %arg6: memref<80x128xi32, #tpu.memory_space<vmem>>, %arg7: memref<128x128xf32, #tpu.memory_space<vmem>>, %arg8: memref<10008x128xf32, #tpu.memory_space<vmem_shared>>, %arg9: memref<!tpu.dma_semaphore, #tpu.memory_space<semaphore_mem>>, %arg10: memref<!tpu.dma_semaphore, #tpu.memory_space<semaphore_mem>>) attributes {dimension_semantics = [#tpu.dimension_semantics<core_parallel>, #tpu.dimension_semantics<subcore_parallel>], iteration_bounds = array<i64: 2, 16>, scalar_prefetch = 0 : i64, scratch_operands = 5 : i64, tpu.core_type = #tpu.core_type<sc_vector_subcore>, window_params = [{transform_indices = #map}, {transform_indices = #map}, {transform_indices = #map}, {transform_indices = #map1}]} {
    %mul3A = arith.constant 16 : i32
    %mul3A_0 = arith.muli %arg0, %mul3A : i32
    %add3A = arith.addi %mul3A_0, %arg1 : i32
    %mul3A_1 = arith.constant 80 : i32
    %mul3A_2 = arith.muli %add3A, %mul3A_1 : i32
    %lt3A = arith.constant 15 : i32
    %lt3A_3 = arith.cmpi slt, %arg1, %lt3A : i32
    %convert_element_type3A = arith.extui %lt3A_3 : i1 to i32
    %cond3A = arith.constant 0 : i32
    %cond3A_4 = arith.cmpi ne, %convert_element_type3A, %cond3A : i32
    scf.if %cond3A_4 {
      %mul3A_50 = arith.constant 632 : i32
      %mul3A_51 = arith.muli %arg1, %mul3A_50 : i32
      "tpu.region"() ({
        %run_scoped3A = tpu.sem_alloc : memref<!tpu.dma_semaphore, #tpu.memory_space<semaphore_mem>>
        %dma_start3A_52 = arith.constant 0 : i32
        %dma_start3A_53 = tpu.memref_slice %arg8[%mul3A_51, %dma_start3A_52] : memref<10008x128xf32, #tpu.memory_space<vmem_shared>> -> memref<632x128xf32, #tpu.memory_space<vmem_shared>>
        %dma_start3A_54 = arith.constant 0 : i32
        %dma_start3A_55 = arith.constant 0 : i32
        %dma_start3A_56 = tpu.memref_slice %arg4[%dma_start3A_54, %dma_start3A_55] : memref<632x128xf32, #tpu.memory_space<hbm>> -> memref<632x128xf32, #tpu.memory_space<hbm>>
        tpu.enqueue_dma source(%dma_start3A_56 : memref<632x128xf32, #tpu.memory_space<hbm>>) target(%dma_start3A_53 : memref<632x128xf32, #tpu.memory_space<vmem_shared>>) target_semaphore(%run_scoped3A : memref<!tpu.dma_semaphore, #tpu.memory_space<semaphore_mem>>)
        %dma_wait3A_57 = arith.constant 0 : i32
        %dma_wait3A_58 = tpu.memref_slice %arg8[%mul3A_51, %dma_wait3A_57] : memref<10008x128xf32, #tpu.memory_space<vmem_shared>> -> memref<632x128xf32, #tpu.memory_space<vmem_shared>>
        %dma_wait3A_59 = arith.constant 0 : i32
        %dma_wait3A_60 = arith.constant 0 : i32
        %dma_wait3A_61 = tpu.memref_slice %arg4[%dma_wait3A_59, %dma_wait3A_60] : memref<632x128xf32, #tpu.memory_space<hbm>> -> memref<632x128xf32, #tpu.memory_space<hbm>>
        tpu.wait_dma2 semaphore(%run_scoped3A : memref<!tpu.dma_semaphore, #tpu.memory_space<semaphore_mem>>) src(%dma_wait3A_61 : memref<632x128xf32, #tpu.memory_space<hbm>>) dst(%dma_wait3A_58 : memref<632x128xf32, #tpu.memory_space<vmem_shared>>)
        tpu.yield
      }) : () -> ()
    } else {
    }
    %eq3A = arith.constant 15 : i32
    %eq3A_5 = arith.cmpi eq, %arg1, %eq3A : i32
    %convert_element_type3A_6 = arith.extui %eq3A_5 : i1 to i32
    %cond3A_7 = arith.constant 0 : i32
    %cond3A_8 = arith.cmpi ne, %convert_element_type3A_6, %cond3A_7 : i32
    scf.if %cond3A_8 {
      "tpu.region"() ({
        %run_scoped3A = tpu.sem_alloc : memref<!tpu.dma_semaphore, #tpu.memory_space<semaphore_mem>>
        %dma_start3A_50 = arith.constant 9480 : i32
        %dma_start3A_51 = arith.constant 0 : i32
        %dma_start3A_52 = tpu.memref_slice %arg8[%dma_start3A_50, %dma_start3A_51] : memref<10008x128xf32, #tpu.memory_space<vmem_shared>> -> memref<520x128xf32, #tpu.memory_space<vmem_shared>>
        %dma_start3A_53 = arith.constant 0 : i32
        %dma_start3A_54 = arith.constant 0 : i32
        %dma_start3A_55 = tpu.memref_slice %arg4[%dma_start3A_53, %dma_start3A_54] : memref<632x128xf32, #tpu.memory_space<hbm>> -> memref<520x128xf32, #tpu.memory_space<hbm>>
        tpu.enqueue_dma source(%dma_start3A_55 : memref<520x128xf32, #tpu.memory_space<hbm>>) target(%dma_start3A_52 : memref<520x128xf32, #tpu.memory_space<vmem_shared>>) target_semaphore(%run_scoped3A : memref<!tpu.dma_semaphore, #tpu.memory_space<semaphore_mem>>)
        %dma_wait3A_56 = arith.constant 9480 : i32
        %dma_wait3A_57 = arith.constant 0 : i32
        %dma_wait3A_58 = tpu.memref_slice %arg8[%dma_wait3A_56, %dma_wait3A_57] : memref<10008x128xf32, #tpu.memory_space<vmem_shared>> -> memref<520x128xf32, #tpu.memory_space<vmem_shared>>
        %dma_wait3A_59 = arith.constant 0 : i32
        %dma_wait3A_60 = arith.constant 0 : i32
        %dma_wait3A_61 = tpu.memref_slice %arg4[%dma_wait3A_59, %dma_wait3A_60] : memref<632x128xf32, #tpu.memory_space<hbm>> -> memref<520x128xf32, #tpu.memory_space<hbm>>
        tpu.wait_dma2 semaphore(%run_scoped3A : memref<!tpu.dma_semaphore, #tpu.memory_space<semaphore_mem>>) src(%dma_wait3A_61 : memref<520x128xf32, #tpu.memory_space<hbm>>) dst(%dma_wait3A_58 : memref<520x128xf32, #tpu.memory_space<vmem_shared>>)
        tpu.yield
      }) : () -> ()
    } else {
    }
    "tpu.region"() ({
      %run_scoped3A = tpu.sem_alloc : memref<!tpu.dma_semaphore, #tpu.memory_space<semaphore_mem>>
      tpu.enqueue_dma source(%arg3 : memref<128x128xf32, #tpu.memory_space<hbm>>) target(%arg7 : memref<128x128xf32, #tpu.memory_space<vmem>>) target_semaphore(%run_scoped3A : memref<!tpu.dma_semaphore, #tpu.memory_space<semaphore_mem>>)
      tpu.wait_dma2 semaphore(%run_scoped3A : memref<!tpu.dma_semaphore, #tpu.memory_space<semaphore_mem>>) src(%arg3 : memref<128x128xf32, #tpu.memory_space<hbm>>) dst(%arg7 : memref<128x128xf32, #tpu.memory_space<vmem>>)
      tpu.yield
    }) : () -> ()
    "tpu.region"() ({
      %run_scoped3A = tpu.sem_alloc : memref<!tpu.dma_semaphore, #tpu.memory_space<semaphore_mem>>
      %dma_start3A_50 = arith.constant 0 : i32
      %dma_start3A_51 = tpu.memref_slice %arg2[%mul3A_2, %dma_start3A_50] : memref<2560x128xi32, #tpu.memory_space<hbm>> -> memref<80x128xi32, #tpu.memory_space<hbm>>
      %dma_start3A_52 = arith.constant 0 : i32
      %dma_start3A_53 = tpu.memref_slice %arg2[%mul3A_2, %dma_start3A_52] : memref<2560x128xi32, #tpu.memory_space<hbm>> -> memref<80x128xi32, #tpu.memory_space<hbm>>
      tpu.enqueue_dma source(%dma_start3A_53 : memref<80x128xi32, #tpu.memory_space<hbm>>) target(%arg6 : memref<80x128xi32, #tpu.memory_space<vmem>>) target_semaphore(%run_scoped3A : memref<!tpu.dma_semaphore, #tpu.memory_space<semaphore_mem>>)
      %dma_wait3A_54 = arith.constant 0 : i32
      %dma_wait3A_55 = tpu.memref_slice %arg2[%mul3A_2, %dma_wait3A_54] : memref<2560x128xi32, #tpu.memory_space<hbm>> -> memref<80x128xi32, #tpu.memory_space<hbm>>
      %dma_wait3A_56 = arith.constant 0 : i32
      %dma_wait3A_57 = tpu.memref_slice %arg2[%mul3A_2, %dma_wait3A_56] : memref<2560x128xi32, #tpu.memory_space<hbm>> -> memref<80x128xi32, #tpu.memory_space<hbm>>
      tpu.wait_dma2 semaphore(%run_scoped3A : memref<!tpu.dma_semaphore, #tpu.memory_space<semaphore_mem>>) src(%dma_wait3A_57 : memref<80x128xi32, #tpu.memory_space<hbm>>) dst(%arg6 : memref<80x128xi32, #tpu.memory_space<vmem>>)
      tpu.yield
    }) : () -> ()
    %barrier3A = arith.constant 0 : index
    tpu.barrier barrier_id(%barrier3A)
    %dma_start3A = arith.constant 0 : i32
    %dma_start3A_9 = arith.constant 0 : i32
    %dma_start3A_10 = tpu.memref_slice %arg6[%dma_start3A, %dma_start3A_9] : memref<80x128xi32, #tpu.memory_space<vmem>> -> memref<1x128xi32, #tpu.memory_space<vmem>>
    %dma_start3A_11 = tpu.memref_squeeze %dma_start3A_10 : memref<1x128xi32, #tpu.memory_space<vmem>> -> memref<128xi32, #tpu.memory_space<vmem>>
    %dma_start3A_12 = arith.constant 0 : i32
    %dma_start3A_13 = arith.constant 0 : i32
    %dma_start3A_14 = tpu.memref_slice %arg8[%dma_start3A_12, %dma_start3A_13] : memref<10008x128xf32, #tpu.memory_space<vmem_shared>> -> memref<10008x128xf32, #tpu.memory_space<vmem_shared>>
    tpu.enqueue_indirect_dma source(%arg7 : memref<128x128xf32, #tpu.memory_space<vmem>>) target(%dma_start3A_14 : memref<10008x128xf32, #tpu.memory_space<vmem_shared>>) offsets(%dma_start3A_11 : memref<128xi32, #tpu.memory_space<vmem>>) semaphore(%arg9 : memref<!tpu.dma_semaphore, #tpu.memory_space<semaphore_mem>>) {add = true}
    %dma_start3A_15 = arith.constant 1 : i32
    %dma_start3A_16 = arith.constant 0 : i32
    %dma_start3A_17 = tpu.memref_slice %arg6[%dma_start3A_15, %dma_start3A_16] : memref<80x128xi32, #tpu.memory_space<vmem>> -> memref<1x128xi32, #tpu.memory_space<vmem>>
    %dma_start3A_18 = tpu.memref_squeeze %dma_start3A_17 : memref<1x128xi32, #tpu.memory_space<vmem>> -> memref<128xi32, #tpu.memory_space<vmem>>
    %dma_start3A_19 = arith.constant 0 : i32
    %dma_start3A_20 = arith.constant 0 : i32
    %dma_start3A_21 = tpu.memref_slice %arg8[%dma_start3A_19, %dma_start3A_20] : memref<10008x128xf32, #tpu.memory_space<vmem_shared>> -> memref<10008x128xf32, #tpu.memory_space<vmem_shared>>
    tpu.enqueue_indirect_dma source(%arg7 : memref<128x128xf32, #tpu.memory_space<vmem>>) target(%dma_start3A_21 : memref<10008x128xf32, #tpu.memory_space<vmem_shared>>) offsets(%dma_start3A_18 : memref<128xi32, #tpu.memory_space<vmem>>) semaphore(%arg10 : memref<!tpu.dma_semaphore, #tpu.memory_space<semaphore_mem>>) {add = true}
    %scan3A = arith.constant 0 : i32
    %scan3A_22 = arith.constant 39 : i32
    %scan3A_23 = arith.addi %scan3A, %scan3A_22 : i32
    %scan3A_24 = arith.constant 1 : i32
    scf.for %scan3A_50 = %scan3A to %scan3A_23 step %scan3A_24  : i32 {
      %mul3A_51 = arith.constant 1 : i32
      %mul3A_52 = arith.muli %scan3A_50, %mul3A_51 : i32
      %add3A_53 = arith.constant 0 : i32
      %add3A_54 = arith.addi %add3A_53, %mul3A_52 : i32
      %mul3A_55 = arith.constant 2 : i32
      %mul3A_56 = arith.muli %add3A_54, %mul3A_55 : i32
      %add3A_57 = arith.constant 0 : i32
      %add3A_58 = arith.addi %mul3A_56, %add3A_57 : i32
      %dma_wait3A_59 = arith.constant 0 : i32
      %dma_wait3A_60 = tpu.memref_slice %arg6[%add3A_58, %dma_wait3A_59] : memref<80x128xi32, #tpu.memory_space<vmem>> -> memref<1x128xi32, #tpu.memory_space<vmem>>
      %dma_wait3A_61 = tpu.memref_squeeze %dma_wait3A_60 : memref<1x128xi32, #tpu.memory_space<vmem>> -> memref<128xi32, #tpu.memory_space<vmem>>
      %dma_wait3A_62 = arith.constant 0 : i32
      %dma_wait3A_63 = arith.constant 0 : i32
      %dma_wait3A_64 = tpu.memref_slice %arg8[%dma_wait3A_62, %dma_wait3A_63] : memref<10008x128xf32, #tpu.memory_space<vmem_shared>> -> memref<10008x128xf32, #tpu.memory_space<vmem_shared>>
      tpu.wait_indirect_dma semaphore(%arg9 : memref<!tpu.dma_semaphore, #tpu.memory_space<semaphore_mem>>) src(%arg7 : memref<128x128xf32, #tpu.memory_space<vmem>>) dst(%dma_wait3A_64 : memref<10008x128xf32, #tpu.memory_space<vmem_shared>>)
      %add3A_65 = arith.constant 2 : i32
      %add3A_66 = arith.addi %add3A_58, %add3A_65 : i32
      %dma_start3A_67 = arith.constant 0 : i32
      %dma_start3A_68 = tpu.memref_slice %arg6[%add3A_66, %dma_start3A_67] : memref<80x128xi32, #tpu.memory_space<vmem>> -> memref<1x128xi32, #tpu.memory_space<vmem>>
      %dma_start3A_69 = tpu.memref_squeeze %dma_start3A_68 : memref<1x128xi32, #tpu.memory_space<vmem>> -> memref<128xi32, #tpu.memory_space<vmem>>
      %dma_start3A_70 = arith.constant 0 : i32
      %dma_start3A_71 = arith.constant 0 : i32
      %dma_start3A_72 = tpu.memref_slice %arg8[%dma_start3A_70, %dma_start3A_71] : memref<10008x128xf32, #tpu.memory_space<vmem_shared>> -> memref<10008x128xf32, #tpu.memory_space<vmem_shared>>
      tpu.enqueue_indirect_dma source(%arg7 : memref<128x128xf32, #tpu.memory_space<vmem>>) target(%dma_start3A_72 : memref<10008x128xf32, #tpu.memory_space<vmem_shared>>) offsets(%dma_start3A_69 : memref<128xi32, #tpu.memory_space<vmem>>) semaphore(%arg9 : memref<!tpu.dma_semaphore, #tpu.memory_space<semaphore_mem>>) {add = true}
      %mul3A_73 = arith.constant 2 : i32
      %mul3A_74 = arith.muli %add3A_54, %mul3A_73 : i32
      %add3A_75 = arith.constant 1 : i32
      %add3A_76 = arith.addi %mul3A_74, %add3A_75 : i32
      %dma_wait3A_77 = arith.constant 0 : i32
      %dma_wait3A_78 = tpu.memref_slice %arg6[%add3A_76, %dma_wait3A_77] : memref<80x128xi32, #tpu.memory_space<vmem>> -> memref<1x128xi32, #tpu.memory_space<vmem>>
      %dma_wait3A_79 = tpu.memref_squeeze %dma_wait3A_78 : memref<1x128xi32, #tpu.memory_space<vmem>> -> memref<128xi32, #tpu.memory_space<vmem>>
      %dma_wait3A_80 = arith.constant 0 : i32
      %dma_wait3A_81 = arith.constant 0 : i32
      %dma_wait3A_82 = tpu.memref_slice %arg8[%dma_wait3A_80, %dma_wait3A_81] : memref<10008x128xf32, #tpu.memory_space<vmem_shared>> -> memref<10008x128xf32, #tpu.memory_space<vmem_shared>>
      tpu.wait_indirect_dma semaphore(%arg10 : memref<!tpu.dma_semaphore, #tpu.memory_space<semaphore_mem>>) src(%arg7 : memref<128x128xf32, #tpu.memory_space<vmem>>) dst(%dma_wait3A_82 : memref<10008x128xf32, #tpu.memory_space<vmem_shared>>)
      %add3A_83 = arith.constant 2 : i32
      %add3A_84 = arith.addi %add3A_76, %add3A_83 : i32
      %dma_start3A_85 = arith.constant 0 : i32
      %dma_start3A_86 = tpu.memref_slice %arg6[%add3A_84, %dma_start3A_85] : memref<80x128xi32, #tpu.memory_space<vmem>> -> memref<1x128xi32, #tpu.memory_space<vmem>>
      %dma_start3A_87 = tpu.memref_squeeze %dma_start3A_86 : memref<1x128xi32, #tpu.memory_space<vmem>> -> memref<128xi32, #tpu.memory_space<vmem>>
      %dma_start3A_88 = arith.constant 0 : i32
      %dma_start3A_89 = arith.constant 0 : i32
      %dma_start3A_90 = tpu.memref_slice %arg8[%dma_start3A_88, %dma_start3A_89] : memref<10008x128xf32, #tpu.memory_space<vmem_shared>> -> memref<10008x128xf32, #tpu.memory_space<vmem_shared>>
      tpu.enqueue_indirect_dma source(%arg7 : memref<128x128xf32, #tpu.memory_space<vmem>>) target(%dma_start3A_90 : memref<10008x128xf32, #tpu.memory_space<vmem_shared>>) offsets(%dma_start3A_87 : memref<128xi32, #tpu.memory_space<vmem>>) semaphore(%arg10 : memref<!tpu.dma_semaphore, #tpu.memory_space<semaphore_mem>>) {add = true}
    }
    %scan3A_25 = arith.constant 39 : i32
    %dma_wait3A = arith.constant 78 : i32
    %dma_wait3A_26 = arith.constant 0 : i32
    %dma_wait3A_27 = tpu.memref_slice %arg6[%dma_wait3A, %dma_wait3A_26] : memref<80x128xi32, #tpu.memory_space<vmem>> -> memref<1x128xi32, #tpu.memory_space<vmem>>
    %dma_wait3A_28 = tpu.memref_squeeze %dma_wait3A_27 : memref<1x128xi32, #tpu.memory_space<vmem>> -> memref<128xi32, #tpu.memory_space<vmem>>
    %dma_wait3A_29 = arith.constant 0 : i32
    %dma_wait3A_30 = arith.constant 0 : i32
    %dma_wait3A_31 = tpu.memref_slice %arg8[%dma_wait3A_29, %dma_wait3A_30] : memref<10008x128xf32, #tpu.memory_space<vmem_shared>> -> memref<10008x128xf32, #tpu.memory_space<vmem_shared>>
    tpu.wait_indirect_dma semaphore(%arg9 : memref<!tpu.dma_semaphore, #tpu.memory_space<semaphore_mem>>) src(%arg7 : memref<128x128xf32, #tpu.memory_space<vmem>>) dst(%dma_wait3A_31 : memref<10008x128xf32, #tpu.memory_space<vmem_shared>>)
    %dma_wait3A_32 = arith.constant 79 : i32
    %dma_wait3A_33 = arith.constant 0 : i32
    %dma_wait3A_34 = tpu.memref_slice %arg6[%dma_wait3A_32, %dma_wait3A_33] : memref<80x128xi32, #tpu.memory_space<vmem>> -> memref<1x128xi32, #tpu.memory_space<vmem>>
    %dma_wait3A_35 = tpu.memref_squeeze %dma_wait3A_34 : memref<1x128xi32, #tpu.memory_space<vmem>> -> memref<128xi32, #tpu.memory_space<vmem>>
    %dma_wait3A_36 = arith.constant 0 : i32
    %dma_wait3A_37 = arith.constant 0 : i32
    %dma_wait3A_38 = tpu.memref_slice %arg8[%dma_wait3A_36, %dma_wait3A_37] : memref<10008x128xf32, #tpu.memory_space<vmem_shared>> -> memref<10008x128xf32, #tpu.memory_space<vmem_shared>>
    tpu.wait_indirect_dma semaphore(%arg10 : memref<!tpu.dma_semaphore, #tpu.memory_space<semaphore_mem>>) src(%arg7 : memref<128x128xf32, #tpu.memory_space<vmem>>) dst(%dma_wait3A_38 : memref<10008x128xf32, #tpu.memory_space<vmem_shared>>)
    %barrier3A_39 = arith.constant 0 : index
    tpu.barrier barrier_id(%barrier3A_39)
    %lt3A_40 = arith.constant 15 : i32
    %lt3A_41 = arith.cmpi slt, %arg1, %lt3A_40 : i32
    %convert_element_type3A_42 = arith.extui %lt3A_41 : i1 to i32
    %cond3A_43 = arith.constant 0 : i32
    %cond3A_44 = arith.cmpi ne, %convert_element_type3A_42, %cond3A_43 : i32
    scf.if %cond3A_44 {
      %mul3A_50 = arith.constant 632 : i32
      %mul3A_51 = arith.muli %arg1, %mul3A_50 : i32
      %mul3A_52 = arith.constant 632 : i32
      %mul3A_53 = arith.muli %arg1, %mul3A_52 : i32
      "tpu.region"() ({
        %run_scoped3A = tpu.sem_alloc : memref<!tpu.dma_semaphore, #tpu.memory_space<semaphore_mem>>
        %dma_start3A_54 = arith.constant 0 : i32
        %dma_start3A_55 = tpu.memref_slice %arg5[%arg0, %mul3A_53, %dma_start3A_54] : memref<2x10000x128xf32, #tpu.memory_space<hbm>> -> memref<1x632x128xf32, #tpu.memory_space<hbm>>
        %dma_start3A_56 = tpu.memref_squeeze %dma_start3A_55 : memref<1x632x128xf32, #tpu.memory_space<hbm>> -> memref<632x128xf32, #tpu.memory_space<hbm>>
        %dma_start3A_57 = arith.constant 0 : i32
        %dma_start3A_58 = tpu.memref_slice %arg8[%mul3A_51, %dma_start3A_57] : memref<10008x128xf32, #tpu.memory_space<vmem_shared>> -> memref<632x128xf32, #tpu.memory_space<vmem_shared>>
        tpu.enqueue_dma source(%dma_start3A_58 : memref<632x128xf32, #tpu.memory_space<vmem_shared>>) target(%dma_start3A_56 : memref<632x128xf32, #tpu.memory_space<hbm>>) target_semaphore(%run_scoped3A : memref<!tpu.dma_semaphore, #tpu.memory_space<semaphore_mem>>)
        %dma_wait3A_59 = arith.constant 0 : i32
        %dma_wait3A_60 = tpu.memref_slice %arg5[%arg0, %mul3A_53, %dma_wait3A_59] : memref<2x10000x128xf32, #tpu.memory_space<hbm>> -> memref<1x632x128xf32, #tpu.memory_space<hbm>>
        %dma_wait3A_61 = tpu.memref_squeeze %dma_wait3A_60 : memref<1x632x128xf32, #tpu.memory_space<hbm>> -> memref<632x128xf32, #tpu.memory_space<hbm>>
        %dma_wait3A_62 = arith.constant 0 : i32
        %dma_wait3A_63 = tpu.memref_slice %arg8[%mul3A_51, %dma_wait3A_62] : memref<10008x128xf32, #tpu.memory_space<vmem_shared>> -> memref<632x128xf32, #tpu.memory_space<vmem_shared>>
        tpu.wait_dma2 semaphore(%run_scoped3A : memref<!tpu.dma_semaphore, #tpu.memory_space<semaphore_mem>>) src(%dma_wait3A_63 : memref<632x128xf32, #tpu.memory_space<vmem_shared>>) dst(%dma_wait3A_61 : memref<632x128xf32, #tpu.memory_space<hbm>>)
        tpu.yield
      }) : () -> ()
    } else {
    }
    %eq3A_45 = arith.constant 15 : i32
    %eq3A_46 = arith.cmpi eq, %arg1, %eq3A_45 : i32
    %convert_element_type3A_47 = arith.extui %eq3A_46 : i1 to i32
    %cond3A_48 = arith.constant 0 : i32
    %cond3A_49 = arith.cmpi ne, %convert_element_type3A_47, %cond3A_48 : i32
    scf.if %cond3A_49 {
      "tpu.region"() ({
        %run_scoped3A = tpu.sem_alloc : memref<!tpu.dma_semaphore, #tpu.memory_space<semaphore_mem>>
        %dma_start3A_50 = arith.constant 9480 : i32
        %dma_start3A_51 = arith.constant 0 : i32
        %dma_start3A_52 = tpu.memref_slice %arg5[%arg0, %dma_start3A_50, %dma_start3A_51] : memref<2x10000x128xf32, #tpu.memory_space<hbm>> -> memref<1x520x128xf32, #tpu.memory_space<hbm>>
        %dma_start3A_53 = tpu.memref_squeeze %dma_start3A_52 : memref<1x520x128xf32, #tpu.memory_space<hbm>> -> memref<520x128xf32, #tpu.memory_space<hbm>>
        %dma_start3A_54 = arith.constant 9480 : i32
        %dma_start3A_55 = arith.constant 0 : i32
        %dma_start3A_56 = tpu.memref_slice %arg8[%dma_start3A_54, %dma_start3A_55] : memref<10008x128xf32, #tpu.memory_space<vmem_shared>> -> memref<520x128xf32, #tpu.memory_space<vmem_shared>>
        tpu.enqueue_dma source(%dma_start3A_56 : memref<520x128xf32, #tpu.memory_space<vmem_shared>>) target(%dma_start3A_53 : memref<520x128xf32, #tpu.memory_space<hbm>>) target_semaphore(%run_scoped3A : memref<!tpu.dma_semaphore, #tpu.memory_space<semaphore_mem>>)
        %dma_wait3A_57 = arith.constant 9480 : i32
        %dma_wait3A_58 = arith.constant 0 : i32
        %dma_wait3A_59 = tpu.memref_slice %arg5[%arg0, %dma_wait3A_57, %dma_wait3A_58] : memref<2x10000x128xf32, #tpu.memory_space<hbm>> -> memref<1x520x128xf32, #tpu.memory_space<hbm>>
        %dma_wait3A_60 = tpu.memref_squeeze %dma_wait3A_59 : memref<1x520x128xf32, #tpu.memory_space<hbm>> -> memref<520x128xf32, #tpu.memory_space<hbm>>
        %dma_wait3A_61 = arith.constant 9480 : i32
        %dma_wait3A_62 = arith.constant 0 : i32
        %dma_wait3A_63 = tpu.memref_slice %arg8[%dma_wait3A_61, %dma_wait3A_62] : memref<10008x128xf32, #tpu.memory_space<vmem_shared>> -> memref<520x128xf32, #tpu.memory_space<vmem_shared>>
        tpu.wait_dma2 semaphore(%run_scoped3A : memref<!tpu.dma_semaphore, #tpu.memory_space<semaphore_mem>>) src(%dma_wait3A_63 : memref<520x128xf32, #tpu.memory_space<vmem_shared>>) dst(%dma_wait3A_60 : memref<520x128xf32, #tpu.memory_space<hbm>>)
        tpu.yield
      }) : () -> ()
    } else {
    }
    return
  }
}

#map = affine_map<(d0, d1) -> (0, 0)>
#map1 = affine_map<(d0, d1) -> (0, 0, 0)>
module attributes {stable_mosaic.version = 14 : i64} {
  func.func @k(%arg0: i32, %arg1: i32, %arg2: memref<10008x128xf32, #tpu.memory_space<hbm>>, %arg3: memref<2560x128xi32, #tpu.memory_space<hbm>>, %arg4: memref<2560x128xi32, #tpu.memory_space<hbm>>, %arg5: memref<632x128xf32, #tpu.memory_space<hbm>>, %arg6: memref<2x10000x128xf32, #tpu.memory_space<hbm>>, %arg7: memref<40x128xi32, #tpu.memory_space<vmem>>, %arg8: memref<40x128xi32, #tpu.memory_space<vmem>>, %arg9: memref<2x128x128xf32, #tpu.memory_space<vmem>>, %arg10: memref<10008x128xf32, #tpu.memory_space<vmem_shared>>, %arg11: memref<!tpu.dma_semaphore, #tpu.memory_space<semaphore_mem>>, %arg12: memref<!tpu.dma_semaphore, #tpu.memory_space<semaphore_mem>>) attributes {dimension_semantics = [#tpu.dimension_semantics<core_parallel>, #tpu.dimension_semantics<subcore_parallel>], iteration_bounds = array<i64: 2, 16>, scalar_prefetch = 0 : i64, scratch_operands = 6 : i64, tpu.core_type = #tpu.core_type<sc_vector_subcore>, window_params = [{transform_indices = #map}, {transform_indices = #map}, {transform_indices = #map}, {transform_indices = #map}, {transform_indices = #map1}]} {
    %mul3A = arith.constant 16 : i32
    %mul3A_0 = arith.muli %arg0, %mul3A : i32
    %add3A = arith.addi %mul3A_0, %arg1 : i32
    %mul3A_1 = arith.constant 80 : i32
    %mul3A_2 = arith.muli %add3A, %mul3A_1 : i32
    %add3A_3 = arith.constant 0 : i32
    %add3A_4 = arith.addi %mul3A_2, %add3A_3 : i32
    "tpu.region"() ({
      %run_scoped3A_134 = tpu.sem_alloc : memref<!tpu.dma_semaphore, #tpu.memory_space<semaphore_mem>>
      %dma_start3A_135 = arith.constant 0 : i32
      %dma_start3A_136 = tpu.memref_slice %arg3[%add3A_4, %dma_start3A_135] : memref<2560x128xi32, #tpu.memory_space<hbm>> -> memref<40x128xi32, #tpu.memory_space<hbm>>
      %dma_start3A_137 = arith.constant 0 : i32
      %dma_start3A_138 = tpu.memref_slice %arg3[%add3A_4, %dma_start3A_137] : memref<2560x128xi32, #tpu.memory_space<hbm>> -> memref<40x128xi32, #tpu.memory_space<hbm>>
      tpu.enqueue_dma source(%dma_start3A_138 : memref<40x128xi32, #tpu.memory_space<hbm>>) target(%arg7 : memref<40x128xi32, #tpu.memory_space<vmem>>) target_semaphore(%run_scoped3A_134 : memref<!tpu.dma_semaphore, #tpu.memory_space<semaphore_mem>>)
      %dma_wait3A_139 = arith.constant 0 : i32
      %dma_wait3A_140 = tpu.memref_slice %arg3[%add3A_4, %dma_wait3A_139] : memref<2560x128xi32, #tpu.memory_space<hbm>> -> memref<40x128xi32, #tpu.memory_space<hbm>>
      %dma_wait3A_141 = arith.constant 0 : i32
      %dma_wait3A_142 = tpu.memref_slice %arg3[%add3A_4, %dma_wait3A_141] : memref<2560x128xi32, #tpu.memory_space<hbm>> -> memref<40x128xi32, #tpu.memory_space<hbm>>
      tpu.wait_dma2 semaphore(%run_scoped3A_134 : memref<!tpu.dma_semaphore, #tpu.memory_space<semaphore_mem>>) src(%dma_wait3A_142 : memref<40x128xi32, #tpu.memory_space<hbm>>) dst(%arg7 : memref<40x128xi32, #tpu.memory_space<vmem>>)
      tpu.yield
    }) : () -> ()
    "tpu.region"() ({
      %run_scoped3A_134 = tpu.sem_alloc : memref<!tpu.dma_semaphore, #tpu.memory_space<semaphore_mem>>
      %dma_start3A_135 = arith.constant 0 : i32
      %dma_start3A_136 = tpu.memref_slice %arg4[%add3A_4, %dma_start3A_135] : memref<2560x128xi32, #tpu.memory_space<hbm>> -> memref<40x128xi32, #tpu.memory_space<hbm>>
      %dma_start3A_137 = arith.constant 0 : i32
      %dma_start3A_138 = tpu.memref_slice %arg4[%add3A_4, %dma_start3A_137] : memref<2560x128xi32, #tpu.memory_space<hbm>> -> memref<40x128xi32, #tpu.memory_space<hbm>>
      tpu.enqueue_dma source(%dma_start3A_138 : memref<40x128xi32, #tpu.memory_space<hbm>>) target(%arg8 : memref<40x128xi32, #tpu.memory_space<vmem>>) target_semaphore(%run_scoped3A_134 : memref<!tpu.dma_semaphore, #tpu.memory_space<semaphore_mem>>)
      %dma_wait3A_139 = arith.constant 0 : i32
      %dma_wait3A_140 = tpu.memref_slice %arg4[%add3A_4, %dma_wait3A_139] : memref<2560x128xi32, #tpu.memory_space<hbm>> -> memref<40x128xi32, #tpu.memory_space<hbm>>
      %dma_wait3A_141 = arith.constant 0 : i32
      %dma_wait3A_142 = tpu.memref_slice %arg4[%add3A_4, %dma_wait3A_141] : memref<2560x128xi32, #tpu.memory_space<hbm>> -> memref<40x128xi32, #tpu.memory_space<hbm>>
      tpu.wait_dma2 semaphore(%run_scoped3A_134 : memref<!tpu.dma_semaphore, #tpu.memory_space<semaphore_mem>>) src(%dma_wait3A_142 : memref<40x128xi32, #tpu.memory_space<hbm>>) dst(%arg8 : memref<40x128xi32, #tpu.memory_space<vmem>>)
      tpu.yield
    }) : () -> ()
    %dma_start3A = arith.constant 0 : i32
    %dma_start3A_5 = arith.constant 0 : i32
    %dma_start3A_6 = arith.constant 0 : i32
    %dma_start3A_7 = arith.constant 0 : i32
    %dma_start3A_8 = tpu.memref_slice %arg9[%dma_start3A_5, %dma_start3A_6, %dma_start3A_7] : memref<2x128x128xf32, #tpu.memory_space<vmem>> -> memref<1x128x128xf32, #tpu.memory_space<vmem>>
    %dma_start3A_9 = tpu.memref_squeeze %dma_start3A_8 : memref<1x128x128xf32, #tpu.memory_space<vmem>> -> memref<128x128xf32, #tpu.memory_space<vmem>>
    %dma_start3A_10 = arith.constant 0 : i32
    %dma_start3A_11 = tpu.memref_slice %arg7[%dma_start3A, %dma_start3A_10] : memref<40x128xi32, #tpu.memory_space<vmem>> -> memref<1x128xi32, #tpu.memory_space<vmem>>
    %dma_start3A_12 = tpu.memref_squeeze %dma_start3A_11 : memref<1x128xi32, #tpu.memory_space<vmem>> -> memref<128xi32, #tpu.memory_space<vmem>>
    %dma_start3A_13 = arith.constant 0 : i32
    %dma_start3A_14 = arith.constant 0 : i32
    %dma_start3A_15 = tpu.memref_slice %arg2[%dma_start3A_13, %dma_start3A_14] : memref<10008x128xf32, #tpu.memory_space<hbm>> -> memref<10008x128xf32, #tpu.memory_space<hbm>>
    tpu.enqueue_indirect_dma source(%dma_start3A_15 : memref<10008x128xf32, #tpu.memory_space<hbm>>) target(%dma_start3A_9 : memref<128x128xf32, #tpu.memory_space<vmem>>) offsets(%dma_start3A_12 : memref<128xi32, #tpu.memory_space<vmem>>) semaphore(%arg11 : memref<!tpu.dma_semaphore, #tpu.memory_space<semaphore_mem>>)
    %dma_start3A_16 = arith.constant 1 : i32
    %dma_start3A_17 = arith.constant 1 : i32
    %dma_start3A_18 = arith.constant 0 : i32
    %dma_start3A_19 = arith.constant 0 : i32
    %dma_start3A_20 = tpu.memref_slice %arg9[%dma_start3A_17, %dma_start3A_18, %dma_start3A_19] : memref<2x128x128xf32, #tpu.memory_space<vmem>> -> memref<1x128x128xf32, #tpu.memory_space<vmem>>
    %dma_start3A_21 = tpu.memref_squeeze %dma_start3A_20 : memref<1x128x128xf32, #tpu.memory_space<vmem>> -> memref<128x128xf32, #tpu.memory_space<vmem>>
    %dma_start3A_22 = arith.constant 0 : i32
    %dma_start3A_23 = tpu.memref_slice %arg7[%dma_start3A_16, %dma_start3A_22] : memref<40x128xi32, #tpu.memory_space<vmem>> -> memref<1x128xi32, #tpu.memory_space<vmem>>
    %dma_start3A_24 = tpu.memref_squeeze %dma_start3A_23 : memref<1x128xi32, #tpu.memory_space<vmem>> -> memref<128xi32, #tpu.memory_space<vmem>>
    %dma_start3A_25 = arith.constant 0 : i32
    %dma_start3A_26 = arith.constant 0 : i32
    %dma_start3A_27 = tpu.memref_slice %arg2[%dma_start3A_25, %dma_start3A_26] : memref<10008x128xf32, #tpu.memory_space<hbm>> -> memref<10008x128xf32, #tpu.memory_space<hbm>>
    tpu.enqueue_indirect_dma source(%dma_start3A_27 : memref<10008x128xf32, #tpu.memory_space<hbm>>) target(%dma_start3A_21 : memref<128x128xf32, #tpu.memory_space<vmem>>) offsets(%dma_start3A_24 : memref<128xi32, #tpu.memory_space<vmem>>) semaphore(%arg12 : memref<!tpu.dma_semaphore, #tpu.memory_space<semaphore_mem>>)
    %lt3A = arith.constant 15 : i32
    %lt3A_28 = arith.cmpi slt, %arg1, %lt3A : i32
    %convert_element_type3A = arith.extui %lt3A_28 : i1 to i32
    %cond3A = arith.constant 0 : i32
    %cond3A_29 = arith.cmpi ne, %convert_element_type3A, %cond3A : i32
    scf.if %cond3A_29 {
      %mul3A_134 = arith.constant 632 : i32
      %mul3A_135 = arith.muli %arg1, %mul3A_134 : i32
      "tpu.region"() ({
        %run_scoped3A_136 = tpu.sem_alloc : memref<!tpu.dma_semaphore, #tpu.memory_space<semaphore_mem>>
        %dma_start3A_137 = arith.constant 0 : i32
        %dma_start3A_138 = tpu.memref_slice %arg10[%mul3A_135, %dma_start3A_137] : memref<10008x128xf32, #tpu.memory_space<vmem_shared>> -> memref<632x128xf32, #tpu.memory_space<vmem_shared>>
        %dma_start3A_139 = arith.constant 0 : i32
        %dma_start3A_140 = arith.constant 0 : i32
        %dma_start3A_141 = tpu.memref_slice %arg5[%dma_start3A_139, %dma_start3A_140] : memref<632x128xf32, #tpu.memory_space<hbm>> -> memref<632x128xf32, #tpu.memory_space<hbm>>
        tpu.enqueue_dma source(%dma_start3A_141 : memref<632x128xf32, #tpu.memory_space<hbm>>) target(%dma_start3A_138 : memref<632x128xf32, #tpu.memory_space<vmem_shared>>) target_semaphore(%run_scoped3A_136 : memref<!tpu.dma_semaphore, #tpu.memory_space<semaphore_mem>>)
        %dma_wait3A_142 = arith.constant 0 : i32
        %dma_wait3A_143 = tpu.memref_slice %arg10[%mul3A_135, %dma_wait3A_142] : memref<10008x128xf32, #tpu.memory_space<vmem_shared>> -> memref<632x128xf32, #tpu.memory_space<vmem_shared>>
        %dma_wait3A_144 = arith.constant 0 : i32
        %dma_wait3A_145 = arith.constant 0 : i32
        %dma_wait3A_146 = tpu.memref_slice %arg5[%dma_wait3A_144, %dma_wait3A_145] : memref<632x128xf32, #tpu.memory_space<hbm>> -> memref<632x128xf32, #tpu.memory_space<hbm>>
        tpu.wait_dma2 semaphore(%run_scoped3A_136 : memref<!tpu.dma_semaphore, #tpu.memory_space<semaphore_mem>>) src(%dma_wait3A_146 : memref<632x128xf32, #tpu.memory_space<hbm>>) dst(%dma_wait3A_143 : memref<632x128xf32, #tpu.memory_space<vmem_shared>>)
        tpu.yield
      }) : () -> ()
    } else {
    }
    %eq3A = arith.constant 15 : i32
    %eq3A_30 = arith.cmpi eq, %arg1, %eq3A : i32
    %convert_element_type3A_31 = arith.extui %eq3A_30 : i1 to i32
    %cond3A_32 = arith.constant 0 : i32
    %cond3A_33 = arith.cmpi ne, %convert_element_type3A_31, %cond3A_32 : i32
    scf.if %cond3A_33 {
      "tpu.region"() ({
        %run_scoped3A_134 = tpu.sem_alloc : memref<!tpu.dma_semaphore, #tpu.memory_space<semaphore_mem>>
        %dma_start3A_135 = arith.constant 9480 : i32
        %dma_start3A_136 = arith.constant 0 : i32
        %dma_start3A_137 = tpu.memref_slice %arg10[%dma_start3A_135, %dma_start3A_136] : memref<10008x128xf32, #tpu.memory_space<vmem_shared>> -> memref<520x128xf32, #tpu.memory_space<vmem_shared>>
        %dma_start3A_138 = arith.constant 0 : i32
        %dma_start3A_139 = arith.constant 0 : i32
        %dma_start3A_140 = tpu.memref_slice %arg5[%dma_start3A_138, %dma_start3A_139] : memref<632x128xf32, #tpu.memory_space<hbm>> -> memref<520x128xf32, #tpu.memory_space<hbm>>
        tpu.enqueue_dma source(%dma_start3A_140 : memref<520x128xf32, #tpu.memory_space<hbm>>) target(%dma_start3A_137 : memref<520x128xf32, #tpu.memory_space<vmem_shared>>) target_semaphore(%run_scoped3A_134 : memref<!tpu.dma_semaphore, #tpu.memory_space<semaphore_mem>>)
        %dma_wait3A_141 = arith.constant 9480 : i32
        %dma_wait3A_142 = arith.constant 0 : i32
        %dma_wait3A_143 = tpu.memref_slice %arg10[%dma_wait3A_141, %dma_wait3A_142] : memref<10008x128xf32, #tpu.memory_space<vmem_shared>> -> memref<520x128xf32, #tpu.memory_space<vmem_shared>>
        %dma_wait3A_144 = arith.constant 0 : i32
        %dma_wait3A_145 = arith.constant 0 : i32
        %dma_wait3A_146 = tpu.memref_slice %arg5[%dma_wait3A_144, %dma_wait3A_145] : memref<632x128xf32, #tpu.memory_space<hbm>> -> memref<520x128xf32, #tpu.memory_space<hbm>>
        tpu.wait_dma2 semaphore(%run_scoped3A_134 : memref<!tpu.dma_semaphore, #tpu.memory_space<semaphore_mem>>) src(%dma_wait3A_146 : memref<520x128xf32, #tpu.memory_space<hbm>>) dst(%dma_wait3A_143 : memref<520x128xf32, #tpu.memory_space<vmem_shared>>)
        tpu.yield
      }) : () -> ()
    } else {
    }
    %barrier3A = arith.constant 0 : index
    tpu.barrier barrier_id(%barrier3A)
    %scan3A = arith.constant 0 : i32
    %scan3A_34 = arith.constant 19 : i32
    %scan3A_35 = arith.addi %scan3A, %scan3A_34 : i32
    %scan3A_36 = arith.constant 1 : i32
    scf.for %scan3A_134 = %scan3A to %scan3A_35 step %scan3A_36  : i32 {
      %mul3A_135 = arith.constant 1 : i32
      %mul3A_136 = arith.muli %scan3A_134, %mul3A_135 : i32
      %add3A_137 = arith.constant 0 : i32
      %add3A_138 = arith.addi %add3A_137, %mul3A_136 : i32
      %mul3A_139 = arith.constant 2 : i32
      %mul3A_140 = arith.muli %add3A_138, %mul3A_139 : i32
      %add3A_141 = arith.constant 0 : i32
      %add3A_142 = arith.addi %mul3A_140, %add3A_141 : i32
      %dma_wait3A_143 = arith.constant 0 : i32
      %dma_wait3A_144 = arith.constant 0 : i32
      %dma_wait3A_145 = arith.constant 0 : i32
      %dma_wait3A_146 = tpu.memref_slice %arg9[%dma_wait3A_143, %dma_wait3A_144, %dma_wait3A_145] : memref<2x128x128xf32, #tpu.memory_space<vmem>> -> memref<1x128x128xf32, #tpu.memory_space<vmem>>
      %dma_wait3A_147 = tpu.memref_squeeze %dma_wait3A_146 : memref<1x128x128xf32, #tpu.memory_space<vmem>> -> memref<128x128xf32, #tpu.memory_space<vmem>>
      %dma_wait3A_148 = arith.constant 0 : i32
      %dma_wait3A_149 = tpu.memref_slice %arg7[%add3A_142, %dma_wait3A_148] : memref<40x128xi32, #tpu.memory_space<vmem>> -> memref<1x128xi32, #tpu.memory_space<vmem>>
      %dma_wait3A_150 = tpu.memref_squeeze %dma_wait3A_149 : memref<1x128xi32, #tpu.memory_space<vmem>> -> memref<128xi32, #tpu.memory_space<vmem>>
      %dma_wait3A_151 = arith.constant 0 : i32
      %dma_wait3A_152 = arith.constant 0 : i32
      %dma_wait3A_153 = tpu.memref_slice %arg2[%dma_wait3A_151, %dma_wait3A_152] : memref<10008x128xf32, #tpu.memory_space<hbm>> -> memref<10008x128xf32, #tpu.memory_space<hbm>>
      tpu.wait_indirect_dma semaphore(%arg11 : memref<!tpu.dma_semaphore, #tpu.memory_space<semaphore_mem>>) src(%dma_wait3A_153 : memref<10008x128xf32, #tpu.memory_space<hbm>>) dst(%dma_wait3A_147 : memref<128x128xf32, #tpu.memory_space<vmem>>)
      %run_scoped3A_154 = arith.constant 0 : i32
      "tpu.region"() ({
        %run_scoped3A_197 = tpu.sem_alloc : memref<!tpu.dma_semaphore, #tpu.memory_space<semaphore_mem>>
        %dma_start3A_198 = arith.constant 0 : i32
        %dma_start3A_199 = arith.constant 0 : i32
        %dma_start3A_200 = tpu.memref_slice %arg9[%run_scoped3A_154, %dma_start3A_198, %dma_start3A_199] : memref<2x128x128xf32, #tpu.memory_space<vmem>> -> memref<1x128x128xf32, #tpu.memory_space<vmem>>
        %dma_start3A_201 = tpu.memref_squeeze %dma_start3A_200 : memref<1x128x128xf32, #tpu.memory_space<vmem>> -> memref<128x128xf32, #tpu.memory_space<vmem>>
        %dma_start3A_202 = arith.constant 0 : i32
        %dma_start3A_203 = tpu.memref_slice %arg8[%add3A_142, %dma_start3A_202] : memref<40x128xi32, #tpu.memory_space<vmem>> -> memref<1x128xi32, #tpu.memory_space<vmem>>
        %dma_start3A_204 = tpu.memref_squeeze %dma_start3A_203 : memref<1x128xi32, #tpu.memory_space<vmem>> -> memref<128xi32, #tpu.memory_space<vmem>>
        %dma_start3A_205 = arith.constant 0 : i32
        %dma_start3A_206 = arith.constant 0 : i32
        %dma_start3A_207 = tpu.memref_slice %arg10[%dma_start3A_205, %dma_start3A_206] : memref<10008x128xf32, #tpu.memory_space<vmem_shared>> -> memref<10008x128xf32, #tpu.memory_space<vmem_shared>>
        tpu.enqueue_indirect_dma source(%dma_start3A_201 : memref<128x128xf32, #tpu.memory_space<vmem>>) target(%dma_start3A_207 : memref<10008x128xf32, #tpu.memory_space<vmem_shared>>) offsets(%dma_start3A_204 : memref<128xi32, #tpu.memory_space<vmem>>) semaphore(%run_scoped3A_197 : memref<!tpu.dma_semaphore, #tpu.memory_space<semaphore_mem>>) {add = true}
        %dma_wait3A_208 = arith.constant 0 : i32
        %dma_wait3A_209 = arith.constant 0 : i32
        %dma_wait3A_210 = tpu.memref_slice %arg9[%run_scoped3A_154, %dma_wait3A_208, %dma_wait3A_209] : memref<2x128x128xf32, #tpu.memory_space<vmem>> -> memref<1x128x128xf32, #tpu.memory_space<vmem>>
        %dma_wait3A_211 = tpu.memref_squeeze %dma_wait3A_210 : memref<1x128x128xf32, #tpu.memory_space<vmem>> -> memref<128x128xf32, #tpu.memory_space<vmem>>
        %dma_wait3A_212 = arith.constant 0 : i32
        %dma_wait3A_213 = tpu.memref_slice %arg8[%add3A_142, %dma_wait3A_212] : memref<40x128xi32, #tpu.memory_space<vmem>> -> memref<1x128xi32, #tpu.memory_space<vmem>>
        %dma_wait3A_214 = tpu.memref_squeeze %dma_wait3A_213 : memref<1x128xi32, #tpu.memory_space<vmem>> -> memref<128xi32, #tpu.memory_space<vmem>>
        %dma_wait3A_215 = arith.constant 0 : i32
        %dma_wait3A_216 = arith.constant 0 : i32
        %dma_wait3A_217 = tpu.memref_slice %arg10[%dma_wait3A_215, %dma_wait3A_216] : memref<10008x128xf32, #tpu.memory_space<vmem_shared>> -> memref<10008x128xf32, #tpu.memory_space<vmem_shared>>
        tpu.wait_indirect_dma semaphore(%run_scoped3A_197 : memref<!tpu.dma_semaphore, #tpu.memory_space<semaphore_mem>>) src(%dma_wait3A_211 : memref<128x128xf32, #tpu.memory_space<vmem>>) dst(%dma_wait3A_217 : memref<10008x128xf32, #tpu.memory_space<vmem_shared>>)
        tpu.yield
      }) : () -> ()
      %add3A_155 = arith.constant 2 : i32
      %add3A_156 = arith.addi %add3A_142, %add3A_155 : i32
      %dma_start3A_157 = arith.constant 0 : i32
      %dma_start3A_158 = arith.constant 0 : i32
      %dma_start3A_159 = arith.constant 0 : i32
      %dma_start3A_160 = tpu.memref_slice %arg9[%dma_start3A_157, %dma_start3A_158, %dma_start3A_159] : memref<2x128x128xf32, #tpu.memory_space<vmem>> -> memref<1x128x128xf32, #tpu.memory_space<vmem>>
      %dma_start3A_161 = tpu.memref_squeeze %dma_start3A_160 : memref<1x128x128xf32, #tpu.memory_space<vmem>> -> memref<128x128xf32, #tpu.memory_space<vmem>>
      %dma_start3A_162 = arith.constant 0 : i32
      %dma_start3A_163 = tpu.memref_slice %arg7[%add3A_156, %dma_start3A_162] : memref<40x128xi32, #tpu.memory_space<vmem>> -> memref<1x128xi32, #tpu.memory_space<vmem>>
      %dma_start3A_164 = tpu.memref_squeeze %dma_start3A_163 : memref<1x128xi32, #tpu.memory_space<vmem>> -> memref<128xi32, #tpu.memory_space<vmem>>
      %dma_start3A_165 = arith.constant 0 : i32
      %dma_start3A_166 = arith.constant 0 : i32
      %dma_start3A_167 = tpu.memref_slice %arg2[%dma_start3A_165, %dma_start3A_166] : memref<10008x128xf32, #tpu.memory_space<hbm>> -> memref<10008x128xf32, #tpu.memory_space<hbm>>
      tpu.enqueue_indirect_dma source(%dma_start3A_167 : memref<10008x128xf32, #tpu.memory_space<hbm>>) target(%dma_start3A_161 : memref<128x128xf32, #tpu.memory_space<vmem>>) offsets(%dma_start3A_164 : memref<128xi32, #tpu.memory_space<vmem>>) semaphore(%arg11 : memref<!tpu.dma_semaphore, #tpu.memory_space<semaphore_mem>>)
      %mul3A_168 = arith.constant 2 : i32
      %mul3A_169 = arith.muli %add3A_138, %mul3A_168 : i32
      %add3A_170 = arith.constant 1 : i32
      %add3A_171 = arith.addi %mul3A_169, %add3A_170 : i32
      %dma_wait3A_172 = arith.constant 1 : i32
      %dma_wait3A_173 = arith.constant 0 : i32
      %dma_wait3A_174 = arith.constant 0 : i32
      %dma_wait3A_175 = tpu.memref_slice %arg9[%dma_wait3A_172, %dma_wait3A_173, %dma_wait3A_174] : memref<2x128x128xf32, #tpu.memory_space<vmem>> -> memref<1x128x128xf32, #tpu.memory_space<vmem>>
      %dma_wait3A_176 = tpu.memref_squeeze %dma_wait3A_175 : memref<1x128x128xf32, #tpu.memory_space<vmem>> -> memref<128x128xf32, #tpu.memory_space<vmem>>
      %dma_wait3A_177 = arith.constant 0 : i32
      %dma_wait3A_178 = tpu.memref_slice %arg7[%add3A_171, %dma_wait3A_177] : memref<40x128xi32, #tpu.memory_space<vmem>> -> memref<1x128xi32, #tpu.memory_space<vmem>>
      %dma_wait3A_179 = tpu.memref_squeeze %dma_wait3A_178 : memref<1x128xi32, #tpu.memory_space<vmem>> -> memref<128xi32, #tpu.memory_space<vmem>>
      %dma_wait3A_180 = arith.constant 0 : i32
      %dma_wait3A_181 = arith.constant 0 : i32
      %dma_wait3A_182 = tpu.memref_slice %arg2[%dma_wait3A_180, %dma_wait3A_181] : memref<10008x128xf32, #tpu.memory_space<hbm>> -> memref<10008x128xf32, #tpu.memory_space<hbm>>
      tpu.wait_indirect_dma semaphore(%arg12 : memref<!tpu.dma_semaphore, #tpu.memory_space<semaphore_mem>>) src(%dma_wait3A_182 : memref<10008x128xf32, #tpu.memory_space<hbm>>) dst(%dma_wait3A_176 : memref<128x128xf32, #tpu.memory_space<vmem>>)
      %run_scoped3A_183 = arith.constant 1 : i32
      "tpu.region"() ({
        %run_scoped3A_197 = tpu.sem_alloc : memref<!tpu.dma_semaphore, #tpu.memory_space<semaphore_mem>>
        %dma_start3A_198 = arith.constant 0 : i32
        %dma_start3A_199 = arith.constant 0 : i32
        %dma_start3A_200 = tpu.memref_slice %arg9[%run_scoped3A_183, %dma_start3A_198, %dma_start3A_199] : memref<2x128x128xf32, #tpu.memory_space<vmem>> -> memref<1x128x128xf32, #tpu.memory_space<vmem>>
        %dma_start3A_201 = tpu.memref_squeeze %dma_start3A_200 : memref<1x128x128xf32, #tpu.memory_space<vmem>> -> memref<128x128xf32, #tpu.memory_space<vmem>>
        %dma_start3A_202 = arith.constant 0 : i32
        %dma_start3A_203 = tpu.memref_slice %arg8[%add3A_171, %dma_start3A_202] : memref<40x128xi32, #tpu.memory_space<vmem>> -> memref<1x128xi32, #tpu.memory_space<vmem>>
        %dma_start3A_204 = tpu.memref_squeeze %dma_start3A_203 : memref<1x128xi32, #tpu.memory_space<vmem>> -> memref<128xi32, #tpu.memory_space<vmem>>
        %dma_start3A_205 = arith.constant 0 : i32
        %dma_start3A_206 = arith.constant 0 : i32
        %dma_start3A_207 = tpu.memref_slice %arg10[%dma_start3A_205, %dma_start3A_206] : memref<10008x128xf32, #tpu.memory_space<vmem_shared>> -> memref<10008x128xf32, #tpu.memory_space<vmem_shared>>
        tpu.enqueue_indirect_dma source(%dma_start3A_201 : memref<128x128xf32, #tpu.memory_space<vmem>>) target(%dma_start3A_207 : memref<10008x128xf32, #tpu.memory_space<vmem_shared>>) offsets(%dma_start3A_204 : memref<128xi32, #tpu.memory_space<vmem>>) semaphore(%run_scoped3A_197 : memref<!tpu.dma_semaphore, #tpu.memory_space<semaphore_mem>>) {add = true}
        %dma_wait3A_208 = arith.constant 0 : i32
        %dma_wait3A_209 = arith.constant 0 : i32
        %dma_wait3A_210 = tpu.memref_slice %arg9[%run_scoped3A_183, %dma_wait3A_208, %dma_wait3A_209] : memref<2x128x128xf32, #tpu.memory_space<vmem>> -> memref<1x128x128xf32, #tpu.memory_space<vmem>>
        %dma_wait3A_211 = tpu.memref_squeeze %dma_wait3A_210 : memref<1x128x128xf32, #tpu.memory_space<vmem>> -> memref<128x128xf32, #tpu.memory_space<vmem>>
        %dma_wait3A_212 = arith.constant 0 : i32
        %dma_wait3A_213 = tpu.memref_slice %arg8[%add3A_171, %dma_wait3A_212] : memref<40x128xi32, #tpu.memory_space<vmem>> -> memref<1x128xi32, #tpu.memory_space<vmem>>
        %dma_wait3A_214 = tpu.memref_squeeze %dma_wait3A_213 : memref<1x128xi32, #tpu.memory_space<vmem>> -> memref<128xi32, #tpu.memory_space<vmem>>
        %dma_wait3A_215 = arith.constant 0 : i32
        %dma_wait3A_216 = arith.constant 0 : i32
        %dma_wait3A_217 = tpu.memref_slice %arg10[%dma_wait3A_215, %dma_wait3A_216] : memref<10008x128xf32, #tpu.memory_space<vmem_shared>> -> memref<10008x128xf32, #tpu.memory_space<vmem_shared>>
        tpu.wait_indirect_dma semaphore(%run_scoped3A_197 : memref<!tpu.dma_semaphore, #tpu.memory_space<semaphore_mem>>) src(%dma_wait3A_211 : memref<128x128xf32, #tpu.memory_space<vmem>>) dst(%dma_wait3A_217 : memref<10008x128xf32, #tpu.memory_space<vmem_shared>>)
        tpu.yield
      }) : () -> ()
      %add3A_184 = arith.constant 2 : i32
      %add3A_185 = arith.addi %add3A_171, %add3A_184 : i32
      %dma_start3A_186 = arith.constant 1 : i32
      %dma_start3A_187 = arith.constant 0 : i32
      %dma_start3A_188 = arith.constant 0 : i32
      %dma_start3A_189 = tpu.memref_slice %arg9[%dma_start3A_186, %dma_start3A_187, %dma_start3A_188] : memref<2x128x128xf32, #tpu.memory_space<vmem>> -> memref<1x128x128xf32, #tpu.memory_space<vmem>>
      %dma_start3A_190 = tpu.memref_squeeze %dma_start3A_189 : memref<1x128x128xf32, #tpu.memory_space<vmem>> -> memref<128x128xf32, #tpu.memory_space<vmem>>
      %dma_start3A_191 = arith.constant 0 : i32
      %dma_start3A_192 = tpu.memref_slice %arg7[%add3A_185, %dma_start3A_191] : memref<40x128xi32, #tpu.memory_space<vmem>> -> memref<1x128xi32, #tpu.memory_space<vmem>>
      %dma_start3A_193 = tpu.memref_squeeze %dma_start3A_192 : memref<1x128xi32, #tpu.memory_space<vmem>> -> memref<128xi32, #tpu.memory_space<vmem>>
      %dma_start3A_194 = arith.constant 0 : i32
      %dma_start3A_195 = arith.constant 0 : i32
      %dma_start3A_196 = tpu.memref_slice %arg2[%dma_start3A_194, %dma_start3A_195] : memref<10008x128xf32, #tpu.memory_space<hbm>> -> memref<10008x128xf32, #tpu.memory_space<hbm>>
      tpu.enqueue_indirect_dma source(%dma_start3A_196 : memref<10008x128xf32, #tpu.memory_space<hbm>>) target(%dma_start3A_190 : memref<128x128xf32, #tpu.memory_space<vmem>>) offsets(%dma_start3A_193 : memref<128xi32, #tpu.memory_space<vmem>>) semaphore(%arg12 : memref<!tpu.dma_semaphore, #tpu.memory_space<semaphore_mem>>)
    }
    %scan3A_37 = arith.constant 19 : i32
    %dma_wait3A = arith.constant 38 : i32
    %dma_wait3A_38 = arith.constant 0 : i32
    %dma_wait3A_39 = arith.constant 0 : i32
    %dma_wait3A_40 = arith.constant 0 : i32
    %dma_wait3A_41 = tpu.memref_slice %arg9[%dma_wait3A_38, %dma_wait3A_39, %dma_wait3A_40] : memref<2x128x128xf32, #tpu.memory_space<vmem>> -> memref<1x128x128xf32, #tpu.memory_space<vmem>>
    %dma_wait3A_42 = tpu.memref_squeeze %dma_wait3A_41 : memref<1x128x128xf32, #tpu.memory_space<vmem>> -> memref<128x128xf32, #tpu.memory_space<vmem>>
    %dma_wait3A_43 = arith.constant 0 : i32
    %dma_wait3A_44 = tpu.memref_slice %arg7[%dma_wait3A, %dma_wait3A_43] : memref<40x128xi32, #tpu.memory_space<vmem>> -> memref<1x128xi32, #tpu.memory_space<vmem>>
    %dma_wait3A_45 = tpu.memref_squeeze %dma_wait3A_44 : memref<1x128xi32, #tpu.memory_space<vmem>> -> memref<128xi32, #tpu.memory_space<vmem>>
    %dma_wait3A_46 = arith.constant 0 : i32
    %dma_wait3A_47 = arith.constant 0 : i32
    %dma_wait3A_48 = tpu.memref_slice %arg2[%dma_wait3A_46, %dma_wait3A_47] : memref<10008x128xf32, #tpu.memory_space<hbm>> -> memref<10008x128xf32, #tpu.memory_space<hbm>>
    tpu.wait_indirect_dma semaphore(%arg11 : memref<!tpu.dma_semaphore, #tpu.memory_space<semaphore_mem>>) src(%dma_wait3A_48 : memref<10008x128xf32, #tpu.memory_space<hbm>>) dst(%dma_wait3A_42 : memref<128x128xf32, #tpu.memory_space<vmem>>)
    %run_scoped3A = arith.constant 0 : i32
    %run_scoped3A_49 = arith.constant 38 : i32
    "tpu.region"() ({
      %run_scoped3A_134 = tpu.sem_alloc : memref<!tpu.dma_semaphore, #tpu.memory_space<semaphore_mem>>
      %dma_start3A_135 = arith.constant 0 : i32
      %dma_start3A_136 = arith.constant 0 : i32
      %dma_start3A_137 = tpu.memref_slice %arg9[%run_scoped3A, %dma_start3A_135, %dma_start3A_136] : memref<2x128x128xf32, #tpu.memory_space<vmem>> -> memref<1x128x128xf32, #tpu.memory_space<vmem>>
      %dma_start3A_138 = tpu.memref_squeeze %dma_start3A_137 : memref<1x128x128xf32, #tpu.memory_space<vmem>> -> memref<128x128xf32, #tpu.memory_space<vmem>>
      %dma_start3A_139 = arith.constant 0 : i32
      %dma_start3A_140 = tpu.memref_slice %arg8[%run_scoped3A_49, %dma_start3A_139] : memref<40x128xi32, #tpu.memory_space<vmem>> -> memref<1x128xi32, #tpu.memory_space<vmem>>
      %dma_start3A_141 = tpu.memref_squeeze %dma_start3A_140 : memref<1x128xi32, #tpu.memory_space<vmem>> -> memref<128xi32, #tpu.memory_space<vmem>>
      %dma_start3A_142 = arith.constant 0 : i32
      %dma_start3A_143 = arith.constant 0 : i32
      %dma_start3A_144 = tpu.memref_slice %arg10[%dma_start3A_142, %dma_start3A_143] : memref<10008x128xf32, #tpu.memory_space<vmem_shared>> -> memref<10008x128xf32, #tpu.memory_space<vmem_shared>>
      tpu.enqueue_indirect_dma source(%dma_start3A_138 : memref<128x128xf32, #tpu.memory_space<vmem>>) target(%dma_start3A_144 : memref<10008x128xf32, #tpu.memory_space<vmem_shared>>) offsets(%dma_start3A_141 : memref<128xi32, #tpu.memory_space<vmem>>) semaphore(%run_scoped3A_134 : memref<!tpu.dma_semaphore, #tpu.memory_space<semaphore_mem>>) {add = true}
      %dma_wait3A_145 = arith.constant 0 : i32
      %dma_wait3A_146 = arith.constant 0 : i32
      %dma_wait3A_147 = tpu.memref_slice %arg9[%run_scoped3A, %dma_wait3A_145, %dma_wait3A_146] : memref<2x128x128xf32, #tpu.memory_space<vmem>> -> memref<1x128x128xf32, #tpu.memory_space<vmem>>
      %dma_wait3A_148 = tpu.memref_squeeze %dma_wait3A_147 : memref<1x128x128xf32, #tpu.memory_space<vmem>> -> memref<128x128xf32, #tpu.memory_space<vmem>>
      %dma_wait3A_149 = arith.constant 0 : i32
      %dma_wait3A_150 = tpu.memref_slice %arg8[%run_scoped3A_49, %dma_wait3A_149] : memref<40x128xi32, #tpu.memory_space<vmem>> -> memref<1x128xi32, #tpu.memory_space<vmem>>
      %dma_wait3A_151 = tpu.memref_squeeze %dma_wait3A_150 : memref<1x128xi32, #tpu.memory_space<vmem>> -> memref<128xi32, #tpu.memory_space<vmem>>
      %dma_wait3A_152 = arith.constant 0 : i32
      %dma_wait3A_153 = arith.constant 0 : i32
      %dma_wait3A_154 = tpu.memref_slice %arg10[%dma_wait3A_152, %dma_wait3A_153] : memref<10008x128xf32, #tpu.memory_space<vmem_shared>> -> memref<10008x128xf32, #tpu.memory_space<vmem_shared>>
      tpu.wait_indirect_dma semaphore(%run_scoped3A_134 : memref<!tpu.dma_semaphore, #tpu.memory_space<semaphore_mem>>) src(%dma_wait3A_148 : memref<128x128xf32, #tpu.memory_space<vmem>>) dst(%dma_wait3A_154 : memref<10008x128xf32, #tpu.memory_space<vmem_shared>>)
      tpu.yield
    }) : () -> ()
    %dma_wait3A_50 = arith.constant 39 : i32
    %dma_wait3A_51 = arith.constant 1 : i32
    %dma_wait3A_52 = arith.constant 0 : i32
    %dma_wait3A_53 = arith.constant 0 : i32
    %dma_wait3A_54 = tpu.memref_slice %arg9[%dma_wait3A_51, %dma_wait3A_52, %dma_wait3A_53] : memref<2x128x128xf32, #tpu.memory_space<vmem>> -> memref<1x128x128xf32, #tpu.memory_space<vmem>>
    %dma_wait3A_55 = tpu.memref_squeeze %dma_wait3A_54 : memref<1x128x128xf32, #tpu.memory_space<vmem>> -> memref<128x128xf32, #tpu.memory_space<vmem>>
    %dma_wait3A_56 = arith.constant 0 : i32
    %dma_wait3A_57 = tpu.memref_slice %arg7[%dma_wait3A_50, %dma_wait3A_56] : memref<40x128xi32, #tpu.memory_space<vmem>> -> memref<1x128xi32, #tpu.memory_space<vmem>>
    %dma_wait3A_58 = tpu.memref_squeeze %dma_wait3A_57 : memref<1x128xi32, #tpu.memory_space<vmem>> -> memref<128xi32, #tpu.memory_space<vmem>>
    %dma_wait3A_59 = arith.constant 0 : i32
    %dma_wait3A_60 = arith.constant 0 : i32
    %dma_wait3A_61 = tpu.memref_slice %arg2[%dma_wait3A_59, %dma_wait3A_60] : memref<10008x128xf32, #tpu.memory_space<hbm>> -> memref<10008x128xf32, #tpu.memory_space<hbm>>
    tpu.wait_indirect_dma semaphore(%arg12 : memref<!tpu.dma_semaphore, #tpu.memory_space<semaphore_mem>>) src(%dma_wait3A_61 : memref<10008x128xf32, #tpu.memory_space<hbm>>) dst(%dma_wait3A_55 : memref<128x128xf32, #tpu.memory_space<vmem>>)
    %run_scoped3A_62 = arith.constant 1 : i32
    %run_scoped3A_63 = arith.constant 39 : i32
    "tpu.region"() ({
      %run_scoped3A_134 = tpu.sem_alloc : memref<!tpu.dma_semaphore, #tpu.memory_space<semaphore_mem>>
      %dma_start3A_135 = arith.constant 0 : i32
      %dma_start3A_136 = arith.constant 0 : i32
      %dma_start3A_137 = tpu.memref_slice %arg9[%run_scoped3A_62, %dma_start3A_135, %dma_start3A_136] : memref<2x128x128xf32, #tpu.memory_space<vmem>> -> memref<1x128x128xf32, #tpu.memory_space<vmem>>
      %dma_start3A_138 = tpu.memref_squeeze %dma_start3A_137 : memref<1x128x128xf32, #tpu.memory_space<vmem>> -> memref<128x128xf32, #tpu.memory_space<vmem>>
      %dma_start3A_139 = arith.constant 0 : i32
      %dma_start3A_140 = tpu.memref_slice %arg8[%run_scoped3A_63, %dma_start3A_139] : memref<40x128xi32, #tpu.memory_space<vmem>> -> memref<1x128xi32, #tpu.memory_space<vmem>>
      %dma_start3A_141 = tpu.memref_squeeze %dma_start3A_140 : memref<1x128xi32, #tpu.memory_space<vmem>> -> memref<128xi32, #tpu.memory_space<vmem>>
      %dma_start3A_142 = arith.constant 0 : i32
      %dma_start3A_143 = arith.constant 0 : i32
      %dma_start3A_144 = tpu.memref_slice %arg10[%dma_start3A_142, %dma_start3A_143] : memref<10008x128xf32, #tpu.memory_space<vmem_shared>> -> memref<10008x128xf32, #tpu.memory_space<vmem_shared>>
      tpu.enqueue_indirect_dma source(%dma_start3A_138 : memref<128x128xf32, #tpu.memory_space<vmem>>) target(%dma_start3A_144 : memref<10008x128xf32, #tpu.memory_space<vmem_shared>>) offsets(%dma_start3A_141 : memref<128xi32, #tpu.memory_space<vmem>>) semaphore(%run_scoped3A_134 : memref<!tpu.dma_semaphore, #tpu.memory_space<semaphore_mem>>) {add = true}
      %dma_wait3A_145 = arith.constant 0 : i32
      %dma_wait3A_146 = arith.constant 0 : i32
      %dma_wait3A_147 = tpu.memref_slice %arg9[%run_scoped3A_62, %dma_wait3A_145, %dma_wait3A_146] : memref<2x128x128xf32, #tpu.memory_space<vmem>> -> memref<1x128x128xf32, #tpu.memory_space<vmem>>
      %dma_wait3A_148 = tpu.memref_squeeze %dma_wait3A_147 : memref<1x128x128xf32, #tpu.memory_space<vmem>> -> memref<128x128xf32, #tpu.memory_space<vmem>>
      %dma_wait3A_149 = arith.constant 0 : i32
      %dma_wait3A_150 = tpu.memref_slice %arg8[%run_scoped3A_63, %dma_wait3A_149] : memref<40x128xi32, #tpu.memory_space<vmem>> -> memref<1x128xi32, #tpu.memory_space<vmem>>
      %dma_wait3A_151 = tpu.memref_squeeze %dma_wait3A_150 : memref<1x128xi32, #tpu.memory_space<vmem>> -> memref<128xi32, #tpu.memory_space<vmem>>
      %dma_wait3A_152 = arith.constant 0 : i32
      %dma_wait3A_153 = arith.constant 0 : i32
      %dma_wait3A_154 = tpu.memref_slice %arg10[%dma_wait3A_152, %dma_wait3A_153] : memref<10008x128xf32, #tpu.memory_space<vmem_shared>> -> memref<10008x128xf32, #tpu.memory_space<vmem_shared>>
      tpu.wait_indirect_dma semaphore(%run_scoped3A_134 : memref<!tpu.dma_semaphore, #tpu.memory_space<semaphore_mem>>) src(%dma_wait3A_148 : memref<128x128xf32, #tpu.memory_space<vmem>>) dst(%dma_wait3A_154 : memref<10008x128xf32, #tpu.memory_space<vmem_shared>>)
      tpu.yield
    }) : () -> ()
    %add3A_64 = arith.constant 40 : i32
    %add3A_65 = arith.addi %mul3A_2, %add3A_64 : i32
    "tpu.region"() ({
      %run_scoped3A_134 = tpu.sem_alloc : memref<!tpu.dma_semaphore, #tpu.memory_space<semaphore_mem>>
      %dma_start3A_135 = arith.constant 0 : i32
      %dma_start3A_136 = tpu.memref_slice %arg3[%add3A_65, %dma_start3A_135] : memref<2560x128xi32, #tpu.memory_space<hbm>> -> memref<40x128xi32, #tpu.memory_space<hbm>>
      %dma_start3A_137 = arith.constant 0 : i32
      %dma_start3A_138 = tpu.memref_slice %arg3[%add3A_65, %dma_start3A_137] : memref<2560x128xi32, #tpu.memory_space<hbm>> -> memref<40x128xi32, #tpu.memory_space<hbm>>
      tpu.enqueue_dma source(%dma_start3A_138 : memref<40x128xi32, #tpu.memory_space<hbm>>) target(%arg7 : memref<40x128xi32, #tpu.memory_space<vmem>>) target_semaphore(%run_scoped3A_134 : memref<!tpu.dma_semaphore, #tpu.memory_space<semaphore_mem>>)
      %dma_wait3A_139 = arith.constant 0 : i32
      %dma_wait3A_140 = tpu.memref_slice %arg3[%add3A_65, %dma_wait3A_139] : memref<2560x128xi32, #tpu.memory_space<hbm>> -> memref<40x128xi32, #tpu.memory_space<hbm>>
      %dma_wait3A_141 = arith.constant 0 : i32
      %dma_wait3A_142 = tpu.memref_slice %arg3[%add3A_65, %dma_wait3A_141] : memref<2560x128xi32, #tpu.memory_space<hbm>> -> memref<40x128xi32, #tpu.memory_space<hbm>>
      tpu.wait_dma2 semaphore(%run_scoped3A_134 : memref<!tpu.dma_semaphore, #tpu.memory_space<semaphore_mem>>) src(%dma_wait3A_142 : memref<40x128xi32, #tpu.memory_space<hbm>>) dst(%arg7 : memref<40x128xi32, #tpu.memory_space<vmem>>)
      tpu.yield
    }) : () -> ()
    "tpu.region"() ({
      %run_scoped3A_134 = tpu.sem_alloc : memref<!tpu.dma_semaphore, #tpu.memory_space<semaphore_mem>>
      %dma_start3A_135 = arith.constant 0 : i32
      %dma_start3A_136 = tpu.memref_slice %arg4[%add3A_65, %dma_start3A_135] : memref<2560x128xi32, #tpu.memory_space<hbm>> -> memref<40x128xi32, #tpu.memory_space<hbm>>
      %dma_start3A_137 = arith.constant 0 : i32
      %dma_start3A_138 = tpu.memref_slice %arg4[%add3A_65, %dma_start3A_137] : memref<2560x128xi32, #tpu.memory_space<hbm>> -> memref<40x128xi32, #tpu.memory_space<hbm>>
      tpu.enqueue_dma source(%dma_start3A_138 : memref<40x128xi32, #tpu.memory_space<hbm>>) target(%arg8 : memref<40x128xi32, #tpu.memory_space<vmem>>) target_semaphore(%run_scoped3A_134 : memref<!tpu.dma_semaphore, #tpu.memory_space<semaphore_mem>>)
      %dma_wait3A_139 = arith.constant 0 : i32
      %dma_wait3A_140 = tpu.memref_slice %arg4[%add3A_65, %dma_wait3A_139] : memref<2560x128xi32, #tpu.memory_space<hbm>> -> memref<40x128xi32, #tpu.memory_space<hbm>>
      %dma_wait3A_141 = arith.constant 0 : i32
      %dma_wait3A_142 = tpu.memref_slice %arg4[%add3A_65, %dma_wait3A_141] : memref<2560x128xi32, #tpu.memory_space<hbm>> -> memref<40x128xi32, #tpu.memory_space<hbm>>
      tpu.wait_dma2 semaphore(%run_scoped3A_134 : memref<!tpu.dma_semaphore, #tpu.memory_space<semaphore_mem>>) src(%dma_wait3A_142 : memref<40x128xi32, #tpu.memory_space<hbm>>) dst(%arg8 : memref<40x128xi32, #tpu.memory_space<vmem>>)
      tpu.yield
    }) : () -> ()
    %dma_start3A_66 = arith.constant 0 : i32
    %dma_start3A_67 = arith.constant 0 : i32
    %dma_start3A_68 = arith.constant 0 : i32
    %dma_start3A_69 = arith.constant 0 : i32
    %dma_start3A_70 = tpu.memref_slice %arg9[%dma_start3A_67, %dma_start3A_68, %dma_start3A_69] : memref<2x128x128xf32, #tpu.memory_space<vmem>> -> memref<1x128x128xf32, #tpu.memory_space<vmem>>
    %dma_start3A_71 = tpu.memref_squeeze %dma_start3A_70 : memref<1x128x128xf32, #tpu.memory_space<vmem>> -> memref<128x128xf32, #tpu.memory_space<vmem>>
    %dma_start3A_72 = arith.constant 0 : i32
    %dma_start3A_73 = tpu.memref_slice %arg7[%dma_start3A_66, %dma_start3A_72] : memref<40x128xi32, #tpu.memory_space<vmem>> -> memref<1x128xi32, #tpu.memory_space<vmem>>
    %dma_start3A_74 = tpu.memref_squeeze %dma_start3A_73 : memref<1x128xi32, #tpu.memory_space<vmem>> -> memref<128xi32, #tpu.memory_space<vmem>>
    %dma_start3A_75 = arith.constant 0 : i32
    %dma_start3A_76 = arith.constant 0 : i32
    %dma_start3A_77 = tpu.memref_slice %arg2[%dma_start3A_75, %dma_start3A_76] : memref<10008x128xf32, #tpu.memory_space<hbm>> -> memref<10008x128xf32, #tpu.memory_space<hbm>>
    tpu.enqueue_indirect_dma source(%dma_start3A_77 : memref<10008x128xf32, #tpu.memory_space<hbm>>) target(%dma_start3A_71 : memref<128x128xf32, #tpu.memory_space<vmem>>) offsets(%dma_start3A_74 : memref<128xi32, #tpu.memory_space<vmem>>) semaphore(%arg11 : memref<!tpu.dma_semaphore, #tpu.memory_space<semaphore_mem>>)
    %dma_start3A_78 = arith.constant 1 : i32
    %dma_start3A_79 = arith.constant 1 : i32
    %dma_start3A_80 = arith.constant 0 : i32
    %dma_start3A_81 = arith.constant 0 : i32
    %dma_start3A_82 = tpu.memref_slice %arg9[%dma_start3A_79, %dma_start3A_80, %dma_start3A_81] : memref<2x128x128xf32, #tpu.memory_space<vmem>> -> memref<1x128x128xf32, #tpu.memory_space<vmem>>
    %dma_start3A_83 = tpu.memref_squeeze %dma_start3A_82 : memref<1x128x128xf32, #tpu.memory_space<vmem>> -> memref<128x128xf32, #tpu.memory_space<vmem>>
    %dma_start3A_84 = arith.constant 0 : i32
    %dma_start3A_85 = tpu.memref_slice %arg7[%dma_start3A_78, %dma_start3A_84] : memref<40x128xi32, #tpu.memory_space<vmem>> -> memref<1x128xi32, #tpu.memory_space<vmem>>
    %dma_start3A_86 = tpu.memref_squeeze %dma_start3A_85 : memref<1x128xi32, #tpu.memory_space<vmem>> -> memref<128xi32, #tpu.memory_space<vmem>>
    %dma_start3A_87 = arith.constant 0 : i32
    %dma_start3A_88 = arith.constant 0 : i32
    %dma_start3A_89 = tpu.memref_slice %arg2[%dma_start3A_87, %dma_start3A_88] : memref<10008x128xf32, #tpu.memory_space<hbm>> -> memref<10008x128xf32, #tpu.memory_space<hbm>>
    tpu.enqueue_indirect_dma source(%dma_start3A_89 : memref<10008x128xf32, #tpu.memory_space<hbm>>) target(%dma_start3A_83 : memref<128x128xf32, #tpu.memory_space<vmem>>) offsets(%dma_start3A_86 : memref<128xi32, #tpu.memory_space<vmem>>) semaphore(%arg12 : memref<!tpu.dma_semaphore, #tpu.memory_space<semaphore_mem>>)
    %scan3A_90 = arith.constant 0 : i32
    %scan3A_91 = arith.constant 19 : i32
    %scan3A_92 = arith.addi %scan3A_90, %scan3A_91 : i32
    %scan3A_93 = arith.constant 1 : i32
    scf.for %scan3A_134 = %scan3A_90 to %scan3A_92 step %scan3A_93  : i32 {
      %mul3A_135 = arith.constant 1 : i32
      %mul3A_136 = arith.muli %scan3A_134, %mul3A_135 : i32
      %add3A_137 = arith.constant 0 : i32
      %add3A_138 = arith.addi %add3A_137, %mul3A_136 : i32
      %mul3A_139 = arith.constant 2 : i32
      %mul3A_140 = arith.muli %add3A_138, %mul3A_139 : i32
      %add3A_141 = arith.constant 0 : i32
      %add3A_142 = arith.addi %mul3A_140, %add3A_141 : i32
      %dma_wait3A_143 = arith.constant 0 : i32
      %dma_wait3A_144 = arith.constant 0 : i32
      %dma_wait3A_145 = arith.constant 0 : i32
      %dma_wait3A_146 = tpu.memref_slice %arg9[%dma_wait3A_143, %dma_wait3A_144, %dma_wait3A_145] : memref<2x128x128xf32, #tpu.memory_space<vmem>> -> memref<1x128x128xf32, #tpu.memory_space<vmem>>
      %dma_wait3A_147 = tpu.memref_squeeze %dma_wait3A_146 : memref<1x128x128xf32, #tpu.memory_space<vmem>> -> memref<128x128xf32, #tpu.memory_space<vmem>>
      %dma_wait3A_148 = arith.constant 0 : i32
      %dma_wait3A_149 = tpu.memref_slice %arg7[%add3A_142, %dma_wait3A_148] : memref<40x128xi32, #tpu.memory_space<vmem>> -> memref<1x128xi32, #tpu.memory_space<vmem>>
      %dma_wait3A_150 = tpu.memref_squeeze %dma_wait3A_149 : memref<1x128xi32, #tpu.memory_space<vmem>> -> memref<128xi32, #tpu.memory_space<vmem>>
      %dma_wait3A_151 = arith.constant 0 : i32
      %dma_wait3A_152 = arith.constant 0 : i32
      %dma_wait3A_153 = tpu.memref_slice %arg2[%dma_wait3A_151, %dma_wait3A_152] : memref<10008x128xf32, #tpu.memory_space<hbm>> -> memref<10008x128xf32, #tpu.memory_space<hbm>>
      tpu.wait_indirect_dma semaphore(%arg11 : memref<!tpu.dma_semaphore, #tpu.memory_space<semaphore_mem>>) src(%dma_wait3A_153 : memref<10008x128xf32, #tpu.memory_space<hbm>>) dst(%dma_wait3A_147 : memref<128x128xf32, #tpu.memory_space<vmem>>)
      %run_scoped3A_154 = arith.constant 0 : i32
      "tpu.region"() ({
        %run_scoped3A_197 = tpu.sem_alloc : memref<!tpu.dma_semaphore, #tpu.memory_space<semaphore_mem>>
        %dma_start3A_198 = arith.constant 0 : i32
        %dma_start3A_199 = arith.constant 0 : i32
        %dma_start3A_200 = tpu.memref_slice %arg9[%run_scoped3A_154, %dma_start3A_198, %dma_start3A_199] : memref<2x128x128xf32, #tpu.memory_space<vmem>> -> memref<1x128x128xf32, #tpu.memory_space<vmem>>
        %dma_start3A_201 = tpu.memref_squeeze %dma_start3A_200 : memref<1x128x128xf32, #tpu.memory_space<vmem>> -> memref<128x128xf32, #tpu.memory_space<vmem>>
        %dma_start3A_202 = arith.constant 0 : i32
        %dma_start3A_203 = tpu.memref_slice %arg8[%add3A_142, %dma_start3A_202] : memref<40x128xi32, #tpu.memory_space<vmem>> -> memref<1x128xi32, #tpu.memory_space<vmem>>
        %dma_start3A_204 = tpu.memref_squeeze %dma_start3A_203 : memref<1x128xi32, #tpu.memory_space<vmem>> -> memref<128xi32, #tpu.memory_space<vmem>>
        %dma_start3A_205 = arith.constant 0 : i32
        %dma_start3A_206 = arith.constant 0 : i32
        %dma_start3A_207 = tpu.memref_slice %arg10[%dma_start3A_205, %dma_start3A_206] : memref<10008x128xf32, #tpu.memory_space<vmem_shared>> -> memref<10008x128xf32, #tpu.memory_space<vmem_shared>>
        tpu.enqueue_indirect_dma source(%dma_start3A_201 : memref<128x128xf32, #tpu.memory_space<vmem>>) target(%dma_start3A_207 : memref<10008x128xf32, #tpu.memory_space<vmem_shared>>) offsets(%dma_start3A_204 : memref<128xi32, #tpu.memory_space<vmem>>) semaphore(%run_scoped3A_197 : memref<!tpu.dma_semaphore, #tpu.memory_space<semaphore_mem>>) {add = true}
        %dma_wait3A_208 = arith.constant 0 : i32
        %dma_wait3A_209 = arith.constant 0 : i32
        %dma_wait3A_210 = tpu.memref_slice %arg9[%run_scoped3A_154, %dma_wait3A_208, %dma_wait3A_209] : memref<2x128x128xf32, #tpu.memory_space<vmem>> -> memref<1x128x128xf32, #tpu.memory_space<vmem>>
        %dma_wait3A_211 = tpu.memref_squeeze %dma_wait3A_210 : memref<1x128x128xf32, #tpu.memory_space<vmem>> -> memref<128x128xf32, #tpu.memory_space<vmem>>
        %dma_wait3A_212 = arith.constant 0 : i32
        %dma_wait3A_213 = tpu.memref_slice %arg8[%add3A_142, %dma_wait3A_212] : memref<40x128xi32, #tpu.memory_space<vmem>> -> memref<1x128xi32, #tpu.memory_space<vmem>>
        %dma_wait3A_214 = tpu.memref_squeeze %dma_wait3A_213 : memref<1x128xi32, #tpu.memory_space<vmem>> -> memref<128xi32, #tpu.memory_space<vmem>>
        %dma_wait3A_215 = arith.constant 0 : i32
        %dma_wait3A_216 = arith.constant 0 : i32
        %dma_wait3A_217 = tpu.memref_slice %arg10[%dma_wait3A_215, %dma_wait3A_216] : memref<10008x128xf32, #tpu.memory_space<vmem_shared>> -> memref<10008x128xf32, #tpu.memory_space<vmem_shared>>
        tpu.wait_indirect_dma semaphore(%run_scoped3A_197 : memref<!tpu.dma_semaphore, #tpu.memory_space<semaphore_mem>>) src(%dma_wait3A_211 : memref<128x128xf32, #tpu.memory_space<vmem>>) dst(%dma_wait3A_217 : memref<10008x128xf32, #tpu.memory_space<vmem_shared>>)
        tpu.yield
      }) : () -> ()
      %add3A_155 = arith.constant 2 : i32
      %add3A_156 = arith.addi %add3A_142, %add3A_155 : i32
      %dma_start3A_157 = arith.constant 0 : i32
      %dma_start3A_158 = arith.constant 0 : i32
      %dma_start3A_159 = arith.constant 0 : i32
      %dma_start3A_160 = tpu.memref_slice %arg9[%dma_start3A_157, %dma_start3A_158, %dma_start3A_159] : memref<2x128x128xf32, #tpu.memory_space<vmem>> -> memref<1x128x128xf32, #tpu.memory_space<vmem>>
      %dma_start3A_161 = tpu.memref_squeeze %dma_start3A_160 : memref<1x128x128xf32, #tpu.memory_space<vmem>> -> memref<128x128xf32, #tpu.memory_space<vmem>>
      %dma_start3A_162 = arith.constant 0 : i32
      %dma_start3A_163 = tpu.memref_slice %arg7[%add3A_156, %dma_start3A_162] : memref<40x128xi32, #tpu.memory_space<vmem>> -> memref<1x128xi32, #tpu.memory_space<vmem>>
      %dma_start3A_164 = tpu.memref_squeeze %dma_start3A_163 : memref<1x128xi32, #tpu.memory_space<vmem>> -> memref<128xi32, #tpu.memory_space<vmem>>
      %dma_start3A_165 = arith.constant 0 : i32
      %dma_start3A_166 = arith.constant 0 : i32
      %dma_start3A_167 = tpu.memref_slice %arg2[%dma_start3A_165, %dma_start3A_166] : memref<10008x128xf32, #tpu.memory_space<hbm>> -> memref<10008x128xf32, #tpu.memory_space<hbm>>
      tpu.enqueue_indirect_dma source(%dma_start3A_167 : memref<10008x128xf32, #tpu.memory_space<hbm>>) target(%dma_start3A_161 : memref<128x128xf32, #tpu.memory_space<vmem>>) offsets(%dma_start3A_164 : memref<128xi32, #tpu.memory_space<vmem>>) semaphore(%arg11 : memref<!tpu.dma_semaphore, #tpu.memory_space<semaphore_mem>>)
      %mul3A_168 = arith.constant 2 : i32
      %mul3A_169 = arith.muli %add3A_138, %mul3A_168 : i32
      %add3A_170 = arith.constant 1 : i32
      %add3A_171 = arith.addi %mul3A_169, %add3A_170 : i32
      %dma_wait3A_172 = arith.constant 1 : i32
      %dma_wait3A_173 = arith.constant 0 : i32
      %dma_wait3A_174 = arith.constant 0 : i32
      %dma_wait3A_175 = tpu.memref_slice %arg9[%dma_wait3A_172, %dma_wait3A_173, %dma_wait3A_174] : memref<2x128x128xf32, #tpu.memory_space<vmem>> -> memref<1x128x128xf32, #tpu.memory_space<vmem>>
      %dma_wait3A_176 = tpu.memref_squeeze %dma_wait3A_175 : memref<1x128x128xf32, #tpu.memory_space<vmem>> -> memref<128x128xf32, #tpu.memory_space<vmem>>
      %dma_wait3A_177 = arith.constant 0 : i32
      %dma_wait3A_178 = tpu.memref_slice %arg7[%add3A_171, %dma_wait3A_177] : memref<40x128xi32, #tpu.memory_space<vmem>> -> memref<1x128xi32, #tpu.memory_space<vmem>>
      %dma_wait3A_179 = tpu.memref_squeeze %dma_wait3A_178 : memref<1x128xi32, #tpu.memory_space<vmem>> -> memref<128xi32, #tpu.memory_space<vmem>>
      %dma_wait3A_180 = arith.constant 0 : i32
      %dma_wait3A_181 = arith.constant 0 : i32
      %dma_wait3A_182 = tpu.memref_slice %arg2[%dma_wait3A_180, %dma_wait3A_181] : memref<10008x128xf32, #tpu.memory_space<hbm>> -> memref<10008x128xf32, #tpu.memory_space<hbm>>
      tpu.wait_indirect_dma semaphore(%arg12 : memref<!tpu.dma_semaphore, #tpu.memory_space<semaphore_mem>>) src(%dma_wait3A_182 : memref<10008x128xf32, #tpu.memory_space<hbm>>) dst(%dma_wait3A_176 : memref<128x128xf32, #tpu.memory_space<vmem>>)
      %run_scoped3A_183 = arith.constant 1 : i32
      "tpu.region"() ({
        %run_scoped3A_197 = tpu.sem_alloc : memref<!tpu.dma_semaphore, #tpu.memory_space<semaphore_mem>>
        %dma_start3A_198 = arith.constant 0 : i32
        %dma_start3A_199 = arith.constant 0 : i32
        %dma_start3A_200 = tpu.memref_slice %arg9[%run_scoped3A_183, %dma_start3A_198, %dma_start3A_199] : memref<2x128x128xf32, #tpu.memory_space<vmem>> -> memref<1x128x128xf32, #tpu.memory_space<vmem>>
        %dma_start3A_201 = tpu.memref_squeeze %dma_start3A_200 : memref<1x128x128xf32, #tpu.memory_space<vmem>> -> memref<128x128xf32, #tpu.memory_space<vmem>>
        %dma_start3A_202 = arith.constant 0 : i32
        %dma_start3A_203 = tpu.memref_slice %arg8[%add3A_171, %dma_start3A_202] : memref<40x128xi32, #tpu.memory_space<vmem>> -> memref<1x128xi32, #tpu.memory_space<vmem>>
        %dma_start3A_204 = tpu.memref_squeeze %dma_start3A_203 : memref<1x128xi32, #tpu.memory_space<vmem>> -> memref<128xi32, #tpu.memory_space<vmem>>
        %dma_start3A_205 = arith.constant 0 : i32
        %dma_start3A_206 = arith.constant 0 : i32
        %dma_start3A_207 = tpu.memref_slice %arg10[%dma_start3A_205, %dma_start3A_206] : memref<10008x128xf32, #tpu.memory_space<vmem_shared>> -> memref<10008x128xf32, #tpu.memory_space<vmem_shared>>
        tpu.enqueue_indirect_dma source(%dma_start3A_201 : memref<128x128xf32, #tpu.memory_space<vmem>>) target(%dma_start3A_207 : memref<10008x128xf32, #tpu.memory_space<vmem_shared>>) offsets(%dma_start3A_204 : memref<128xi32, #tpu.memory_space<vmem>>) semaphore(%run_scoped3A_197 : memref<!tpu.dma_semaphore, #tpu.memory_space<semaphore_mem>>) {add = true}
        %dma_wait3A_208 = arith.constant 0 : i32
        %dma_wait3A_209 = arith.constant 0 : i32
        %dma_wait3A_210 = tpu.memref_slice %arg9[%run_scoped3A_183, %dma_wait3A_208, %dma_wait3A_209] : memref<2x128x128xf32, #tpu.memory_space<vmem>> -> memref<1x128x128xf32, #tpu.memory_space<vmem>>
        %dma_wait3A_211 = tpu.memref_squeeze %dma_wait3A_210 : memref<1x128x128xf32, #tpu.memory_space<vmem>> -> memref<128x128xf32, #tpu.memory_space<vmem>>
        %dma_wait3A_212 = arith.constant 0 : i32
        %dma_wait3A_213 = tpu.memref_slice %arg8[%add3A_171, %dma_wait3A_212] : memref<40x128xi32, #tpu.memory_space<vmem>> -> memref<1x128xi32, #tpu.memory_space<vmem>>
        %dma_wait3A_214 = tpu.memref_squeeze %dma_wait3A_213 : memref<1x128xi32, #tpu.memory_space<vmem>> -> memref<128xi32, #tpu.memory_space<vmem>>
        %dma_wait3A_215 = arith.constant 0 : i32
        %dma_wait3A_216 = arith.constant 0 : i32
        %dma_wait3A_217 = tpu.memref_slice %arg10[%dma_wait3A_215, %dma_wait3A_216] : memref<10008x128xf32, #tpu.memory_space<vmem_shared>> -> memref<10008x128xf32, #tpu.memory_space<vmem_shared>>
        tpu.wait_indirect_dma semaphore(%run_scoped3A_197 : memref<!tpu.dma_semaphore, #tpu.memory_space<semaphore_mem>>) src(%dma_wait3A_211 : memref<128x128xf32, #tpu.memory_space<vmem>>) dst(%dma_wait3A_217 : memref<10008x128xf32, #tpu.memory_space<vmem_shared>>)
        tpu.yield
      }) : () -> ()
      %add3A_184 = arith.constant 2 : i32
      %add3A_185 = arith.addi %add3A_171, %add3A_184 : i32
      %dma_start3A_186 = arith.constant 1 : i32
      %dma_start3A_187 = arith.constant 0 : i32
      %dma_start3A_188 = arith.constant 0 : i32
      %dma_start3A_189 = tpu.memref_slice %arg9[%dma_start3A_186, %dma_start3A_187, %dma_start3A_188] : memref<2x128x128xf32, #tpu.memory_space<vmem>> -> memref<1x128x128xf32, #tpu.memory_space<vmem>>
      %dma_start3A_190 = tpu.memref_squeeze %dma_start3A_189 : memref<1x128x128xf32, #tpu.memory_space<vmem>> -> memref<128x128xf32, #tpu.memory_space<vmem>>
      %dma_start3A_191 = arith.constant 0 : i32
      %dma_start3A_192 = tpu.memref_slice %arg7[%add3A_185, %dma_start3A_191] : memref<40x128xi32, #tpu.memory_space<vmem>> -> memref<1x128xi32, #tpu.memory_space<vmem>>
      %dma_start3A_193 = tpu.memref_squeeze %dma_start3A_192 : memref<1x128xi32, #tpu.memory_space<vmem>> -> memref<128xi32, #tpu.memory_space<vmem>>
      %dma_start3A_194 = arith.constant 0 : i32
      %dma_start3A_195 = arith.constant 0 : i32
      %dma_start3A_196 = tpu.memref_slice %arg2[%dma_start3A_194, %dma_start3A_195] : memref<10008x128xf32, #tpu.memory_space<hbm>> -> memref<10008x128xf32, #tpu.memory_space<hbm>>
      tpu.enqueue_indirect_dma source(%dma_start3A_196 : memref<10008x128xf32, #tpu.memory_space<hbm>>) target(%dma_start3A_190 : memref<128x128xf32, #tpu.memory_space<vmem>>) offsets(%dma_start3A_193 : memref<128xi32, #tpu.memory_space<vmem>>) semaphore(%arg12 : memref<!tpu.dma_semaphore, #tpu.memory_space<semaphore_mem>>)
    }
    %scan3A_94 = arith.constant 19 : i32
    %dma_wait3A_95 = arith.constant 38 : i32
    %dma_wait3A_96 = arith.constant 0 : i32
    %dma_wait3A_97 = arith.constant 0 : i32
    %dma_wait3A_98 = arith.constant 0 : i32
    %dma_wait3A_99 = tpu.memref_slice %arg9[%dma_wait3A_96, %dma_wait3A_97, %dma_wait3A_98] : memref<2x128x128xf32, #tpu.memory_space<vmem>> -> memref<1x128x128xf32, #tpu.memory_space<vmem>>
    %dma_wait3A_100 = tpu.memref_squeeze %dma_wait3A_99 : memref<1x128x128xf32, #tpu.memory_space<vmem>> -> memref<128x128xf32, #tpu.memory_space<vmem>>
    %dma_wait3A_101 = arith.constant 0 : i32
    %dma_wait3A_102 = tpu.memref_slice %arg7[%dma_wait3A_95, %dma_wait3A_101] : memref<40x128xi32, #tpu.memory_space<vmem>> -> memref<1x128xi32, #tpu.memory_space<vmem>>
    %dma_wait3A_103 = tpu.memref_squeeze %dma_wait3A_102 : memref<1x128xi32, #tpu.memory_space<vmem>> -> memref<128xi32, #tpu.memory_space<vmem>>
    %dma_wait3A_104 = arith.constant 0 : i32
    %dma_wait3A_105 = arith.constant 0 : i32
    %dma_wait3A_106 = tpu.memref_slice %arg2[%dma_wait3A_104, %dma_wait3A_105] : memref<10008x128xf32, #tpu.memory_space<hbm>> -> memref<10008x128xf32, #tpu.memory_space<hbm>>
    tpu.wait_indirect_dma semaphore(%arg11 : memref<!tpu.dma_semaphore, #tpu.memory_space<semaphore_mem>>) src(%dma_wait3A_106 : memref<10008x128xf32, #tpu.memory_space<hbm>>) dst(%dma_wait3A_100 : memref<128x128xf32, #tpu.memory_space<vmem>>)
    %run_scoped3A_107 = arith.constant 0 : i32
    %run_scoped3A_108 = arith.constant 38 : i32
    "tpu.region"() ({
      %run_scoped3A_134 = tpu.sem_alloc : memref<!tpu.dma_semaphore, #tpu.memory_space<semaphore_mem>>
      %dma_start3A_135 = arith.constant 0 : i32
      %dma_start3A_136 = arith.constant 0 : i32
      %dma_start3A_137 = tpu.memref_slice %arg9[%run_scoped3A_107, %dma_start3A_135, %dma_start3A_136] : memref<2x128x128xf32, #tpu.memory_space<vmem>> -> memref<1x128x128xf32, #tpu.memory_space<vmem>>
      %dma_start3A_138 = tpu.memref_squeeze %dma_start3A_137 : memref<1x128x128xf32, #tpu.memory_space<vmem>> -> memref<128x128xf32, #tpu.memory_space<vmem>>
      %dma_start3A_139 = arith.constant 0 : i32
      %dma_start3A_140 = tpu.memref_slice %arg8[%run_scoped3A_108, %dma_start3A_139] : memref<40x128xi32, #tpu.memory_space<vmem>> -> memref<1x128xi32, #tpu.memory_space<vmem>>
      %dma_start3A_141 = tpu.memref_squeeze %dma_start3A_140 : memref<1x128xi32, #tpu.memory_space<vmem>> -> memref<128xi32, #tpu.memory_space<vmem>>
      %dma_start3A_142 = arith.constant 0 : i32
      %dma_start3A_143 = arith.constant 0 : i32
      %dma_start3A_144 = tpu.memref_slice %arg10[%dma_start3A_142, %dma_start3A_143] : memref<10008x128xf32, #tpu.memory_space<vmem_shared>> -> memref<10008x128xf32, #tpu.memory_space<vmem_shared>>
      tpu.enqueue_indirect_dma source(%dma_start3A_138 : memref<128x128xf32, #tpu.memory_space<vmem>>) target(%dma_start3A_144 : memref<10008x128xf32, #tpu.memory_space<vmem_shared>>) offsets(%dma_start3A_141 : memref<128xi32, #tpu.memory_space<vmem>>) semaphore(%run_scoped3A_134 : memref<!tpu.dma_semaphore, #tpu.memory_space<semaphore_mem>>) {add = true}
      %dma_wait3A_145 = arith.constant 0 : i32
      %dma_wait3A_146 = arith.constant 0 : i32
      %dma_wait3A_147 = tpu.memref_slice %arg9[%run_scoped3A_107, %dma_wait3A_145, %dma_wait3A_146] : memref<2x128x128xf32, #tpu.memory_space<vmem>> -> memref<1x128x128xf32, #tpu.memory_space<vmem>>
      %dma_wait3A_148 = tpu.memref_squeeze %dma_wait3A_147 : memref<1x128x128xf32, #tpu.memory_space<vmem>> -> memref<128x128xf32, #tpu.memory_space<vmem>>
      %dma_wait3A_149 = arith.constant 0 : i32
      %dma_wait3A_150 = tpu.memref_slice %arg8[%run_scoped3A_108, %dma_wait3A_149] : memref<40x128xi32, #tpu.memory_space<vmem>> -> memref<1x128xi32, #tpu.memory_space<vmem>>
      %dma_wait3A_151 = tpu.memref_squeeze %dma_wait3A_150 : memref<1x128xi32, #tpu.memory_space<vmem>> -> memref<128xi32, #tpu.memory_space<vmem>>
      %dma_wait3A_152 = arith.constant 0 : i32
      %dma_wait3A_153 = arith.constant 0 : i32
      %dma_wait3A_154 = tpu.memref_slice %arg10[%dma_wait3A_152, %dma_wait3A_153] : memref<10008x128xf32, #tpu.memory_space<vmem_shared>> -> memref<10008x128xf32, #tpu.memory_space<vmem_shared>>
      tpu.wait_indirect_dma semaphore(%run_scoped3A_134 : memref<!tpu.dma_semaphore, #tpu.memory_space<semaphore_mem>>) src(%dma_wait3A_148 : memref<128x128xf32, #tpu.memory_space<vmem>>) dst(%dma_wait3A_154 : memref<10008x128xf32, #tpu.memory_space<vmem_shared>>)
      tpu.yield
    }) : () -> ()
    %dma_wait3A_109 = arith.constant 39 : i32
    %dma_wait3A_110 = arith.constant 1 : i32
    %dma_wait3A_111 = arith.constant 0 : i32
    %dma_wait3A_112 = arith.constant 0 : i32
    %dma_wait3A_113 = tpu.memref_slice %arg9[%dma_wait3A_110, %dma_wait3A_111, %dma_wait3A_112] : memref<2x128x128xf32, #tpu.memory_space<vmem>> -> memref<1x128x128xf32, #tpu.memory_space<vmem>>
    %dma_wait3A_114 = tpu.memref_squeeze %dma_wait3A_113 : memref<1x128x128xf32, #tpu.memory_space<vmem>> -> memref<128x128xf32, #tpu.memory_space<vmem>>
    %dma_wait3A_115 = arith.constant 0 : i32
    %dma_wait3A_116 = tpu.memref_slice %arg7[%dma_wait3A_109, %dma_wait3A_115] : memref<40x128xi32, #tpu.memory_space<vmem>> -> memref<1x128xi32, #tpu.memory_space<vmem>>
    %dma_wait3A_117 = tpu.memref_squeeze %dma_wait3A_116 : memref<1x128xi32, #tpu.memory_space<vmem>> -> memref<128xi32, #tpu.memory_space<vmem>>
    %dma_wait3A_118 = arith.constant 0 : i32
    %dma_wait3A_119 = arith.constant 0 : i32
    %dma_wait3A_120 = tpu.memref_slice %arg2[%dma_wait3A_118, %dma_wait3A_119] : memref<10008x128xf32, #tpu.memory_space<hbm>> -> memref<10008x128xf32, #tpu.memory_space<hbm>>
    tpu.wait_indirect_dma semaphore(%arg12 : memref<!tpu.dma_semaphore, #tpu.memory_space<semaphore_mem>>) src(%dma_wait3A_120 : memref<10008x128xf32, #tpu.memory_space<hbm>>) dst(%dma_wait3A_114 : memref<128x128xf32, #tpu.memory_space<vmem>>)
    %run_scoped3A_121 = arith.constant 1 : i32
    %run_scoped3A_122 = arith.constant 39 : i32
    "tpu.region"() ({
      %run_scoped3A_134 = tpu.sem_alloc : memref<!tpu.dma_semaphore, #tpu.memory_space<semaphore_mem>>
      %dma_start3A_135 = arith.constant 0 : i32
      %dma_start3A_136 = arith.constant 0 : i32
      %dma_start3A_137 = tpu.memref_slice %arg9[%run_scoped3A_121, %dma_start3A_135, %dma_start3A_136] : memref<2x128x128xf32, #tpu.memory_space<vmem>> -> memref<1x128x128xf32, #tpu.memory_space<vmem>>
      %dma_start3A_138 = tpu.memref_squeeze %dma_start3A_137 : memref<1x128x128xf32, #tpu.memory_space<vmem>> -> memref<128x128xf32, #tpu.memory_space<vmem>>
      %dma_start3A_139 = arith.constant 0 : i32
      %dma_start3A_140 = tpu.memref_slice %arg8[%run_scoped3A_122, %dma_start3A_139] : memref<40x128xi32, #tpu.memory_space<vmem>> -> memref<1x128xi32, #tpu.memory_space<vmem>>
      %dma_start3A_141 = tpu.memref_squeeze %dma_start3A_140 : memref<1x128xi32, #tpu.memory_space<vmem>> -> memref<128xi32, #tpu.memory_space<vmem>>
      %dma_start3A_142 = arith.constant 0 : i32
      %dma_start3A_143 = arith.constant 0 : i32
      %dma_start3A_144 = tpu.memref_slice %arg10[%dma_start3A_142, %dma_start3A_143] : memref<10008x128xf32, #tpu.memory_space<vmem_shared>> -> memref<10008x128xf32, #tpu.memory_space<vmem_shared>>
      tpu.enqueue_indirect_dma source(%dma_start3A_138 : memref<128x128xf32, #tpu.memory_space<vmem>>) target(%dma_start3A_144 : memref<10008x128xf32, #tpu.memory_space<vmem_shared>>) offsets(%dma_start3A_141 : memref<128xi32, #tpu.memory_space<vmem>>) semaphore(%run_scoped3A_134 : memref<!tpu.dma_semaphore, #tpu.memory_space<semaphore_mem>>) {add = true}
      %dma_wait3A_145 = arith.constant 0 : i32
      %dma_wait3A_146 = arith.constant 0 : i32
      %dma_wait3A_147 = tpu.memref_slice %arg9[%run_scoped3A_121, %dma_wait3A_145, %dma_wait3A_146] : memref<2x128x128xf32, #tpu.memory_space<vmem>> -> memref<1x128x128xf32, #tpu.memory_space<vmem>>
      %dma_wait3A_148 = tpu.memref_squeeze %dma_wait3A_147 : memref<1x128x128xf32, #tpu.memory_space<vmem>> -> memref<128x128xf32, #tpu.memory_space<vmem>>
      %dma_wait3A_149 = arith.constant 0 : i32
      %dma_wait3A_150 = tpu.memref_slice %arg8[%run_scoped3A_122, %dma_wait3A_149] : memref<40x128xi32, #tpu.memory_space<vmem>> -> memref<1x128xi32, #tpu.memory_space<vmem>>
      %dma_wait3A_151 = tpu.memref_squeeze %dma_wait3A_150 : memref<1x128xi32, #tpu.memory_space<vmem>> -> memref<128xi32, #tpu.memory_space<vmem>>
      %dma_wait3A_152 = arith.constant 0 : i32
      %dma_wait3A_153 = arith.constant 0 : i32
      %dma_wait3A_154 = tpu.memref_slice %arg10[%dma_wait3A_152, %dma_wait3A_153] : memref<10008x128xf32, #tpu.memory_space<vmem_shared>> -> memref<10008x128xf32, #tpu.memory_space<vmem_shared>>
      tpu.wait_indirect_dma semaphore(%run_scoped3A_134 : memref<!tpu.dma_semaphore, #tpu.memory_space<semaphore_mem>>) src(%dma_wait3A_148 : memref<128x128xf32, #tpu.memory_space<vmem>>) dst(%dma_wait3A_154 : memref<10008x128xf32, #tpu.memory_space<vmem_shared>>)
      tpu.yield
    }) : () -> ()
    %barrier3A_123 = arith.constant 0 : index
    tpu.barrier barrier_id(%barrier3A_123)
    %lt3A_124 = arith.constant 15 : i32
    %lt3A_125 = arith.cmpi slt, %arg1, %lt3A_124 : i32
    %convert_element_type3A_126 = arith.extui %lt3A_125 : i1 to i32
    %cond3A_127 = arith.constant 0 : i32
    %cond3A_128 = arith.cmpi ne, %convert_element_type3A_126, %cond3A_127 : i32
    scf.if %cond3A_128 {
      %mul3A_134 = arith.constant 632 : i32
      %mul3A_135 = arith.muli %arg1, %mul3A_134 : i32
      %mul3A_136 = arith.constant 632 : i32
      %mul3A_137 = arith.muli %arg1, %mul3A_136 : i32
      "tpu.region"() ({
        %run_scoped3A_138 = tpu.sem_alloc : memref<!tpu.dma_semaphore, #tpu.memory_space<semaphore_mem>>
        %dma_start3A_139 = arith.constant 0 : i32
        %dma_start3A_140 = tpu.memref_slice %arg6[%arg0, %mul3A_137, %dma_start3A_139] : memref<2x10000x128xf32, #tpu.memory_space<hbm>> -> memref<1x632x128xf32, #tpu.memory_space<hbm>>
        %dma_start3A_141 = tpu.memref_squeeze %dma_start3A_140 : memref<1x632x128xf32, #tpu.memory_space<hbm>> -> memref<632x128xf32, #tpu.memory_space<hbm>>
        %dma_start3A_142 = arith.constant 0 : i32
        %dma_start3A_143 = tpu.memref_slice %arg10[%mul3A_135, %dma_start3A_142] : memref<10008x128xf32, #tpu.memory_space<vmem_shared>> -> memref<632x128xf32, #tpu.memory_space<vmem_shared>>
        tpu.enqueue_dma source(%dma_start3A_143 : memref<632x128xf32, #tpu.memory_space<vmem_shared>>) target(%dma_start3A_141 : memref<632x128xf32, #tpu.memory_space<hbm>>) target_semaphore(%run_scoped3A_138 : memref<!tpu.dma_semaphore, #tpu.memory_space<semaphore_mem>>)
        %dma_wait3A_144 = arith.constant 0 : i32
        %dma_wait3A_145 = tpu.memref_slice %arg6[%arg0, %mul3A_137, %dma_wait3A_144] : memref<2x10000x128xf32, #tpu.memory_space<hbm>> -> memref<1x632x128xf32, #tpu.memory_space<hbm>>
        %dma_wait3A_146 = tpu.memref_squeeze %dma_wait3A_145 : memref<1x632x128xf32, #tpu.memory_space<hbm>> -> memref<632x128xf32, #tpu.memory_space<hbm>>
        %dma_wait3A_147 = arith.constant 0 : i32
        %dma_wait3A_148 = tpu.memref_slice %arg10[%mul3A_135, %dma_wait3A_147] : memref<10008x128xf32, #tpu.memory_space<vmem_shared>> -> memref<632x128xf32, #tpu.memory_space<vmem_shared>>
        tpu.wait_dma2 semaphore(%run_scoped3A_138 : memref<!tpu.dma_semaphore, #tpu.memory_space<semaphore_mem>>) src(%dma_wait3A_148 : memref<632x128xf32, #tpu.memory_space<vmem_shared>>) dst(%dma_wait3A_146 : memref<632x128xf32, #tpu.memory_space<hbm>>)
        tpu.yield
      }) : () -> ()
    } else {
    }
    %eq3A_129 = arith.constant 15 : i32
    %eq3A_130 = arith.cmpi eq, %arg1, %eq3A_129 : i32
    %convert_element_type3A_131 = arith.extui %eq3A_130 : i1 to i32
    %cond3A_132 = arith.constant 0 : i32
    %cond3A_133 = arith.cmpi ne, %convert_element_type3A_131, %cond3A_132 : i32
    scf.if %cond3A_133 {
      "tpu.region"() ({
        %run_scoped3A_134 = tpu.sem_alloc : memref<!tpu.dma_semaphore, #tpu.memory_space<semaphore_mem>>
        %dma_start3A_135 = arith.constant 9480 : i32
        %dma_start3A_136 = arith.constant 0 : i32
        %dma_start3A_137 = tpu.memref_slice %arg6[%arg0, %dma_start3A_135, %dma_start3A_136] : memref<2x10000x128xf32, #tpu.memory_space<hbm>> -> memref<1x520x128xf32, #tpu.memory_space<hbm>>
        %dma_start3A_138 = tpu.memref_squeeze %dma_start3A_137 : memref<1x520x128xf32, #tpu.memory_space<hbm>> -> memref<520x128xf32, #tpu.memory_space<hbm>>
        %dma_start3A_139 = arith.constant 9480 : i32
        %dma_start3A_140 = arith.constant 0 : i32
        %dma_start3A_141 = tpu.memref_slice %arg10[%dma_start3A_139, %dma_start3A_140] : memref<10008x128xf32, #tpu.memory_space<vmem_shared>> -> memref<520x128xf32, #tpu.memory_space<vmem_shared>>
        tpu.enqueue_dma source(%dma_start3A_141 : memref<520x128xf32, #tpu.memory_space<vmem_shared>>) target(%dma_start3A_138 : memref<520x128xf32, #tpu.memory_space<hbm>>) target_semaphore(%run_scoped3A_134 : memref<!tpu.dma_semaphore, #tpu.memory_space<semaphore_mem>>)
        %dma_wait3A_142 = arith.constant 9480 : i32
        %dma_wait3A_143 = arith.constant 0 : i32
        %dma_wait3A_144 = tpu.memref_slice %arg6[%arg0, %dma_wait3A_142, %dma_wait3A_143] : memref<2x10000x128xf32, #tpu.memory_space<hbm>> -> memref<1x520x128xf32, #tpu.memory_space<hbm>>
        %dma_wait3A_145 = tpu.memref_squeeze %dma_wait3A_144 : memref<1x520x128xf32, #tpu.memory_space<hbm>> -> memref<520x128xf32, #tpu.memory_space<hbm>>
        %dma_wait3A_146 = arith.constant 9480 : i32
        %dma_wait3A_147 = arith.constant 0 : i32
        %dma_wait3A_148 = tpu.memref_slice %arg10[%dma_wait3A_146, %dma_wait3A_147] : memref<10008x128xf32, #tpu.memory_space<vmem_shared>> -> memref<520x128xf32, #tpu.memory_space<vmem_shared>>
        tpu.wait_dma2 semaphore(%run_scoped3A_134 : memref<!tpu.dma_semaphore, #tpu.memory_space<semaphore_mem>>) src(%dma_wait3A_148 : memref<520x128xf32, #tpu.memory_space<vmem_shared>>) dst(%dma_wait3A_145 : memref<520x128xf32, #tpu.memory_space<hbm>>)
        tpu.yield
      }) : () -> ()
    } else {
    }
    return
  }
}

module attributes {stable_mosaic.version = 14 : i64} {
  func.func @body(%arg0: i32, %arg1: memref<1000x128xf32, #tpu.memory_space<vmem>>, %arg2: memref<128x128xf32, #tpu.memory_space<vmem>>, %arg3: memref<1000x128xf32, #tpu.memory_space<vmem>>) attributes {dimension_semantics = [#tpu.dimension_semantics<arbitrary>], iteration_bounds = array<i64: 10>, scalar_prefetch = 0 : i64, scratch_operands = 0 : i64, tpu.core_type = #tpu.core_type<tc>, window_params = [{transform_indices = @transform_0, window_bounds = array<i64: 1000, 128>}, {pipeline_mode = #tpu.pipeline_mode<synchronous>, transform_indices = @transform_1, window_bounds = array<i64: 128, 128>}, {transform_indices = @transform_2, window_bounds = array<i64: 1000, 128>}]} {
    %get3A = arith.constant 0 : index
    %get3A_0 = arith.constant 0 : index
    %get3A_1 = vector.load %arg1[%get3A, %get3A_0] : memref<1000x128xf32, #tpu.memory_space<vmem>>, vector<1000x128xf32>
    %get3A_2 = arith.constant 0 : index
    %get3A_3 = arith.constant 0 : index
    %get3A_4 = vector.load %arg2[%get3A_2, %get3A_3] : memref<128x128xf32, #tpu.memory_space<vmem>>, vector<128x128xf32>
    %dot_general3A = arith.constant dense<0.000000e+00> : vector<1000x128xf32>
    %dot_general3A_5 = tpu.matmul %get3A_1, %get3A_4, %dot_general3A {dimension_numbers = #tpu.dot_dimension_numbers<[1], [0], [0], [1], [0, 0, 1, 1], [], []>, transpose_lhs_hint = false} : vector<1000x128xf32>, vector<128x128xf32>, vector<1000x128xf32> -> vector<1000x128xf32>
    %swap3A = arith.constant 0 : index
    %swap3A_6 = arith.constant 0 : index
    %swap3A_7 = vector.load %arg3[%swap3A, %swap3A_6] : memref<1000x128xf32, #tpu.memory_space<vmem>>, vector<1000x128xf32>
    tpu.vector_store %arg3[%swap3A, %swap3A_6], %dot_general3A_5 {strides = array<i32>} : memref<1000x128xf32, #tpu.memory_space<vmem>>, vector<1000x128xf32>,
    return
  }
  func.func @transform_0(%arg0: i32) -> (i32, i32) {
    %c0_i32 = arith.constant 0 : i32
    %c0_i32_0 = arith.constant 0 : i32
    return %arg0, %c0_i32 : i32, i32
  }
  func.func @transform_1(%arg0: i32) -> (i32, i32) {
    %c0_i32 = arith.constant 0 : i32
    %c0_i32_0 = arith.constant 0 : i32
    %c0_i32_1 = arith.constant 0 : i32
    return %c0_i32, %c0_i32_0 : i32, i32
  }
  func.func @transform_2(%arg0: i32) -> (i32, i32) {
    %c0_i32 = arith.constant 0 : i32
    %c0_i32_0 = arith.constant 0 : i32
    return %arg0, %c0_i32 : i32, i32
  }
}

module attributes {stable_mosaic.version = 14 : i64} {
  func.func @body(%arg0: i32, %arg1: memref<2x1000x128xf32, #tpu.memory_space<vmem>>, %arg2: memref<1000x128xf32, #tpu.memory_space<vmem>>, %arg3: memref<1000x128xf32, #tpu.memory_space<vmem>>, %arg4: memref<1000x1xf32, #tpu.memory_space<vmem>>) attributes {dimension_semantics = [#tpu.dimension_semantics<arbitrary>], iteration_bounds = array<i64: 10>, scalar_prefetch = 0 : i64, scratch_operands = 0 : i64, tpu.core_type = #tpu.core_type<tc>, window_params = [{transform_indices = @transform_0, window_bounds = array<i64: 2, 1000, 128>}, {transform_indices = @transform_1, window_bounds = array<i64: 1000, 128>}, {transform_indices = @transform_2, window_bounds = array<i64: 1000, 128>}, {transform_indices = @transform_3, window_bounds = array<i64: 1000, 1>}]} {
    %get3A = arith.constant 0 : index
    %get3A_0 = arith.constant 0 : index
    %get3A_1 = arith.constant 0 : index
    %get3A_2 = vector.load %arg1[%get3A, %get3A_0, %get3A_1] : memref<2x1000x128xf32, #tpu.memory_space<vmem>>, vector<1x1000x128xf32>
    %get3A_3 = vector.shape_cast %get3A_2 : vector<1x1000x128xf32> to vector<1000x128xf32>
    %get3A_4 = arith.constant 1 : index
    %get3A_5 = arith.constant 0 : index
    %get3A_6 = arith.constant 0 : index
    %get3A_7 = vector.load %arg1[%get3A_4, %get3A_5, %get3A_6] : memref<2x1000x128xf32, #tpu.memory_space<vmem>>, vector<1x1000x128xf32>
    %get3A_8 = vector.shape_cast %get3A_7 : vector<1x1000x128xf32> to vector<1000x128xf32>
    %add3A = arith.addf %get3A_3, %get3A_8 : vector<1000x128xf32>
    %slice3A = vector.extract_strided_slice %add3A {offsets = [0, 0], sizes = [1000, 1], strides = [1, 1]} : vector<1000x128xf32> to vector<1000x1xf32>
    %add3A_9 = arith.constant 1.000000e+00 : f32
    %add3A_10 = vector.broadcast %add3A_9 : f32 to vector<1000x1xf32>
    %add3A_11 = arith.addf %slice3A, %add3A_10 : vector<1000x1xf32>
    %rsqrt3A = math.rsqrt %add3A_11 : vector<1000x1xf32>
    %get3A_12 = arith.constant 0 : index
    %get3A_13 = arith.constant 0 : index
    %get3A_14 = vector.load %arg2[%get3A_12, %get3A_13] : memref<1000x128xf32, #tpu.memory_space<vmem>>, vector<1000x128xf32>
    %mul3A = vector.broadcast %rsqrt3A : vector<1000x1xf32> to vector<1000x128xf32>
    %mul3A_15 = arith.mulf %get3A_14, %mul3A : vector<1000x128xf32>
    %swap3A = arith.constant 0 : index
    %swap3A_16 = arith.constant 0 : index
    %swap3A_17 = vector.load %arg3[%swap3A, %swap3A_16] : memref<1000x128xf32, #tpu.memory_space<vmem>>, vector<1000x128xf32>
    tpu.vector_store %arg3[%swap3A, %swap3A_16], %mul3A_15 {strides = array<i32>} : memref<1000x128xf32, #tpu.memory_space<vmem>>, vector<1000x128xf32>,
    %swap3A_18 = arith.constant 0 : index
    %swap3A_19 = arith.constant 0 : index
    %swap3A_20 = vector.load %arg4[%swap3A_18, %swap3A_19] : memref<1000x1xf32, #tpu.memory_space<vmem>>, vector<1000x1xf32>
    tpu.vector_store %arg4[%swap3A_18, %swap3A_19], %rsqrt3A {strides = array<i32>} : memref<1000x1xf32, #tpu.memory_space<vmem>>, vector<1000x1xf32>,
    return
  }
  func.func @transform_0(%arg0: i32) -> (i32, i32, i32) {
    %c0_i32 = arith.constant 0 : i32
    %c0_i32_0 = arith.constant 0 : i32
    %c0_i32_1 = arith.constant 0 : i32
    return %c0_i32, %arg0, %c0_i32_0 : i32, i32, i32
  }
  func.func @transform_1(%arg0: i32) -> (i32, i32) {
    %c0_i32 = arith.constant 0 : i32
    %c0_i32_0 = arith.constant 0 : i32
    return %arg0, %c0_i32 : i32, i32
  }
  func.func @transform_2(%arg0: i32) -> (i32, i32) {
    %c0_i32 = arith.constant 0 : i32
    %c0_i32_0 = arith.constant 0 : i32
    return %arg0, %c0_i32 : i32, i32
  }
  func.func @transform_3(%arg0: i32) -> (i32, i32) {
    %c0_i32 = arith.constant 0 : i32
    %c0_i32_0 = arith.constant 0 : i32
    return %arg0, %c0_i32 : i32, i32
  }
}

module attributes {stable_mosaic.version = 14 : i64} {
  func.func @body(%arg0: i32, %arg1: memref<2x1000x128xf32, #tpu.memory_space<vmem>>, %arg2: memref<1000x128xf32, #tpu.memory_space<vmem>>, %arg3: memref<1000x1xf32, #tpu.memory_space<vmem>>, %arg4: memref<1x128xf32, #tpu.memory_space<vmem>>, %arg5: memref<128x128xf32, #tpu.memory_space<vmem>>, %arg6: memref<1000x128xf32, #tpu.memory_space<vmem>>) attributes {dimension_semantics = [#tpu.dimension_semantics<arbitrary>], iteration_bounds = array<i64: 10>, scalar_prefetch = 0 : i64, scratch_operands = 0 : i64, tpu.core_type = #tpu.core_type<tc>, window_params = [{transform_indices = @transform_0, window_bounds = array<i64: 2, 1000, 128>}, {transform_indices = @transform_1, window_bounds = array<i64: 1000, 128>}, {transform_indices = @transform_2, window_bounds = array<i64: 1000, 1>}, {pipeline_mode = #tpu.pipeline_mode<synchronous>, transform_indices = @transform_3, window_bounds = array<i64: 1, 128>}, {pipeline_mode = #tpu.pipeline_mode<synchronous>, transform_indices = @transform_4, window_bounds = array<i64: 128, 128>}, {transform_indices = @transform_5, window_bounds = array<i64: 1000, 128>}]} {
    %get3A = arith.constant 0 : index
    %get3A_0 = arith.constant 0 : index
    %get3A_1 = vector.load %arg3[%get3A, %get3A_0] : memref<1000x1xf32, #tpu.memory_space<vmem>>, vector<1000x1xf32>
    %get3A_2 = arith.constant 0 : index
    %get3A_3 = arith.constant 0 : index
    %get3A_4 = arith.constant 0 : index
    %get3A_5 = vector.load %arg1[%get3A_2, %get3A_3, %get3A_4] : memref<2x1000x128xf32, #tpu.memory_space<vmem>>, vector<1x1000x128xf32>
    %get3A_6 = vector.shape_cast %get3A_5 : vector<1x1000x128xf32> to vector<1000x128xf32>
    %get3A_7 = arith.constant 1 : index
    %get3A_8 = arith.constant 0 : index
    %get3A_9 = arith.constant 0 : index
    %get3A_10 = vector.load %arg1[%get3A_7, %get3A_8, %get3A_9] : memref<2x1000x128xf32, #tpu.memory_space<vmem>>, vector<1x1000x128xf32>
    %get3A_11 = vector.shape_cast %get3A_10 : vector<1x1000x128xf32> to vector<1000x128xf32>
    %add3A = arith.addf %get3A_6, %get3A_11 : vector<1000x128xf32>
    %get3A_12 = arith.constant 0 : index
    %get3A_13 = arith.constant 0 : index
    %get3A_14 = vector.load %arg2[%get3A_12, %get3A_13] : memref<1000x128xf32, #tpu.memory_space<vmem>>, vector<1000x128xf32>
    %add3A_15 = arith.addf %add3A, %get3A_14 : vector<1000x128xf32>
    %mul3A = vector.broadcast %get3A_1 : vector<1000x1xf32> to vector<1000x128xf32>
    %mul3A_16 = arith.mulf %add3A_15, %mul3A : vector<1000x128xf32>
    %get3A_17 = arith.constant 0 : index
    %get3A_18 = arith.constant 0 : index
    %get3A_19 = vector.load %arg4[%get3A_17, %get3A_18] : memref<1x128xf32, #tpu.memory_space<vmem>>, vector<1x128xf32>
    %add3A_20 = vector.broadcast %get3A_19 : vector<1x128xf32> to vector<1000x128xf32>
    %add3A_21 = arith.addf %mul3A_16, %add3A_20 : vector<1000x128xf32>
    %mul3A_22 = arith.constant 5.000000e-01 : f32
    %mul3A_23 = vector.broadcast %mul3A_22 : f32 to vector<1000x128xf32>
    %mul3A_24 = arith.mulf %mul3A_23, %add3A_21 : vector<1000x128xf32>
    %mul3A_25 = arith.constant 0.707106769 : f32
    %mul3A_26 = vector.broadcast %mul3A_25 : f32 to vector<1000x128xf32>
    %mul3A_27 = arith.mulf %add3A_21, %mul3A_26 : vector<1000x128xf32>
    %erf3A = math.erf %mul3A_27 : vector<1000x128xf32>
    %add3A_28 = arith.constant 1.000000e+00 : f32
    %add3A_29 = vector.broadcast %add3A_28 : f32 to vector<1000x128xf32>
    %add3A_30 = arith.addf %add3A_29, %erf3A : vector<1000x128xf32>
    %mul3A_31 = arith.mulf %mul3A_24, %add3A_30 : vector<1000x128xf32>
    %get3A_32 = arith.constant 0 : index
    %get3A_33 = arith.constant 0 : index
    %get3A_34 = vector.load %arg5[%get3A_32, %get3A_33] : memref<128x128xf32, #tpu.memory_space<vmem>>, vector<128x128xf32>
    %dot_general3A = arith.constant dense<0.000000e+00> : vector<1000x128xf32>
    %dot_general3A_35 = tpu.matmul %mul3A_31, %get3A_34, %dot_general3A {dimension_numbers = #tpu.dot_dimension_numbers<[1], [0], [0], [1], [0, 0, 1, 1], [], []>, transpose_lhs_hint = false} : vector<1000x128xf32>, vector<128x128xf32>, vector<1000x128xf32> -> vector<1000x128xf32>
    %mul3A_36 = vector.broadcast %get3A_1 : vector<1000x1xf32> to vector<1000x128xf32>
    %mul3A_37 = arith.mulf %dot_general3A_35, %mul3A_36 : vector<1000x128xf32>
    %swap3A = arith.constant 0 : index
    %swap3A_38 = arith.constant 0 : index
    %swap3A_39 = vector.load %arg6[%swap3A, %swap3A_38] : memref<1000x128xf32, #tpu.memory_space<vmem>>, vector<1000x128xf32>
    tpu.vector_store %arg6[%swap3A, %swap3A_38], %mul3A_37 {strides = array<i32>} : memref<1000x128xf32, #tpu.memory_space<vmem>>, vector<1000x128xf32>,
    return
  }
  func.func @transform_0(%arg0: i32) -> (i32, i32, i32) {
    %c0_i32 = arith.constant 0 : i32
    %c0_i32_0 = arith.constant 0 : i32
    %c0_i32_1 = arith.constant 0 : i32
    return %c0_i32, %arg0, %c0_i32_0 : i32, i32, i32
  }
  func.func @transform_1(%arg0: i32) -> (i32, i32) {
    %c0_i32 = arith.constant 0 : i32
    %c0_i32_0 = arith.constant 0 : i32
    return %arg0, %c0_i32 : i32, i32
  }
  func.func @transform_2(%arg0: i32) -> (i32, i32) {
    %c0_i32 = arith.constant 0 : i32
    %c0_i32_0 = arith.constant 0 : i32
    return %arg0, %c0_i32 : i32, i32
  }
  func.func @transform_3(%arg0: i32) -> (i32, i32) {
    %c0_i32 = arith.constant 0 : i32
    %c0_i32_0 = arith.constant 0 : i32
    %c0_i32_1 = arith.constant 0 : i32
    return %c0_i32, %c0_i32_0 : i32, i32
  }
  func.func @transform_4(%arg0: i32) -> (i32, i32) {
    %c0_i32 = arith.constant 0 : i32
    %c0_i32_0 = arith.constant 0 : i32
    %c0_i32_1 = arith.constant 0 : i32
    return %c0_i32, %c0_i32_0 : i32, i32
  }
  func.func @transform_5(%arg0: i32) -> (i32, i32) {
    %c0_i32 = arith.constant 0 : i32
    %c0_i32_0 = arith.constant 0 : i32
    return %arg0, %c0_i32 : i32, i32
  }
}

module attributes {stable_mosaic.version = 14 : i64} {
  func.func @body(%arg0: i32, %arg1: memref<2x1000x128xf32, #tpu.memory_space<vmem>>, %arg2: memref<1000x128xf32, #tpu.memory_space<vmem>>, %arg3: memref<1000x1xf32, #tpu.memory_space<vmem>>, %arg4: memref<1x128xf32, #tpu.memory_space<vmem>>, %arg5: memref<1x1x1000xi32, #tpu.memory_space<vmem>>, %arg6: memref<128x10xf32, #tpu.memory_space<vmem>>, %arg7: memref<1x10xf32, #tpu.memory_space<vmem>>, %arg8: memref<64x10xf32, #tpu.memory_space<vmem>>, %arg9: memref<64x128xf32, #tpu.memory_space<vmem>>, %arg10: memref<64x1xf32, #tpu.memory_space<vmem>>) attributes {dimension_semantics = [#tpu.dimension_semantics<arbitrary>], iteration_bounds = array<i64: 10>, scalar_prefetch = 0 : i64, scratch_operands = 2 : i64, tpu.core_type = #tpu.core_type<tc>, window_params = [{transform_indices = @transform_0, window_bounds = array<i64: 2, 1000, 128>}, {transform_indices = @transform_1, window_bounds = array<i64: 1000, 128>}, {transform_indices = @transform_2, window_bounds = array<i64: 1000, 1>}, {pipeline_mode = #tpu.pipeline_mode<synchronous>, transform_indices = @transform_3, window_bounds = array<i64: 1, 128>}, {transform_indices = @transform_4, window_bounds = array<i64: 1, 1, 1000>}, {pipeline_mode = #tpu.pipeline_mode<synchronous>, transform_indices = @transform_5, window_bounds = array<i64: 128, 10>}, {pipeline_mode = #tpu.pipeline_mode<synchronous>, transform_indices = @transform_6, window_bounds = array<i64: 1, 10>}, {pipeline_mode = #tpu.pipeline_mode<synchronous>, transform_indices = @transform_7, window_bounds = array<i64: 64, 10>}]} {
    %eq3A = arith.constant 0 : i32
    %eq3A_0 = arith.cmpi eq, %arg0, %eq3A : i32
    %convert_element_type3A = arith.extui %eq3A_0 : i1 to i32
    %cond3A = arith.constant 0 : i32
    %cond3A_1 = arith.cmpi ne, %convert_element_type3A, %cond3A : i32
    scf.if %cond3A_1 {
      %broadcast_in_dim3A_65 = arith.constant 0.000000e+00 : f32
      %broadcast_in_dim3A_66 = vector.broadcast %broadcast_in_dim3A_65 : f32 to vector<64x128xf32>
      %swap3A_67 = arith.constant 0 : index
      %swap3A_68 = arith.constant 0 : index
      %swap3A_69 = vector.load %arg9[%swap3A_67, %swap3A_68] : memref<64x128xf32, #tpu.memory_space<vmem>>, vector<64x128xf32>
      tpu.vector_store %arg9[%swap3A_67, %swap3A_68], %broadcast_in_dim3A_66 {strides = array<i32>} : memref<64x128xf32, #tpu.memory_space<vmem>>, vector<64x128xf32>,
      %broadcast_in_dim3A_70 = arith.constant 0.000000e+00 : f32
      %broadcast_in_dim3A_71 = vector.broadcast %broadcast_in_dim3A_70 : f32 to vector<64x1xf32>
      %swap3A_72 = arith.constant 0 : index
      %swap3A_73 = arith.constant 0 : index
      %swap3A_74 = vector.load %arg10[%swap3A_72, %swap3A_73] : memref<64x1xf32, #tpu.memory_space<vmem>>, vector<64x1xf32>
      tpu.vector_store %arg10[%swap3A_72, %swap3A_73], %broadcast_in_dim3A_71 {strides = array<i32>} : memref<64x1xf32, #tpu.memory_space<vmem>>, vector<64x1xf32>,
    } else {
    }
    %get3A = arith.constant 0 : index
    %get3A_2 = arith.constant 0 : index
    %get3A_3 = vector.load %arg3[%get3A, %get3A_2] : memref<1000x1xf32, #tpu.memory_space<vmem>>, vector<1000x1xf32>
    %get3A_4 = arith.constant 0 : index
    %get3A_5 = arith.constant 0 : index
    %get3A_6 = arith.constant 0 : index
    %get3A_7 = vector.load %arg1[%get3A_4, %get3A_5, %get3A_6] : memref<2x1000x128xf32, #tpu.memory_space<vmem>>, vector<1x1000x128xf32>
    %get3A_8 = vector.shape_cast %get3A_7 : vector<1x1000x128xf32> to vector<1000x128xf32>
    %get3A_9 = arith.constant 1 : index
    %get3A_10 = arith.constant 0 : index
    %get3A_11 = arith.constant 0 : index
    %get3A_12 = vector.load %arg1[%get3A_9, %get3A_10, %get3A_11] : memref<2x1000x128xf32, #tpu.memory_space<vmem>>, vector<1x1000x128xf32>
    %get3A_13 = vector.shape_cast %get3A_12 : vector<1x1000x128xf32> to vector<1000x128xf32>
    %add3A = arith.addf %get3A_8, %get3A_13 : vector<1000x128xf32>
    %get3A_14 = arith.constant 0 : index
    %get3A_15 = arith.constant 0 : index
    %get3A_16 = vector.load %arg2[%get3A_14, %get3A_15] : memref<1000x128xf32, #tpu.memory_space<vmem>>, vector<1000x128xf32>
    %add3A_17 = arith.addf %add3A, %get3A_16 : vector<1000x128xf32>
    %mul3A = vector.broadcast %get3A_3 : vector<1000x1xf32> to vector<1000x128xf32>
    %mul3A_18 = arith.mulf %add3A_17, %mul3A : vector<1000x128xf32>
    %get3A_19 = arith.constant 0 : index
    %get3A_20 = arith.constant 0 : index
    %get3A_21 = vector.load %arg4[%get3A_19, %get3A_20] : memref<1x128xf32, #tpu.memory_space<vmem>>, vector<1x128xf32>
    %add3A_22 = vector.broadcast %get3A_21 : vector<1x128xf32> to vector<1000x128xf32>
    %add3A_23 = arith.addf %mul3A_18, %add3A_22 : vector<1000x128xf32>
    %mul3A_24 = arith.constant 5.000000e-01 : f32
    %mul3A_25 = vector.broadcast %mul3A_24 : f32 to vector<1000x128xf32>
    %mul3A_26 = arith.mulf %mul3A_25, %add3A_23 : vector<1000x128xf32>
    %mul3A_27 = arith.constant 0.707106769 : f32
    %mul3A_28 = vector.broadcast %mul3A_27 : f32 to vector<1000x128xf32>
    %mul3A_29 = arith.mulf %add3A_23, %mul3A_28 : vector<1000x128xf32>
    %erf3A = math.erf %mul3A_29 : vector<1000x128xf32>
    %add3A_30 = arith.constant 1.000000e+00 : f32
    %add3A_31 = vector.broadcast %add3A_30 : f32 to vector<1000x128xf32>
    %add3A_32 = arith.addf %add3A_31, %erf3A : vector<1000x128xf32>
    %mul3A_33 = arith.mulf %mul3A_26, %add3A_32 : vector<1000x128xf32>
    %get3A_34 = arith.constant 0 : index
    %get3A_35 = arith.constant 0 : index
    %get3A_36 = arith.constant 0 : index
    %get3A_37 = vector.load %arg5[%get3A_34, %get3A_35, %get3A_36] : memref<1x1x1000xi32, #tpu.memory_space<vmem>>, vector<1x1x1000xi32>
    %get3A_38 = vector.shape_cast %get3A_37 : vector<1x1x1000xi32> to vector<1x1000xi32>
    %iota3A = tpu.iota {dimensions = array<i32: 0>} : vector<64x1000xi32>
    %eq3A_39 = vector.broadcast %get3A_38 : vector<1x1000xi32> to vector<64x1000xi32>
    %eq3A_40 = arith.cmpi eq, %eq3A_39, %iota3A : vector<64x1000xi32>
    %convert_element_type3A_41 = arith.extui %eq3A_40 : vector<64x1000xi1> to vector<64x1000xi32>
    %convert_element_type3A_42 = arith.sitofp %convert_element_type3A_41 : vector<64x1000xi32> to vector<64x1000xf32>
    %get3A_43 = arith.constant 0 : index
    %get3A_44 = arith.constant 0 : index
    %get3A_45 = vector.load %arg9[%get3A_43, %get3A_44] : memref<64x128xf32, #tpu.memory_space<vmem>>, vector<64x128xf32>
    %dot_general3A = arith.constant dense<0.000000e+00> : vector<64x128xf32>
    %dot_general3A_46 = tpu.matmul %convert_element_type3A_42, %mul3A_33, %dot_general3A {dimension_numbers = #tpu.dot_dimension_numbers<[1], [0], [0], [1], [0, 0, 1, 1], [], []>, transpose_lhs_hint = false} : vector<64x1000xf32>, vector<1000x128xf32>, vector<64x128xf32> -> vector<64x128xf32>
    %add3A_47 = arith.addf %get3A_45, %dot_general3A_46 : vector<64x128xf32>
    %swap3A = arith.constant 0 : index
    %swap3A_48 = arith.constant 0 : index
    %swap3A_49 = vector.load %arg9[%swap3A, %swap3A_48] : memref<64x128xf32, #tpu.memory_space<vmem>>, vector<64x128xf32>
    tpu.vector_store %arg9[%swap3A, %swap3A_48], %add3A_47 {strides = array<i32>} : memref<64x128xf32, #tpu.memory_space<vmem>>, vector<64x128xf32>,
    %get3A_50 = arith.constant 0 : index
    %get3A_51 = arith.constant 0 : index
    %get3A_52 = vector.load %arg10[%get3A_50, %get3A_51] : memref<64x1xf32, #tpu.memory_space<vmem>>, vector<64x1xf32>
    %broadcast_in_dim3A = arith.constant 1.000000e+00 : f32
    %broadcast_in_dim3A_53 = vector.broadcast %broadcast_in_dim3A : f32 to vector<1000x1xf32>
    %dot_general3A_54 = arith.constant dense<0.000000e+00> : vector<64x1xf32>
    %dot_general3A_55 = tpu.matmul %convert_element_type3A_42, %broadcast_in_dim3A_53, %dot_general3A_54 {dimension_numbers = #tpu.dot_dimension_numbers<[1], [0], [0], [1], [0, 0, 1, 1], [], []>, transpose_lhs_hint = false} : vector<64x1000xf32>, vector<1000x1xf32>, vector<64x1xf32> -> vector<64x1xf32>
    %add3A_56 = arith.addf %get3A_52, %dot_general3A_55 : vector<64x1xf32>
    %swap3A_57 = arith.constant 0 : index
    %swap3A_58 = arith.constant 0 : index
    %swap3A_59 = vector.load %arg10[%swap3A_57, %swap3A_58] : memref<64x1xf32, #tpu.memory_space<vmem>>, vector<64x1xf32>
    tpu.vector_store %arg10[%swap3A_57, %swap3A_58], %add3A_56 {strides = array<i32>} : memref<64x1xf32, #tpu.memory_space<vmem>>, vector<64x1xf32>,
    %eq3A_60 = arith.constant 9 : i32
    %eq3A_61 = arith.cmpi eq, %arg0, %eq3A_60 : i32
    %convert_element_type3A_62 = arith.extui %eq3A_61 : i1 to i32
    %cond3A_63 = arith.constant 0 : i32
    %cond3A_64 = arith.cmpi ne, %convert_element_type3A_62, %cond3A_63 : i32
    scf.if %cond3A_64 {
      %get3A_65 = arith.constant 0 : index
      %get3A_66 = arith.constant 0 : index
      %get3A_67 = vector.load %arg9[%get3A_65, %get3A_66] : memref<64x128xf32, #tpu.memory_space<vmem>>, vector<64x128xf32>
      %get3A_68 = arith.constant 0 : index
      %get3A_69 = arith.constant 0 : index
      %get3A_70 = vector.load %arg10[%get3A_68, %get3A_69] : memref<64x1xf32, #tpu.memory_space<vmem>>, vector<64x1xf32>
      %max3A = arith.constant 1.000000e+00 : f32
      %max3A_71 = vector.broadcast %max3A : f32 to vector<64x1xf32>
      %max3A_72 = arith.maximumf %get3A_70, %max3A_71 : vector<64x1xf32>
      %div3A = vector.broadcast %max3A_72 : vector<64x1xf32> to vector<64x128xf32>
      %div3A_73 = arith.divf %get3A_67, %div3A : vector<64x128xf32>
      %get3A_74 = arith.constant 0 : index
      %get3A_75 = arith.constant 0 : index
      %get3A_76 = vector.load %arg6[%get3A_74, %get3A_75] : memref<128x10xf32, #tpu.memory_space<vmem>>, vector<128x10xf32>
      %dot_general3A_77 = arith.constant dense<0.000000e+00> : vector<64x10xf32>
      %dot_general3A_78 = tpu.matmul %div3A_73, %get3A_76, %dot_general3A_77 {dimension_numbers = #tpu.dot_dimension_numbers<[1], [0], [0], [1], [0, 0, 1, 1], [], []>, transpose_lhs_hint = false} : vector<64x128xf32>, vector<128x10xf32>, vector<64x10xf32> -> vector<64x10xf32>
      %get3A_79 = arith.constant 0 : index
      %get3A_80 = arith.constant 0 : index
      %get3A_81 = vector.load %arg7[%get3A_79, %get3A_80] : memref<1x10xf32, #tpu.memory_space<vmem>>, vector<1x10xf32>
      %add3A_82 = vector.broadcast %get3A_81 : vector<1x10xf32> to vector<64x10xf32>
      %add3A_83 = arith.addf %dot_general3A_78, %add3A_82 : vector<64x10xf32>
      %swap3A_84 = arith.constant 0 : index
      %swap3A_85 = arith.constant 0 : index
      %swap3A_86 = vector.load %arg8[%swap3A_84, %swap3A_85] : memref<64x10xf32, #tpu.memory_space<vmem>>, vector<64x10xf32>
      tpu.vector_store %arg8[%swap3A_84, %swap3A_85], %add3A_83 {strides = array<i32>} : memref<64x10xf32, #tpu.memory_space<vmem>>, vector<64x10xf32>,
    } else {
    }
    return
  }
  func.func @transform_0(%arg0: i32) -> (i32, i32, i32) {
    %c0_i32 = arith.constant 0 : i32
    %c0_i32_0 = arith.constant 0 : i32
    %c0_i32_1 = arith.constant 0 : i32
    return %c0_i32, %arg0, %c0_i32_0 : i32, i32, i32
  }
  func.func @transform_1(%arg0: i32) -> (i32, i32) {
    %c0_i32 = arith.constant 0 : i32
    %c0_i32_0 = arith.constant 0 : i32
    return %arg0, %c0_i32 : i32, i32
  }
  func.func @transform_2(%arg0: i32) -> (i32, i32) {
    %c0_i32 = arith.constant 0 : i32
    %c0_i32_0 = arith.constant 0 : i32
    return %arg0, %c0_i32 : i32, i32
  }
  func.func @transform_3(%arg0: i32) -> (i32, i32) {
    %c0_i32 = arith.constant 0 : i32
    %c0_i32_0 = arith.constant 0 : i32
    %c0_i32_1 = arith.constant 0 : i32
    return %c0_i32, %c0_i32_0 : i32, i32
  }
  func.func @transform_4(%arg0: i32) -> (i32, i32, i32) {
    %c0_i32 = arith.constant 0 : i32
    %c0_i32_0 = arith.constant 0 : i32
    %c0_i32_1 = arith.constant 0 : i32
    return %arg0, %c0_i32, %c0_i32_0 : i32, i32, i32
  }
  func.func @transform_5(%arg0: i32) -> (i32, i32) {
    %c0_i32 = arith.constant 0 : i32
    %c0_i32_0 = arith.constant 0 : i32
    %c0_i32_1 = arith.constant 0 : i32
    return %c0_i32, %c0_i32_0 : i32, i32
  }
  func.func @transform_6(%arg0: i32) -> (i32, i32) {
    %c0_i32 = arith.constant 0 : i32
    %c0_i32_0 = arith.constant 0 : i32
    %c0_i32_1 = arith.constant 0 : i32
    return %c0_i32, %c0_i32_0 : i32, i32
  }
  func.func @transform_7(%arg0: i32) -> (i32, i32) {
    %c0_i32 = arith.constant 0 : i32
    %c0_i32_0 = arith.constant 0 : i32
    %c0_i32_1 = arith.constant 0 : i32
    return %c0_i32, %c0_i32_0 : i32, i32
  }
}

</mosaic_0001>

<sc_bundles>
// kernel: kernel.12.cloned.1.call-start
scs
__scs_entry_jumppad:
0x0: {  	(pc) =	sbr.rel $0x88, $3  }
0x1: {  	(tag) =	ssettag $0x0;
	lr =	simm.s32 $0x1  }
0x2: {  	[smem:$0x3F98] =	sst lr;
	_ =	strace $0xD0000000  }
0x3: {  	_ = 	snop  }
0x4: {  	_ = 	snop  }
0x5: {  	_ = 	snop  }
0x6: {  	_ = 	snop  }
0x7: {  	_ = 	snop  }
__scs_overlays_trampoline_lowered:
0x8: {  	[smem:$0x3FA7] =	sst s0  }
0x9: {  	[smem:$0x3FA8] =	sst s1  }
0xa: {  	[smem:$0x3FA9] =	sst s2  }
0xb: {  	[smem:$0x3FAA] =	sst s3  }
0xc: {  	[smem:$0x3FAB] =	sst s4  }
0xd: {  	[smem:$0x3FAC] =	sst s5  }
0xe: {  	[smem:$0x3FAD] =	sst s6  }
0xf: {  	[smem:$0x3FAE] =	sst s7  }
0x10: {  	[smem:$0x3FAF] =	sst s8  }
0x11: {  	[smem:$0x3FB0] =	sst s9;
	s0 =	simm.s32 @!p0 $0x0  }
0x12: {  	s1 =	sld [smem:$0x3F96];
	s0 =	simm.s32 @p0 $0x1  }
0x13: {  	[smem:$0x3FB1] =	sst s0;
	s0 =	simm.s32 @!p1 $0x0  }
0x14: {  	s2 =	sld [smem:$0x3F95];
	s0 =	simm.s32 @p1 $0x1  }
0x15: {  	[smem:$0x3FB2] =	sst s0;
	s0 =	simm.s32 @!p2 $0x0  }
0x16: {  	s3 =	sld [smem:$0x3FDB];
	s0 =	simm.s32 @p2 $0x1  }
0x17: {  	s4 =	simm.s32 $0x1BF5;
	[smem:$0x3FB4] =	sst s0  }
0x18: {  	s0 =	sld [smem:$0x3F97];
	_ =	swait.ge [sflag:s4], $0x0  }
0x19: {  	s7 =	sld [smem:$0x3F98]  }
0x1a: {  	s8 =	sadd.s32 $0xFFFFE003, lr  }
0x1b: {  	s9 =	sadd.s32 $0xFFFFFEF7, lr;
	s5 =	simm.s32 $0xFFFFFFFF;
	p2 =	slt.u32 s8, $0xFFFFF086  }
0x1c: {  	p1 =	slt.u32 s9, $0xF7A;
	s5 =	simm.s32 @!p2 $0x0  }
0x1d: {  	s5 =	simm.s32 @p1 $0x1;
	p0 =	seq.s32 s7, s2  }
0x1e: {  	s7 =	smul.u32 @!p0 $0xF7A, s2;
	p2 =	seq.s32 @!p0 s5, $0x0  }
0x1f: {  	s9 =	smul.u32 $0xF7A, s1;
	s8 =	simm.s32 @!p0 $0x1BF5;
	p2 =	por !p2, p0  }
0x20: {  	[sflag:s8] =	ssyncset.s32 @!p0 $0xFFFFF086;
	s6 =	sadd.s32 @!p0 s3, s7;
	s7 =	simm.s32 @!p0 $0x108  }
0x21: {  	s3 =	sadd.s32 s3, s9;
	s6 =	sadd.s32 @!p0 $0x88, s6;
	s7 =	simm.s32 @p2 $0x1082  }
0x22: {  	[simem:s7], [sflag:s8] =	dma.local @!p0 [hbm:s6], $0xF7A  }
0x23: {  	s9 =	sor.u32 $0xD0000000, s2;
	s6 =	simm.s32 $0x108;
	_ =	swait.ge @!p0 [sflag:s8], $0x0  }
0x24: {  	s3 =	sadd.s32 $0x88, s3;
	s6 =	simm.s32 @!p1 $0x1082;
	[sflag:s4] =	ssyncset.s32 $0xFFFFF086  }
0x25: {  	[simem:s6], [sflag:s4] =	dma.local [hbm:s3], $0xF7A  }
0x26: {  	[smem:$0x3F98] =	sst s1;
	(tag) =	ssettag s2;
	_ =	strace s9  }
0x27: {  	s1 =	sld [smem:$0x3FA8]  }
0x28: {  	s2 =	sld [smem:$0x3FA9]  }
0x29: {  	s4 =	sld [smem:$0x3FAB]  }
0x2a: {  	p0 =	seq.s32 s5, $0x0;
	s5 =	sld [smem:$0x3FAC]  }
0x2b: {  	s6 =	sld [smem:$0x3FAD]  }
0x2c: {  	s7 =	sld [smem:$0x3FAE]  }
0x2d: {  	s3 =	simm.s32 $0x108;
	s8 =	sld [smem:$0x3FAF]  }
0x2e: {  	s3 =	simm.s32 @!p0 $0x1082;
	s9 =	sld [smem:$0x3FB0]  }
0x2f: {  	lr =	sadd.s32 s0, s3;
	s0 =	sld [smem:$0x3FA7]  }
0x30: {  	s3 =	sld [smem:$0x3FAA]  }
0x31: {  	[smem:$0x3FB3] =	sst s10  }
0x32: {  	s10 =	sld [smem:$0x3FB1];
	_ =	sdelay $0x3  }
0x33: {  	p0 =	seq.s32 s10, $0x1;
	s10 =	sld [smem:$0x3FB3];
	_ =	sdelay $0x3  }
0x34: {  	[smem:$0x3FB3] =	sst s10  }
0x35: {  	s10 =	sld [smem:$0x3FB2];
	_ =	sdelay $0x3  }
0x36: {  	p1 =	seq.s32 s10, $0x1;
	s10 =	sld [smem:$0x3FB3];
	_ =	sdelay $0x3  }
0x37: {  	[smem:$0x3FB3] =	sst s10  }
0x38: {  	s10 =	sld [smem:$0x3FB4]  }
0x39: {  	_ = 	snop;
	(pc) =	sbr.ind lr, $3  }
0x3a: {  	_ = 	snop  }
0x3b: {  	_ = 	snop  }
0x3c: {  	p2 =	seq.s32 s10, $0x1;
	s10 =	sld [smem:$0x3FB3]  }
0x3d: {  	_ =	shalt  }
0x3e: {  	_ =	shalt  }
0x3f: {  	_ =	shalt  }
0x40: {  	_ =	shalt  }
0x41: {  	_ =	shalt  }
0x42: {  	_ =	shalt  }
0x43: {  	_ =	shalt  }
0x44: {  	_ =	shalt  }
0x45: {  	_ =	shalt  }
0x46: {  	_ =	shalt  }
0x47: {  	_ =	shalt  }
0x48: {  	_ =	shalt  }
0x49: {  	_ =	shalt  }
0x4a: {  	_ =	shalt  }
0x4b: {  	_ =	shalt  }
0x4c: {  	_ =	shalt  }
0x4d: {  	_ =	shalt  }
0x4e: {  	_ =	shalt  }
0x4f: {  	_ =	shalt  }
0x50: {  	_ =	shalt  }
0x51: {  	_ =	shalt  }
0x52: {  	_ =	shalt  }
0x53: {  	_ =	shalt  }
0x54: {  	_ =	shalt  }
0x55: {  	_ =	shalt  }
0x56: {  	_ =	shalt  }
0x57: {  	_ =	shalt  }
0x58: {  	_ =	shalt  }
0x59: {  	_ =	shalt  }
0x5a: {  	_ =	shalt  }
0x5b: {  	_ =	shalt  }
0x5c: {  	_ =	shalt  }
0x5d: {  	_ =	shalt  }
0x5e: {  	_ =	shalt  }
0x5f: {  	_ =	shalt  }
0x60: {  	_ =	shalt  }
0x61: {  	_ =	shalt  }
0x62: {  	_ =	shalt  }
0x63: {  	_ =	shalt  }
0x64: {  	_ =	shalt  }
0x65: {  	_ =	shalt  }
0x66: {  	_ =	shalt  }
0x67: {  	_ =	shalt  }
0x68: {  	_ =	shalt  }
0x69: {  	_ =	shalt  }
0x6a: {  	_ =	shalt  }
0x6b: {  	_ =	shalt  }
0x6c: {  	_ =	shalt  }
0x6d: {  	_ =	shalt  }
0x6e: {  	_ =	shalt  }
0x6f: {  	_ =	shalt  }
0x70: {  	_ =	shalt  }
0x71: {  	_ =	shalt  }
0x72: {  	_ =	shalt  }
0x73: {  	_ =	shalt  }
0x74: {  	_ =	shalt  }
0x75: {  	_ =	shalt  }
0x76: {  	_ =	shalt  }
0x77: {  	_ =	shalt  }
0x78: {  	_ =	shalt  }
0x79: {  	_ =	shalt  }
0x7a: {  	_ =	shalt  }
0x7b: {  	_ =	shalt  }
0x7c: {  	_ =	shalt  }
0x7d: {  	_ =	shalt  }
0x7e: {  	_ =	shalt  }
0x7f: {  	_ =	shalt  }
0x80: {  	_ =	shalt  }
0x81: {  	_ =	shalt  }
0x82: {  	_ =	shalt  }
0x83: {  	_ =	shalt  }
0x84: {  	_ =	shalt  }
0x85: {  	_ =	shalt  }
0x86: {  	_ =	shalt  }
0x87: {  	_ =	shalt  }
.Lfunc_end0:
.L_simem_size_0:
called_computation.1_lowered:
.L_overlay_start_0:
0x88: {  	s2 =	sld [smem:$0x3FD9]  }
0x89: {  	s3 =	sld [smem:$0x3FFE];
	_ =	sdelay $0x1  }
0x8a: {  	s1 =	srdreg.scid  }
0x8b: {  	s0 =	sand.u32 $0x1, s1  }
0x8c: {  	s16 =	sshll.u32 s0, $0xA;
	s2 =	sadd.s32 s3, s2  }
0x8d: {  	s2 =	sadd.s32 s2, s16  }
0x8e: {  	[smem:$0x3FBF] =	sst s2  }
0x8f: {  	_ = 	snop  }
0x90: {  	(tm) =	ssettm $0x1  }
0x91: {  	s17 =	sld [smem:$0x3FFB];
	_ =	sdelay $0x3  }
0x92: {  	_ =	strace s17  }
0x93: {  	s2 =	sld [smem:$0x3FFC];
	_ =	sdelay $0x3  }
0x94: {  	_ =	strace s2  }
0x95: {  	s2 =	sld [smem:$0x3FFD];
	_ =	sdelay $0x3  }
0x96: {  	_ =	strace s2  }
0x97: {  	_ =	strace $0x8FFFFFFF  }
0x98: {  	s18 =	sld [smem:$0x3FDB];
	_ =	sdelay $0x1  }
0x99: {  	s19 =	simm.s32 $_scs_section_size  }
0x9a: {  	s4 =	simm.s32 $_size__tile_overlayer_lowered;
	s5 =	simm.s32 $_tile_overlayer_lowered  }
0x9b: {  	s22 =	simm.s32 $0x1BFF;
	s21 =	sshll.u32 s5, $0x1;
	s2 =	sadd.s32 s19, s18  }
0x9c: {  	s6 =	simm.s32 $0x0;
	s20 =	sshll.u32 s4, $0x1;
	s4 =	sadd.s32 s21, s2  }
0x9d: {  	[timem:s6], [sflag:s22] =	dma.local [hbm:s4], s20  }
0x9e: {  	_ =	swait.ge [sflag:s22], s20  }
0x9f: {  	s3 =	ssub.s32 $0x0, s20;
	[sflag:s22] =	ssyncset.done $0x0  }
0xa0: {  	[sflag:s22] =	ssyncadd.s32 s3;
	_ =	sdelay $0x1  }
0xa1: {  	s23 =	simm.s32 $0x1B8B  }
0xa2: {  	_ =	swait.ge [sflag:s23], $0x1  }
0xa3: {  	[sflag:s23] =	ssyncset.done $0x0  }
0xa4: {  	s25 =	simm.s32 $0x1B8E;
	s24 =	sld [smem:$0x3FFE];
	[sflag:s23] =	ssyncadd.s32 $0xFFFFFFFF  }
0xa5: {  	s26 =	simm.s32 $execute0_lowered;
	[smem:$0x3FD2] =	sst s25  }
0xa6: {  	s4 =	sshll.u32 s26, $0x1;
	_ =	strace $0x80000049;
	[dreg:$0x1] =	wrdreg $0xFFFFFFFF  }
0xa7: {  	s28 =	simm.s32 $_size_execute0_lowered;
	s2 =	sadd.s32 s2, s4;
	[dreg:$0x0] =	wrdreg $0x0  }
0xa8: {  	s4 =	sshll.u32 s28, $0x1;
	[dreg:$0x2] =	wrdreg s2  }
0xa9: {  	[dreg:$0x3] =	wrdreg s4  }
0xaa: {  	[dreg:$0x4] =	wrdreg $0xC0  }
0xab: {  	_ =	task [dreg:s6], $0x5FFFF  }
0xac: {  	[dreg:$0x1] =	wrdreg $0xFFFFFFFF  }
0xad: {  	[dreg:$0x0] =	wrdreg $0x60  }
0xae: {  	[dreg:$0x2] =	wrdreg s24  }
0xaf: {  	[dreg:$0x3] =	wrdreg $0xA8000  }
0xb0: {  	[dreg:$0x4] =	wrdreg $0x9  }
0xb1: {  	_ =	task.clear_ibuf [dreg:s6], $0x5FFFF;
	_ =	strace $0x90000049  }
0xb2: {  	s29 =	simm.s32 $0x9;
	_ =	strace $0x8000004B  }
0xb3: {  	_ =	swait.ge [sflag:s29], $0x1  }
0xb4: {  	[sflag:s29] =	ssyncadd.s32 $0xFFFFFFFF  }
0xb5: {  	_ =	strace $0x9000004B  }
0xb6: {  	_ =	sfence  }
0xb7: {  	s30 =	sld [smem:$0x0];
	_ =	sdelay $0x2  }
0xb8: {  	s31 =	sshll.u32 s1, $0xD;
	s1 =	sshrl.u32 s1, $0x2  }
0xb9: {  	s3 =	sand.u32 $0x4000, s31;
	s1 =	sadd.s32 s1, s30  }
0xba: {  	s0 =	sor.u32 s3, s0;
	s1 =	sshll.u32 s1, $0x11  }
0xbb: {  	s0 =	sor.u32 s1, s0  }
0xbc: {  	s0 =	sadd.s32 $0x8F2B, s0  }
0xbd: {  	[sflag:s0] =	ssyncadd.remote.s32 $0x1  }
0xbe: {  	_ =	sfence.sel $0xFFFF  }
0xbf: {  	[dreg:$0x0] =	wrdreg $0xFFFFFFFF;
	(pc) =	sbr.abs _section_cstart, $3  }
0xc0: {  	[dreg:$0x1] =	wrdreg $0xFFFFFFFF  }
0xc1: {  	_ =	task.clear_ibuf [dreg:s6], $0x2FFFF;
	_ =	strace $0x9FFFFFFF  }
0xc2: {  	(tm) =	ssettm $0x7FFFFFFF  }
0xc3: {  	_ =	shalt  }
tec
execute0_lowered:
.L_overlay_start_1:
0x0: {  	(tag) =	ssettag $0x1  }
0x1: {  	s6 =	rddreg [dreg:$0x0]  }
0x2: {  	s1 =	rddreg [dreg:$0x1]  }
0x3: {  	s0 =	rddreg [dreg:$0x2];
	s2 =	simm.s32 $0x0  }
0x4: {  	s3 =	srdreg.scid;
	s16 =	simm.s32 $0x80;
	s17 =	simm.s32 $0x2800  }
0x5: {  	s18 =	simm.s32 $0x6800;
	s20 =	simm.s32 $0x1;
	s21 =	simm.s32 $0x2  }
0x6: {  	s22 =	simm.s32 $0x2700;
	s23 =	simm.s32 $0x2780;
	s24 =	simm.s32 $0x0  }
0x7: {  	[smem:$0x7FF] =	sst s2;
	s8 =	sand.u32 $0x1, s3;
	s3 =	stileid.u32  }
0x8: {  	s4 =	sadd.s32 $0xF400, s6;
	s9 =	sadd.s32 $0x5DE00, s6;
	s10 =	sadd.s32 $0x2C00, s6  }
0x9: {  	s15 =	sadd.s32 $0x67E00, s6;
	s19 =	sadd.s32 $0x128400, s1;
	s14 =	smul.u32 $0x4F000, s3  }
0xa: {  	_ =	strace $0x8000004A;
	s5 =	sshll.u32 s8, $0x4;
	s28 =	smul.u32 $0x138800, s8  }
0xb: {  	s11 =	ssub.s32 $0x2, s8;
	s30 =	smul.u32 $0x13C00, s3;
	p0 =	seq.s32 s3, $0xF  }
0xc: {  	s7 =	sor.u32 s3, s5;
	s5 =	sadd.s32 $0xCC00, s6;
	s13 =	sshrl.u32 s11, $0x1  }
0xd: {  	s19 =	sshrl.u32 @p0 s19, $0x3;
	s12 =	smul.u32 $0x500, s7;
	s13 =	ssub.s32 s11, s13  }
0xe: {  	s26 =	smul.u32 $0x2800, s7;
	s29 =	sshrl.u32 s14, $0x2;
	s14 =	sadd.s32 s30, s28  }
0xf: {  	s8 =	sadd.s32 s29, s1;
	s31 =	sshrl.u32 s14, $0x3;
	s13 =	smax.u32 s13, $0x1  }
0x10: {  	s14 =	simm.s32 $0x3;
	s6 =	sadd.s32 s9, s12;
	s11 =	sshrl.u32 s26, $0x3  }
0x11: {  	s7 =	sadd.s32 s10, s12;
	s12 =	sshrl.u32 s28, $0x3;
	s11 =	sadd.s32 $0x280, s11  }
0x12: {  	s12 =	sadd.s32 s15, s12;
	s9 =	sadd.s32 s9, s11;
	s10 =	sadd.s32 s10, s11  }
0x13: {  	s11 =	sadd.s32 s15, s31;
	s12 =	sadd.s32 $0x25080, s12;
	s15 =	simm.s32 $0x1400  }
.LBB2_1:
0x14: {  	[tilespmem:s2], [sflag:$0x3] =	stream.linear.gather [hbm4b:s6+s2], $0x1400, $0x38;
	[tilespmem:$0x1E0C0] =	vst v63  }
0x15: {  	_ =	swait.ge [sflag:s14], $0x1400  }
0x16: {  	[sflag:s14] =	ssyncset.done $0x0  }
0x17: {  	[sflag:s14] =	ssyncadd.s32 $0xFFFFEC00  }
0x18: {  	[tilespmem:s15], [sflag:$0x3] =	stream.linear.gather [hbm4b:s7+s2], $0x1400, $0x38;
	[tilespmem:$0x1E0C0] =	vst v63  }
0x19: {  	_ =	swait.ge [sflag:s14], $0x1400  }
0x1a: {  	[sflag:s14] =	ssyncset.done $0x0  }
0x1b: {  	[sflag:s14] =	ssyncadd.s32 $0xFFFFEC00  }
0x1c: {  	[tilespmem:s17], [sflag:$0x1] =	stream.indirect.gather [hbm4b:s4+s16], $0x80, s2, s16, $0xb8;
	[tilespmem:$0x1E0C0] =	vst v63  }
0x1d: {  	s25 =	simm.s32 @p0 $0x1FC3  }
0x1e: {  	[tilespmem:s18], [sflag:$0x2] =	stream.indirect.gather [hbm4b:s4+s16], $0x80, s16, s16, $0xb8;
	[tilespmem:$0x1E0C0] =	vst v63  }
0x1f: {  	[spmem:s19], [sflag:s25] =	dma.local @p0 [hbm:s5], $0x2080  }
0x20: {  	s25 =	simm.s32 @p0 $0x3  }
0x21: {  	_ =	swait.ge @p0 [sflag:s25], $0x2080  }
0x22: {  	s26 =	sshll.u32 @!p0 s3, $0x6;
	s28 =	simm.s32 @!p0 $0x3;
	[sflag:s25] =	ssyncset.done @p0 $0x0  }
0x23: {  	[sflag:s25] =	ssyncadd.s32 @p0 $0xFFFFDF80;
	s25 =	sor.u32 @!p0 $0x1C03, s26;
	s26 =	sshrl.u32 @!p0 s8, $0x3  }
0x24: {  	[spmem:s26], [sflag:s25] =	dma.local @!p0 [hbm:s5], $0x2780  }
0x25: {  	_ =	swait.ge @!p0 [sflag:s28], $0x2780  }
0x26: {  	[sflag:s28] =	ssyncset.done @!p0 $0x0  }
0x27: {  	[sflag:s28] =	ssyncadd.s32 @!p0 $0xFFFFD880  }
0x28: {  	[bflag:$0x0] =	sbarrier.arrive $0xFFFF  }
0x29: {  	_ =	swait.ge [sflag:s20], $0x4000  }
0x2a: {  	[sflag:s20] =	ssyncset.done $0x0  }
0x2b: {  	s28 =	simm.s32 $0x1400;
	[sflag:s20] =	ssyncadd.s32 $0xFFFFC000  }
0x2c: {  	[spmem:s1] =	stream.indirect.scatter.add.f32 [tilespmem:s17], [sflag:$0x3], $0x80, s28, s16, $0xb8;
	[tilespmem:$0x1E0C0] =	vst v63  }
0x2d: {  	_ =	swait.ge [sflag:s14], $0x4000  }
0x2e: {  	[sflag:s14] =	ssyncset.done $0x0  }
0x2f: {  	s28 =	simm.s32 $0x100;
	[sflag:s14] =	ssyncadd.s32 $0xFFFFC000  }
0x30: {  	[tilespmem:s17], [sflag:$0x1] =	stream.indirect.gather [hbm4b:s4+s16], $0x80, s28, s16, $0xb8;
	[tilespmem:$0x1E0C0] =	vst v63  }
0x31: {  	_ =	swait.ge [sflag:s21], $0x4000  }
0x32: {  	[sflag:s21] =	ssyncset.done $0x0  }
0x33: {  	s28 =	simm.s32 $0x1480;
	[sflag:s21] =	ssyncadd.s32 $0xFFFFC000  }
0x34: {  	[spmem:s1] =	stream.indirect.scatter.add.f32 [tilespmem:s18], [sflag:$0x3], $0x80, s28, s16, $0xb8;
	[tilespmem:$0x1E0C0] =	vst v63  }
0x35: {  	_ =	swait.ge [sflag:s14], $0x4000  }
0x36: {  	[sflag:s14] =	ssyncset.done $0x0  }
0x37: {  	s29 =	simm.s32 $0x180;
	s28 =	simm.s32 $0x400;
	[sflag:s14] =	ssyncadd.s32 $0xFFFFC000  }
.LBB2_2:
0x38: {  	[tilespmem:s18], [sflag:$0x2] =	stream.indirect.gather [hbm4b:s4+s16], $0x80, s29, s16, $0xb8;
	[tilespmem:$0x1E0C0] =	vst v63  }
0x39: {  	s29 =	smov.u32 s28  }
0x3a: {  	p1 =	sne.s32 s28, $0x4800;
	s28 =	sadd.s32 $0x400, s28;
	_ =	swait.ge [sflag:s20], $0x4000  }
0x3b: {  	s29 =	sshra.s32 s29, $0x2;
	[sflag:s20] =	ssyncset.done $0x0  }
0x3c: {  	s30 =	sadd.s32 $0x1400, s29;
	[sflag:s20] =	ssyncadd.s32 $0xFFFFC000  }
0x3d: {  	[spmem:s1] =	stream.indirect.scatter.add.f32 [tilespmem:s17], [sflag:$0x3], $0x80, s30, s16, $0xb8;
	[tilespmem:$0x1E0C0] =	vst v63  }
0x3e: {  	_ =	swait.ge [sflag:s14], $0x4000  }
0x3f: {  	[sflag:s14] =	ssyncset.done $0x0  }
0x40: {  	s30 =	sadd.s32 $0x100, s29;
	[sflag:s14] =	ssyncadd.s32 $0xFFFFC000  }
0x41: {  	[tilespmem:s17], [sflag:$0x1] =	stream.indirect.gather [hbm4b:s4+s16], $0x80, s30, s16, $0xb8;
	[tilespmem:$0x1E0C0] =	vst v63  }
0x42: {  	_ =	swait.ge [sflag:s21], $0x4000  }
0x43: {  	[sflag:s21] =	ssyncset.done $0x0  }
.Ltmp0:
0x44: {  	s30 =	sadd.s32 $0x1480, s29;
	[sflag:s21] =	ssyncadd.s32 $0xFFFFC000;
	(pc) =	sbr.rel @p1 .LBB2_2-.Ltmp0, $4  }
0x45: {  	[spmem:s1] =	stream.indirect.scatter.add.f32 [tilespmem:s18], [sflag:$0x3], $0x80, s30, s16, $0xb8;
	[tilespmem:$0x1E0C0] =	vst v63  }
0x46: {  	_ =	swait.ge [sflag:s14], $0x4000  }
0x47: {  	[sflag:s14] =	ssyncset.done $0x0  }
0x48: {  	s29 =	sadd.s32 $0x180, s29;
	[sflag:s14] =	ssyncadd.s32 $0xFFFFC000  }
0x49: {  	[tilespmem:s18], [sflag:$0x2] =	stream.indirect.gather [hbm4b:s4+s16], $0x80, s29, s16, $0xb8;
	[tilespmem:$0x1E0C0] =	vst v63  }
0x4a: {  	_ =	swait.ge [sflag:s20], $0x4000  }
0x4b: {  	[sflag:s20] =	ssyncset.done $0x0  }
0x4c: {  	[sflag:s20] =	ssyncadd.s32 $0xFFFFC000  }
0x4d: {  	[spmem:s1] =	stream.indirect.scatter.add.f32 [tilespmem:s17], [sflag:$0x3], $0x80, s22, s16, $0xb8;
	[tilespmem:$0x1E0C0] =	vst v63  }
0x4e: {  	_ =	swait.ge [sflag:s14], $0x4000  }
0x4f: {  	[sflag:s14] =	ssyncset.done $0x0  }
0x50: {  	[sflag:s14] =	ssyncadd.s32 $0xFFFFC000  }
0x51: {  	_ =	swait.ge [sflag:s21], $0x4000  }
0x52: {  	[sflag:s21] =	ssyncset.done $0x0  }
0x53: {  	[sflag:s21] =	ssyncadd.s32 $0xFFFFC000  }
0x54: {  	[spmem:s1] =	stream.indirect.scatter.add.f32 [tilespmem:s18], [sflag:$0x3], $0x80, s23, s16, $0xb8;
	[tilespmem:$0x1E0C0] =	vst v63  }
0x55: {  	_ =	swait.ge [sflag:s14], $0x4000  }
0x56: {  	[sflag:s14] =	ssyncset.done $0x0  }
0x57: {  	s28 =	simm.s32 $0x0;
	[sflag:s14] =	ssyncadd.s32 $0xFFFFC000  }
0x58: {  	[tilespmem:s28], [sflag:$0x3] =	stream.linear.gather [hbm4b:s9+s28], $0x1400, $0x38;
	[tilespmem:$0x1E0C0] =	vst v63  }
0x59: {  	_ =	swait.ge [sflag:s14], $0x1400  }
0x5a: {  	[sflag:s14] =	ssyncset.done $0x0  }
0x5b: {  	[sflag:s14] =	ssyncadd.s32 $0xFFFFEC00  }
0x5c: {  	[tilespmem:s15], [sflag:$0x3] =	stream.linear.gather [hbm4b:s10+s28], $0x1400, $0x38;
	[tilespmem:$0x1E0C0] =	vst v63  }
0x5d: {  	_ =	swait.ge [sflag:s14], $0x1400  }
0x5e: {  	[sflag:s14] =	ssyncset.done $0x0  }
0x5f: {  	[sflag:s14] =	ssyncadd.s32 $0xFFFFEC00  }
0x60: {  	[tilespmem:s17], [sflag:$0x1] =	stream.indirect.gather [hbm4b:s4+s16], $0x80, s28, s16, $0xb8;
	[tilespmem:$0x1E0C0] =	vst v63  }
0x61: {  	_ = 	snop  }
0x62: {  	[tilespmem:s18], [sflag:$0x2] =	stream.indirect.gather [hbm4b:s4+s16], $0x80, s16, s16, $0xb8;
	[tilespmem:$0x1E0C0] =	vst v63  }
0x63: {  	_ =	swait.ge [sflag:s20], $0x4000  }
0x64: {  	[sflag:s20] =	ssyncset.done $0x0  }
0x65: {  	s28 =	simm.s32 $0x1400;
	[sflag:s20] =	ssyncadd.s32 $0xFFFFC000  }
0x66: {  	[spmem:s1] =	stream.indirect.scatter.add.f32 [tilespmem:s17], [sflag:$0x3], $0x80, s28, s16, $0xb8;
	[tilespmem:$0x1E0C0] =	vst v63  }
0x67: {  	_ =	swait.ge [sflag:s14], $0x4000  }
0x68: {  	[sflag:s14] =	ssyncset.done $0x0  }
0x69: {  	s28 =	simm.s32 $0x100;
	[sflag:s14] =	ssyncadd.s32 $0xFFFFC000  }
0x6a: {  	[tilespmem:s17], [sflag:$0x1] =	stream.indirect.gather [hbm4b:s4+s16], $0x80, s28, s16, $0xb8;
	[tilespmem:$0x1E0C0] =	vst v63  }
0x6b: {  	_ =	swait.ge [sflag:s21], $0x4000  }
0x6c: {  	[sflag:s21] =	ssyncset.done $0x0  }
0x6d: {  	s28 =	simm.s32 $0x1480;
	[sflag:s21] =	ssyncadd.s32 $0xFFFFC000  }
0x6e: {  	[spmem:s1] =	stream.indirect.scatter.add.f32 [tilespmem:s18], [sflag:$0x3], $0x80, s28, s16, $0xb8;
	[tilespmem:$0x1E0C0] =	vst v63  }
0x6f: {  	_ =	swait.ge [sflag:s14], $0x4000  }
0x70: {  	[sflag:s14] =	ssyncset.done $0x0  }
0x71: {  	s29 =	simm.s32 $0x180;
	s28 =	simm.s32 $0x400;
	[sflag:s14] =	ssyncadd.s32 $0xFFFFC000  }
.LBB2_4:
0x72: {  	[tilespmem:s18], [sflag:$0x2] =	stream.indirect.gather [hbm4b:s4+s16], $0x80, s29, s16, $0xb8;
	[tilespmem:$0x1E0C0] =	vst v63  }
0x73: {  	s29 =	smov.u32 s28  }
0x74: {  	p1 =	sne.s32 s28, $0x4800;
	s28 =	sadd.s32 $0x400, s28;
	_ =	swait.ge [sflag:s20], $0x4000  }
0x75: {  	s29 =	sshra.s32 s29, $0x2;
	[sflag:s20] =	ssyncset.done $0x0  }
0x76: {  	s30 =	sadd.s32 $0x1400, s29;
	[sflag:s20] =	ssyncadd.s32 $0xFFFFC000  }
0x77: {  	[spmem:s1] =	stream.indirect.scatter.add.f32 [tilespmem:s17], [sflag:$0x3], $0x80, s30, s16, $0xb8;
	[tilespmem:$0x1E0C0] =	vst v63  }
0x78: {  	_ =	swait.ge [sflag:s14], $0x4000  }
0x79: {  	[sflag:s14] =	ssyncset.done $0x0  }
0x7a: {  	s30 =	sadd.s32 $0x100, s29;
	[sflag:s14] =	ssyncadd.s32 $0xFFFFC000  }
0x7b: {  	[tilespmem:s17], [sflag:$0x1] =	stream.indirect.gather [hbm4b:s4+s16], $0x80, s30, s16, $0xb8;
	[tilespmem:$0x1E0C0] =	vst v63  }
0x7c: {  	_ =	swait.ge [sflag:s21], $0x4000  }
0x7d: {  	[sflag:s21] =	ssyncset.done $0x0  }
.Ltmp1:
0x7e: {  	s30 =	sadd.s32 $0x1480, s29;
	[sflag:s21] =	ssyncadd.s32 $0xFFFFC000;
	(pc) =	sbr.rel @p1 .LBB2_4-.Ltmp1, $4  }
0x7f: {  	[spmem:s1] =	stream.indirect.scatter.add.f32 [tilespmem:s18], [sflag:$0x3], $0x80, s30, s16, $0xb8;
	[tilespmem:$0x1E0C0] =	vst v63  }
0x80: {  	_ =	swait.ge [sflag:s14], $0x4000  }
0x81: {  	[sflag:s14] =	ssyncset.done $0x0  }
0x82: {  	s29 =	sadd.s32 $0x180, s29;
	[sflag:s14] =	ssyncadd.s32 $0xFFFFC000  }
0x83: {  	[tilespmem:s18], [sflag:$0x2] =	stream.indirect.gather [hbm4b:s4+s16], $0x80, s29, s16, $0xb8;
	[tilespmem:$0x1E0C0] =	vst v63  }
0x84: {  	_ =	swait.ge [sflag:s20], $0x4000  }
0x85: {  	[sflag:s20] =	ssyncset.done $0x0  }
0x86: {  	[sflag:s20] =	ssyncadd.s32 $0xFFFFC000  }
0x87: {  	[spmem:s1] =	stream.indirect.scatter.add.f32 [tilespmem:s17], [sflag:$0x3], $0x80, s22, s16, $0xb8;
	[tilespmem:$0x1E0C0] =	vst v63  }
0x88: {  	_ =	swait.ge [sflag:s14], $0x4000  }
0x89: {  	[sflag:s14] =	ssyncset.done $0x0  }
0x8a: {  	[sflag:s14] =	ssyncadd.s32 $0xFFFFC000  }
0x8b: {  	_ =	swait.ge [sflag:s21], $0x4000  }
0x8c: {  	[sflag:s21] =	ssyncset.done $0x0  }
0x8d: {  	[sflag:s21] =	ssyncadd.s32 $0xFFFFC000  }
0x8e: {  	[spmem:s1] =	stream.indirect.scatter.add.f32 [tilespmem:s18], [sflag:$0x3], $0x80, s23, s16, $0xb8;
	[tilespmem:$0x1E0C0] =	vst v63  }
0x8f: {  	_ =	swait.ge [sflag:s14], $0x4000  }
0x90: {  	[sflag:s14] =	ssyncset.done $0x0  }
0x91: {  	[sflag:s14] =	ssyncadd.s32 $0xFFFFC000  }
0x92: {  	s28 =	simm.s32 @p0 $0x1FC3;
	[bflag:$0x0] =	sbarrier.arrive $0xFFFF  }
0x93: {  	[hbm:s12], [sflag:s28] =	dma.local @p0 [spmem:s19], $0x2080  }
0x94: {  	s28 =	simm.s32 @p0 $0x3  }
0x95: {  	_ =	swait.ge @p0 [sflag:s28], $0x2080  }
0x96: {  	s24 =	sadd.s32 $0x1, s24;
	[sflag:s28] =	ssyncset.done @p0 $0x0  }
0x97: {  	p1 =	sne.s32 s24, s13;
	[sflag:s28] =	ssyncadd.s32 @p0 $0xFFFFDF80  }
0x98: {  	[hbm:s11], [sflag:s25] =	dma.local @!p0 [spmem:s26], $0x2780  }
.Ltmp2:
0x99: {  	_ = 	snop;
	(pc) =	sbr.rel @p1 .LBB2_1-.Ltmp2, $4  }
0x9a: {  	s25 =	simm.s32 @!p0 $0x3  }
0x9b: {  	_ =	swait.ge @!p0 [sflag:s25], $0x2780  }
0x9c: {  	[sflag:s25] =	ssyncset.done @!p0 $0x0  }
0x9d: {  	[sflag:s25] =	ssyncadd.s32 @!p0 $0xFFFFD880  }
0x9e: {  	_ =	sfence.sel $0x180000  }
0x9f: {  	[bflag:$0x0] =	sbarrier.arrive $0xFFFF  }
0xa0: {  	p0 =	sne.s32 s3, $0x0;
	_ =	strace $0x9000004A  }
0xa1: {  	s0 =	sadd.s32 @!p0 $0x100000, s0;
	[bflag:$0x2] =	sbarrier.arrive $0xFFFF  }
0xa2: {  	[sflag:s0] =	ssyncadd.tile.s32 @!p0 $0x1;
	_ =	shalt  }
.Lfunc_end2:
_tile_overlayer_lowered:
.L_overlay_start_2:
0xa3: {  	(tag) =	ssettag $0x2  }
0xa4: {  	s0 =	rddreg [dreg:$0x0];
	s2 =	stileid.u32  }
0xa5: {  	s1 =	rddreg [dreg:$0x1];
	p0 =	sne.s32 s2, $0x0  }
0xa6: {  	s3 =	rddreg [dreg:$0x2];
	[bflag:$0x3] =	sbarrier.arrive $0xFFFF;
	s2 =	simm.s32 @!p0 $0x1C03  }
0xa7: {  	[timem:s3], [sflag:s2] =	dma.local @!p0 [hbm:s0], s1  }
0xa8: {  	s0 =	simm.s32 @!p0 $0x3  }
0xa9: {  	_ =	swait.ge @!p0 [sflag:s0], s1  }
0xaa: {  	s1 =	ssub.s32 @!p0 $0x0, s1;
	[sflag:s0] =	ssyncset.done @!p0 $0x0  }
0xab: {  	[sflag:s0] =	ssyncadd.s32 @!p0 s1  }
0xac: {  	[bflag:$0x3] =	sbarrier.arrive $0xFFFF  }
0xad: {  	_ =	shalt  }

// kernel: kernel.15.cloned.1.call-start
scs
__scs_entry_jumppad:
0x0: {  	(pc) =	sbr.rel $0x88, $3  }
0x1: {  	(tag) =	ssettag $0x0;
	lr =	simm.s32 $0x1  }
0x2: {  	[smem:$0x3F98] =	sst lr;
	_ =	strace $0xD0000000  }
0x3: {  	_ = 	snop  }
0x4: {  	_ = 	snop  }
0x5: {  	_ = 	snop  }
0x6: {  	_ = 	snop  }
0x7: {  	_ = 	snop  }
__scs_overlays_trampoline_lowered:
0x8: {  	[smem:$0x3FA7] =	sst s0  }
0x9: {  	[smem:$0x3FA8] =	sst s1  }
0xa: {  	[smem:$0x3FA9] =	sst s2  }
0xb: {  	[smem:$0x3FAA] =	sst s3  }
0xc: {  	[smem:$0x3FAB] =	sst s4  }
0xd: {  	[smem:$0x3FAC] =	sst s5  }
0xe: {  	[smem:$0x3FAD] =	sst s6  }
0xf: {  	[smem:$0x3FAE] =	sst s7  }
0x10: {  	[smem:$0x3FAF] =	sst s8  }
0x11: {  	[smem:$0x3FB0] =	sst s9;
	s0 =	simm.s32 @!p0 $0x0  }
0x12: {  	s1 =	sld [smem:$0x3F96];
	s0 =	simm.s32 @p0 $0x1  }
0x13: {  	[smem:$0x3FB1] =	sst s0;
	s0 =	simm.s32 @!p1 $0x0  }
0x14: {  	s2 =	sld [smem:$0x3F95];
	s0 =	simm.s32 @p1 $0x1  }
0x15: {  	[smem:$0x3FB2] =	sst s0;
	s0 =	simm.s32 @!p2 $0x0  }
0x16: {  	s3 =	sld [smem:$0x3FDB];
	s0 =	simm.s32 @p2 $0x1  }
0x17: {  	s4 =	simm.s32 $0x1BF5;
	[smem:$0x3FB4] =	sst s0  }
0x18: {  	s0 =	sld [smem:$0x3F97];
	_ =	swait.ge [sflag:s4], $0x0  }
0x19: {  	s7 =	sld [smem:$0x3F98]  }
0x1a: {  	s8 =	sadd.s32 $0xFFFFE003, lr  }
0x1b: {  	s9 =	sadd.s32 $0xFFFFFEF7, lr;
	s5 =	simm.s32 $0xFFFFFFFF;
	p2 =	slt.u32 s8, $0xFFFFF086  }
0x1c: {  	p1 =	slt.u32 s9, $0xF7A;
	s5 =	simm.s32 @!p2 $0x0  }
0x1d: {  	s5 =	simm.s32 @p1 $0x1;
	p0 =	seq.s32 s7, s2  }
0x1e: {  	s7 =	smul.u32 @!p0 $0xF7A, s2;
	p2 =	seq.s32 @!p0 s5, $0x0  }
0x1f: {  	s9 =	smul.u32 $0xF7A, s1;
	s8 =	simm.s32 @!p0 $0x1BF5;
	p2 =	por !p2, p0  }
0x20: {  	[sflag:s8] =	ssyncset.s32 @!p0 $0xFFFFF086;
	s6 =	sadd.s32 @!p0 s3, s7;
	s7 =	simm.s32 @!p0 $0x108  }
0x21: {  	s3 =	sadd.s32 s3, s9;
	s6 =	sadd.s32 @!p0 $0x88, s6;
	s7 =	simm.s32 @p2 $0x1082  }
0x22: {  	[simem:s7], [sflag:s8] =	dma.local @!p0 [hbm:s6], $0xF7A  }
0x23: {  	s9 =	sor.u32 $0xD0000000, s2;
	s6 =	simm.s32 $0x108;
	_ =	swait.ge @!p0 [sflag:s8], $0x0  }
0x24: {  	s3 =	sadd.s32 $0x88, s3;
	s6 =	simm.s32 @!p1 $0x1082;
	[sflag:s4] =	ssyncset.s32 $0xFFFFF086  }
0x25: {  	[simem:s6], [sflag:s4] =	dma.local [hbm:s3], $0xF7A  }
0x26: {  	[smem:$0x3F98] =	sst s1;
	(tag) =	ssettag s2;
	_ =	strace s9  }
0x27: {  	s1 =	sld [smem:$0x3FA8]  }
0x28: {  	s2 =	sld [smem:$0x3FA9]  }
0x29: {  	s4 =	sld [smem:$0x3FAB]  }
0x2a: {  	p0 =	seq.s32 s5, $0x0;
	s5 =	sld [smem:$0x3FAC]  }
0x2b: {  	s6 =	sld [smem:$0x3FAD]  }
0x2c: {  	s7 =	sld [smem:$0x3FAE]  }
0x2d: {  	s3 =	simm.s32 $0x108;
	s8 =	sld [smem:$0x3FAF]  }
0x2e: {  	s3 =	simm.s32 @!p0 $0x1082;
	s9 =	sld [smem:$0x3FB0]  }
0x2f: {  	lr =	sadd.s32 s0, s3;
	s0 =	sld [smem:$0x3FA7]  }
0x30: {  	s3 =	sld [smem:$0x3FAA]  }
0x31: {  	[smem:$0x3FB3] =	sst s10  }
0x32: {  	s10 =	sld [smem:$0x3FB1];
	_ =	sdelay $0x3  }
0x33: {  	p0 =	seq.s32 s10, $0x1;
	s10 =	sld [smem:$0x3FB3];
	_ =	sdelay $0x3  }
0x34: {  	[smem:$0x3FB3] =	sst s10  }
0x35: {  	s10 =	sld [smem:$0x3FB2];
	_ =	sdelay $0x3  }
0x36: {  	p1 =	seq.s32 s10, $0x1;
	s10 =	sld [smem:$0x3FB3];
	_ =	sdelay $0x3  }
0x37: {  	[smem:$0x3FB3] =	sst s10  }
0x38: {  	s10 =	sld [smem:$0x3FB4]  }
0x39: {  	_ = 	snop;
	(pc) =	sbr.ind lr, $3  }
0x3a: {  	_ = 	snop  }
0x3b: {  	_ = 	snop  }
0x3c: {  	p2 =	seq.s32 s10, $0x1;
	s10 =	sld [smem:$0x3FB3]  }
0x3d: {  	_ =	shalt  }
0x3e: {  	_ =	shalt  }
0x3f: {  	_ =	shalt  }
0x40: {  	_ =	shalt  }
0x41: {  	_ =	shalt  }
0x42: {  	_ =	shalt  }
0x43: {  	_ =	shalt  }
0x44: {  	_ =	shalt  }
0x45: {  	_ =	shalt  }
0x46: {  	_ =	shalt  }
0x47: {  	_ =	shalt  }
0x48: {  	_ =	shalt  }
0x49: {  	_ =	shalt  }
0x4a: {  	_ =	shalt  }
0x4b: {  	_ =	shalt  }
0x4c: {  	_ =	shalt  }
0x4d: {  	_ =	shalt  }
0x4e: {  	_ =	shalt  }
0x4f: {  	_ =	shalt  }
0x50: {  	_ =	shalt  }
0x51: {  	_ =	shalt  }
0x52: {  	_ =	shalt  }
0x53: {  	_ =	shalt  }
0x54: {  	_ =	shalt  }
0x55: {  	_ =	shalt  }
0x56: {  	_ =	shalt  }
0x57: {  	_ =	shalt  }
0x58: {  	_ =	shalt  }
0x59: {  	_ =	shalt  }
0x5a: {  	_ =	shalt  }
0x5b: {  	_ =	shalt  }
0x5c: {  	_ =	shalt  }
0x5d: {  	_ =	shalt  }
0x5e: {  	_ =	shalt  }
0x5f: {  	_ =	shalt  }
0x60: {  	_ =	shalt  }
0x61: {  	_ =	shalt  }
0x62: {  	_ =	shalt  }
0x63: {  	_ =	shalt  }
0x64: {  	_ =	shalt  }
0x65: {  	_ =	shalt  }
0x66: {  	_ =	shalt  }
0x67: {  	_ =	shalt  }
0x68: {  	_ =	shalt  }
0x69: {  	_ =	shalt  }
0x6a: {  	_ =	shalt  }
0x6b: {  	_ =	shalt  }
0x6c: {  	_ =	shalt  }
0x6d: {  	_ =	shalt  }
0x6e: {  	_ =	shalt  }
0x6f: {  	_ =	shalt  }
0x70: {  	_ =	shalt  }
0x71: {  	_ =	shalt  }
0x72: {  	_ =	shalt  }
0x73: {  	_ =	shalt  }
0x74: {  	_ =	shalt  }
0x75: {  	_ =	shalt  }
0x76: {  	_ =	shalt  }
0x77: {  	_ =	shalt  }
0x78: {  	_ =	shalt  }
0x79: {  	_ =	shalt  }
0x7a: {  	_ =	shalt  }
0x7b: {  	_ =	shalt  }
0x7c: {  	_ =	shalt  }
0x7d: {  	_ =	shalt  }
0x7e: {  	_ =	shalt  }
0x7f: {  	_ =	shalt  }
0x80: {  	_ =	shalt  }
0x81: {  	_ =	shalt  }
0x82: {  	_ =	shalt  }
0x83: {  	_ =	shalt  }
0x84: {  	_ =	shalt  }
0x85: {  	_ =	shalt  }
0x86: {  	_ =	shalt  }
0x87: {  	_ =	shalt  }
.Lfunc_end0:
.L_simem_size_0:
called_computation.2_lowered:
.L_overlay_start_0:
0x88: {  	s2 =	sld [smem:$0x3FD9]  }
0x89: {  	s3 =	sld [smem:$0x3FFE];
	_ =	sdelay $0x1  }
0x8a: {  	s1 =	srdreg.scid  }
0x8b: {  	s0 =	sand.u32 $0x1, s1  }
0x8c: {  	s16 =	sshll.u32 s0, $0xA;
	s2 =	sadd.s32 s3, s2  }
0x8d: {  	s2 =	sadd.s32 s2, s16  }
0x8e: {  	[smem:$0x3FBF] =	sst s2  }
0x8f: {  	_ = 	snop  }
0x90: {  	(tm) =	ssettm $0x1  }
0x91: {  	s17 =	sld [smem:$0x3FFB];
	_ =	sdelay $0x3  }
0x92: {  	_ =	strace s17  }
0x93: {  	s2 =	sld [smem:$0x3FFC];
	_ =	sdelay $0x3  }
0x94: {  	_ =	strace s2  }
0x95: {  	s2 =	sld [smem:$0x3FFD];
	_ =	sdelay $0x3  }
0x96: {  	_ =	strace s2  }
0x97: {  	_ =	strace $0x8FFFFFFF  }
0x98: {  	s18 =	sld [smem:$0x3FDB];
	_ =	sdelay $0x1  }
0x99: {  	s19 =	simm.s32 $_scs_section_size  }
0x9a: {  	s4 =	simm.s32 $_size__tile_overlayer_lowered;
	s5 =	simm.s32 $_tile_overlayer_lowered  }
0x9b: {  	s22 =	simm.s32 $0x1BFF;
	s21 =	sshll.u32 s5, $0x1;
	s2 =	sadd.s32 s19, s18  }
0x9c: {  	s6 =	simm.s32 $0x0;
	s20 =	sshll.u32 s4, $0x1;
	s4 =	sadd.s32 s21, s2  }
0x9d: {  	[timem:s6], [sflag:s22] =	dma.local [hbm:s4], s20  }
0x9e: {  	_ =	swait.ge [sflag:s22], s20  }
0x9f: {  	s3 =	ssub.s32 $0x0, s20;
	[sflag:s22] =	ssyncset.done $0x0  }
0xa0: {  	[sflag:s22] =	ssyncadd.s32 s3;
	_ =	sdelay $0x1  }
0xa1: {  	s23 =	simm.s32 $0x1B8B  }
0xa2: {  	_ =	swait.ge [sflag:s23], $0x1  }
0xa3: {  	[sflag:s23] =	ssyncset.done $0x0  }
0xa4: {  	s25 =	simm.s32 $0x1B8E;
	s24 =	sld [smem:$0x3FFE];
	[sflag:s23] =	ssyncadd.s32 $0xFFFFFFFF  }
0xa5: {  	s26 =	simm.s32 $execute0_lowered;
	[smem:$0x3FD2] =	sst s25  }
0xa6: {  	s4 =	sshll.u32 s26, $0x1;
	_ =	strace $0x8000004C;
	[dreg:$0x1] =	wrdreg $0xFFFFFFFF  }
0xa7: {  	s28 =	simm.s32 $_size_execute0_lowered;
	s2 =	sadd.s32 s2, s4;
	[dreg:$0x0] =	wrdreg $0x0  }
0xa8: {  	s4 =	sshll.u32 s28, $0x1;
	[dreg:$0x2] =	wrdreg s2  }
0xa9: {  	[dreg:$0x3] =	wrdreg s4  }
0xaa: {  	[dreg:$0x4] =	wrdreg $0xC0  }
0xab: {  	_ =	task [dreg:s6], $0x5FFFF  }
0xac: {  	[dreg:$0x1] =	wrdreg $0xFFFFFFFF  }
0xad: {  	[dreg:$0x0] =	wrdreg $0x60  }
0xae: {  	[dreg:$0x2] =	wrdreg s24  }
0xaf: {  	[dreg:$0x3] =	wrdreg $0xA8000  }
0xb0: {  	[dreg:$0x4] =	wrdreg $0x9  }
0xb1: {  	_ =	task.clear_ibuf [dreg:s6], $0x5FFFF;
	_ =	strace $0x9000004C  }
0xb2: {  	s29 =	simm.s32 $0x9;
	_ =	strace $0x8000004E  }
0xb3: {  	_ =	swait.ge [sflag:s29], $0x1  }
0xb4: {  	[sflag:s29] =	ssyncadd.s32 $0xFFFFFFFF  }
0xb5: {  	_ =	strace $0x9000004E  }
0xb6: {  	_ =	sfence  }
0xb7: {  	s30 =	sld [smem:$0x0];
	_ =	sdelay $0x2  }
0xb8: {  	s31 =	sshll.u32 s1, $0xD;
	s1 =	sshrl.u32 s1, $0x2  }
0xb9: {  	s3 =	sand.u32 $0x4000, s31;
	s1 =	sadd.s32 s1, s30  }
0xba: {  	s0 =	sor.u32 s3, s0;
	s1 =	sshll.u32 s1, $0x11  }
0xbb: {  	s0 =	sor.u32 s1, s0  }
0xbc: {  	s0 =	sadd.s32 $0x8F2B, s0  }
0xbd: {  	[sflag:s0] =	ssyncadd.remote.s32 $0x1  }
0xbe: {  	_ =	sfence.sel $0xFFFF  }
0xbf: {  	[dreg:$0x0] =	wrdreg $0xFFFFFFFF;
	(pc) =	sbr.abs _section_cstart, $3  }
0xc0: {  	[dreg:$0x1] =	wrdreg $0xFFFFFFFF  }
0xc1: {  	_ =	task.clear_ibuf [dreg:s6], $0x2FFFF;
	_ =	strace $0x9FFFFFFF  }
0xc2: {  	(tm) =	ssettm $0x7FFFFFFF  }
0xc3: {  	_ =	shalt  }
tec
execute0_lowered:
.L_overlay_start_1:
0x0: {  	(tag) =	ssettag $0x1  }
0x1: {  	s6 =	rddreg [dreg:$0x0]  }
0x2: {  	s1 =	rddreg [dreg:$0x1]  }
0x3: {  	s0 =	rddreg [dreg:$0x2];
	s2 =	simm.s32 $0x0  }
0x4: {  	s3 =	srdreg.scid;
	s16 =	simm.s32 $0x80;
	s17 =	simm.s32 $0x2800  }
0x5: {  	s18 =	simm.s32 $0x6800;
	s20 =	simm.s32 $0x1;
	s21 =	simm.s32 $0x2  }
0x6: {  	s22 =	simm.s32 $0x2700;
	s23 =	simm.s32 $0x2780;
	s24 =	simm.s32 $0x0  }
0x7: {  	[smem:$0x7FF] =	sst s2;
	s8 =	sand.u32 $0x1, s3;
	s3 =	stileid.u32  }
0x8: {  	s4 =	sadd.s32 $0xF400, s6;
	s9 =	sadd.s32 $0x5DE00, s6;
	s10 =	sadd.s32 $0x2C00, s6  }
0x9: {  	s15 =	sadd.s32 $0x67E00, s6;
	s19 =	sadd.s32 $0x128400, s1;
	s14 =	smul.u32 $0x4F000, s3  }
0xa: {  	_ =	strace $0x8000004D;
	s5 =	sshll.u32 s8, $0x4;
	s28 =	smul.u32 $0x138800, s8  }
0xb: {  	s11 =	ssub.s32 $0x2, s8;
	s30 =	smul.u32 $0x13C00, s3;
	p0 =	seq.s32 s3, $0xF  }
0xc: {  	s7 =	sor.u32 s3, s5;
	s5 =	sadd.s32 $0xCC00, s6;
	s13 =	sshrl.u32 s11, $0x1  }
0xd: {  	s19 =	sshrl.u32 @p0 s19, $0x3;
	s12 =	smul.u32 $0x500, s7;
	s13 =	ssub.s32 s11, s13  }
0xe: {  	s26 =	smul.u32 $0x2800, s7;
	s29 =	sshrl.u32 s14, $0x2;
	s14 =	sadd.s32 s30, s28  }
0xf: {  	s8 =	sadd.s32 s29, s1;
	s31 =	sshrl.u32 s14, $0x3;
	s13 =	smax.u32 s13, $0x1  }
0x10: {  	s14 =	simm.s32 $0x3;
	s6 =	sadd.s32 s9, s12;
	s11 =	sshrl.u32 s26, $0x3  }
0x11: {  	s7 =	sadd.s32 s10, s12;
	s12 =	sshrl.u32 s28, $0x3;
	s11 =	sadd.s32 $0x280, s11  }
0x12: {  	s12 =	sadd.s32 s15, s12;
	s9 =	sadd.s32 s9, s11;
	s10 =	sadd.s32 s10, s11  }
0x13: {  	s11 =	sadd.s32 s15, s31;
	s12 =	sadd.s32 $0x25080, s12;
	s15 =	simm.s32 $0x1400  }
.LBB2_1:
0x14: {  	[tilespmem:s2], [sflag:$0x3] =	stream.linear.gather [hbm4b:s6+s2], $0x1400, $0x38;
	[tilespmem:$0x1E0C0] =	vst v63  }
0x15: {  	_ =	swait.ge [sflag:s14], $0x1400  }
0x16: {  	[sflag:s14] =	ssyncset.done $0x0  }
0x17: {  	[sflag:s14] =	ssyncadd.s32 $0xFFFFEC00  }
0x18: {  	[tilespmem:s15], [sflag:$0x3] =	stream.linear.gather [hbm4b:s7+s2], $0x1400, $0x38;
	[tilespmem:$0x1E0C0] =	vst v63  }
0x19: {  	_ =	swait.ge [sflag:s14], $0x1400  }
0x1a: {  	[sflag:s14] =	ssyncset.done $0x0  }
0x1b: {  	[sflag:s14] =	ssyncadd.s32 $0xFFFFEC00  }
0x1c: {  	[tilespmem:s17], [sflag:$0x1] =	stream.indirect.gather [hbm4b:s4+s16], $0x80, s2, s16, $0xb8;
	[tilespmem:$0x1E0C0] =	vst v63  }
0x1d: {  	s25 =	simm.s32 @p0 $0x1FC3  }
0x1e: {  	[tilespmem:s18], [sflag:$0x2] =	stream.indirect.gather [hbm4b:s4+s16], $0x80, s16, s16, $0xb8;
	[tilespmem:$0x1E0C0] =	vst v63  }
0x1f: {  	[spmem:s19], [sflag:s25] =	dma.local @p0 [hbm:s5], $0x2080  }
0x20: {  	s25 =	simm.s32 @p0 $0x3  }
0x21: {  	_ =	swait.ge @p0 [sflag:s25], $0x2080  }
0x22: {  	s26 =	sshll.u32 @!p0 s3, $0x6;
	s28 =	simm.s32 @!p0 $0x3;
	[sflag:s25] =	ssyncset.done @p0 $0x0  }
0x23: {  	[sflag:s25] =	ssyncadd.s32 @p0 $0xFFFFDF80;
	s25 =	sor.u32 @!p0 $0x1C03, s26;
	s26 =	sshrl.u32 @!p0 s8, $0x3  }
0x24: {  	[spmem:s26], [sflag:s25] =	dma.local @!p0 [hbm:s5], $0x2780  }
0x25: {  	_ =	swait.ge @!p0 [sflag:s28], $0x2780  }
0x26: {  	[sflag:s28] =	ssyncset.done @!p0 $0x0  }
0x27: {  	[sflag:s28] =	ssyncadd.s32 @!p0 $0xFFFFD880  }
0x28: {  	[bflag:$0x0] =	sbarrier.arrive $0xFFFF  }
0x29: {  	_ =	swait.ge [sflag:s20], $0x4000  }
0x2a: {  	[sflag:s20] =	ssyncset.done $0x0  }
0x2b: {  	s28 =	simm.s32 $0x1400;
	[sflag:s20] =	ssyncadd.s32 $0xFFFFC000  }
0x2c: {  	[spmem:s1] =	stream.indirect.scatter.add.f32 [tilespmem:s17], [sflag:$0x3], $0x80, s28, s16, $0xb8;
	[tilespmem:$0x1E0C0] =	vst v63  }
0x2d: {  	_ =	swait.ge [sflag:s14], $0x4000  }
0x2e: {  	[sflag:s14] =	ssyncset.done $0x0  }
0x2f: {  	s28 =	simm.s32 $0x100;
	[sflag:s14] =	ssyncadd.s32 $0xFFFFC000  }
0x30: {  	[tilespmem:s17], [sflag:$0x1] =	stream.indirect.gather [hbm4b:s4+s16], $0x80, s28, s16, $0xb8;
	[tilespmem:$0x1E0C0] =	vst v63  }
0x31: {  	_ =	swait.ge [sflag:s21], $0x4000  }
0x32: {  	[sflag:s21] =	ssyncset.done $0x0  }
0x33: {  	s28 =	simm.s32 $0x1480;
	[sflag:s21] =	ssyncadd.s32 $0xFFFFC000  }
0x34: {  	[spmem:s1] =	stream.indirect.scatter.add.f32 [tilespmem:s18], [sflag:$0x3], $0x80, s28, s16, $0xb8;
	[tilespmem:$0x1E0C0] =	vst v63  }
0x35: {  	_ =	swait.ge [sflag:s14], $0x4000  }
0x36: {  	[sflag:s14] =	ssyncset.done $0x0  }
0x37: {  	s29 =	simm.s32 $0x180;
	s28 =	simm.s32 $0x400;
	[sflag:s14] =	ssyncadd.s32 $0xFFFFC000  }
.LBB2_2:
0x38: {  	[tilespmem:s18], [sflag:$0x2] =	stream.indirect.gather [hbm4b:s4+s16], $0x80, s29, s16, $0xb8;
	[tilespmem:$0x1E0C0] =	vst v63  }
0x39: {  	s29 =	smov.u32 s28  }
0x3a: {  	p1 =	sne.s32 s28, $0x4800;
	s28 =	sadd.s32 $0x400, s28;
	_ =	swait.ge [sflag:s20], $0x4000  }
0x3b: {  	s29 =	sshra.s32 s29, $0x2;
	[sflag:s20] =	ssyncset.done $0x0  }
0x3c: {  	s30 =	sadd.s32 $0x1400, s29;
	[sflag:s20] =	ssyncadd.s32 $0xFFFFC000  }
0x3d: {  	[spmem:s1] =	stream.indirect.scatter.add.f32 [tilespmem:s17], [sflag:$0x3], $0x80, s30, s16, $0xb8;
	[tilespmem:$0x1E0C0] =	vst v63  }
0x3e: {  	_ =	swait.ge [sflag:s14], $0x4000  }
0x3f: {  	[sflag:s14] =	ssyncset.done $0x0  }
0x40: {  	s30 =	sadd.s32 $0x100, s29;
	[sflag:s14] =	ssyncadd.s32 $0xFFFFC000  }
0x41: {  	[tilespmem:s17], [sflag:$0x1] =	stream.indirect.gather [hbm4b:s4+s16], $0x80, s30, s16, $0xb8;
	[tilespmem:$0x1E0C0] =	vst v63  }
0x42: {  	_ =	swait.ge [sflag:s21], $0x4000  }
0x43: {  	[sflag:s21] =	ssyncset.done $0x0  }
.Ltmp0:
0x44: {  	s30 =	sadd.s32 $0x1480, s29;
	[sflag:s21] =	ssyncadd.s32 $0xFFFFC000;
	(pc) =	sbr.rel @p1 .LBB2_2-.Ltmp0, $4  }
0x45: {  	[spmem:s1] =	stream.indirect.scatter.add.f32 [tilespmem:s18], [sflag:$0x3], $0x80, s30, s16, $0xb8;
	[tilespmem:$0x1E0C0] =	vst v63  }
0x46: {  	_ =	swait.ge [sflag:s14], $0x4000  }
0x47: {  	[sflag:s14] =	ssyncset.done $0x0  }
0x48: {  	s29 =	sadd.s32 $0x180, s29;
	[sflag:s14] =	ssyncadd.s32 $0xFFFFC000  }
0x49: {  	[tilespmem:s18], [sflag:$0x2] =	stream.indirect.gather [hbm4b:s4+s16], $0x80, s29, s16, $0xb8;
	[tilespmem:$0x1E0C0] =	vst v63  }
0x4a: {  	_ =	swait.ge [sflag:s20], $0x4000  }
0x4b: {  	[sflag:s20] =	ssyncset.done $0x0  }
0x4c: {  	[sflag:s20] =	ssyncadd.s32 $0xFFFFC000  }
0x4d: {  	[spmem:s1] =	stream.indirect.scatter.add.f32 [tilespmem:s17], [sflag:$0x3], $0x80, s22, s16, $0xb8;
	[tilespmem:$0x1E0C0] =	vst v63  }
0x4e: {  	_ =	swait.ge [sflag:s14], $0x4000  }
0x4f: {  	[sflag:s14] =	ssyncset.done $0x0  }
0x50: {  	[sflag:s14] =	ssyncadd.s32 $0xFFFFC000  }
0x51: {  	_ =	swait.ge [sflag:s21], $0x4000  }
0x52: {  	[sflag:s21] =	ssyncset.done $0x0  }
0x53: {  	[sflag:s21] =	ssyncadd.s32 $0xFFFFC000  }
0x54: {  	[spmem:s1] =	stream.indirect.scatter.add.f32 [tilespmem:s18], [sflag:$0x3], $0x80, s23, s16, $0xb8;
	[tilespmem:$0x1E0C0] =	vst v63  }
0x55: {  	_ =	swait.ge [sflag:s14], $0x4000  }
0x56: {  	[sflag:s14] =	ssyncset.done $0x0  }
0x57: {  	s28 =	simm.s32 $0x0;
	[sflag:s14] =	ssyncadd.s32 $0xFFFFC000  }
0x58: {  	[tilespmem:s28], [sflag:$0x3] =	stream.linear.gather [hbm4b:s9+s28], $0x1400, $0x38;
	[tilespmem:$0x1E0C0] =	vst v63  }
0x59: {  	_ =	swait.ge [sflag:s14], $0x1400  }
0x5a: {  	[sflag:s14] =	ssyncset.done $0x0  }
0x5b: {  	[sflag:s14] =	ssyncadd.s32 $0xFFFFEC00  }
0x5c: {  	[tilespmem:s15], [sflag:$0x3] =	stream.linear.gather [hbm4b:s10+s28], $0x1400, $0x38;
	[tilespmem:$0x1E0C0] =	vst v63  }
0x5d: {  	_ =	swait.ge [sflag:s14], $0x1400  }
0x5e: {  	[sflag:s14] =	ssyncset.done $0x0  }
0x5f: {  	[sflag:s14] =	ssyncadd.s32 $0xFFFFEC00  }
0x60: {  	[tilespmem:s17], [sflag:$0x1] =	stream.indirect.gather [hbm4b:s4+s16], $0x80, s28, s16, $0xb8;
	[tilespmem:$0x1E0C0] =	vst v63  }
0x61: {  	_ = 	snop  }
0x62: {  	[tilespmem:s18], [sflag:$0x2] =	stream.indirect.gather [hbm4b:s4+s16], $0x80, s16, s16, $0xb8;
	[tilespmem:$0x1E0C0] =	vst v63  }
0x63: {  	_ =	swait.ge [sflag:s20], $0x4000  }
0x64: {  	[sflag:s20] =	ssyncset.done $0x0  }
0x65: {  	s28 =	simm.s32 $0x1400;
	[sflag:s20] =	ssyncadd.s32 $0xFFFFC000  }
0x66: {  	[spmem:s1] =	stream.indirect.scatter.add.f32 [tilespmem:s17], [sflag:$0x3], $0x80, s28, s16, $0xb8;
	[tilespmem:$0x1E0C0] =	vst v63  }
0x67: {  	_ =	swait.ge [sflag:s14], $0x4000  }
0x68: {  	[sflag:s14] =	ssyncset.done $0x0  }
0x69: {  	s28 =	simm.s32 $0x100;
	[sflag:s14] =	ssyncadd.s32 $0xFFFFC000  }
0x6a: {  	[tilespmem:s17], [sflag:$0x1] =	stream.indirect.gather [hbm4b:s4+s16], $0x80, s28, s16, $0xb8;
	[tilespmem:$0x1E0C0] =	vst v63  }
0x6b: {  	_ =	swait.ge [sflag:s21], $0x4000  }
0x6c: {  	[sflag:s21] =	ssyncset.done $0x0  }
0x6d: {  	s28 =	simm.s32 $0x1480;
	[sflag:s21] =	ssyncadd.s32 $0xFFFFC000  }
0x6e: {  	[spmem:s1] =	stream.indirect.scatter.add.f32 [tilespmem:s18], [sflag:$0x3], $0x80, s28, s16, $0xb8;
	[tilespmem:$0x1E0C0] =	vst v63  }
0x6f: {  	_ =	swait.ge [sflag:s14], $0x4000  }
0x70: {  	[sflag:s14] =	ssyncset.done $0x0  }
0x71: {  	s29 =	simm.s32 $0x180;
	s28 =	simm.s32 $0x400;
	[sflag:s14] =	ssyncadd.s32 $0xFFFFC000  }
.LBB2_4:
0x72: {  	[tilespmem:s18], [sflag:$0x2] =	stream.indirect.gather [hbm4b:s4+s16], $0x80, s29, s16, $0xb8;
	[tilespmem:$0x1E0C0] =	vst v63  }
0x73: {  	s29 =	smov.u32 s28  }
0x74: {  	p1 =	sne.s32 s28, $0x4800;
	s28 =	sadd.s32 $0x400, s28;
	_ =	swait.ge [sflag:s20], $0x4000  }
0x75: {  	s29 =	sshra.s32 s29, $0x2;
	[sflag:s20] =	ssyncset.done $0x0  }
0x76: {  	s30 =	sadd.s32 $0x1400, s29;
	[sflag:s20] =	ssyncadd.s32 $0xFFFFC000  }
0x77: {  	[spmem:s1] =	stream.indirect.scatter.add.f32 [tilespmem:s17], [sflag:$0x3], $0x80, s30, s16, $0xb8;
	[tilespmem:$0x1E0C0] =	vst v63  }
0x78: {  	_ =	swait.ge [sflag:s14], $0x4000  }
0x79: {  	[sflag:s14] =	ssyncset.done $0x0  }
0x7a: {  	s30 =	sadd.s32 $0x100, s29;
	[sflag:s14] =	ssyncadd.s32 $0xFFFFC000  }
0x7b: {  	[tilespmem:s17], [sflag:$0x1] =	stream.indirect.gather [hbm4b:s4+s16], $0x80, s30, s16, $0xb8;
	[tilespmem:$0x1E0C0] =	vst v63  }
0x7c: {  	_ =	swait.ge [sflag:s21], $0x4000  }
0x7d: {  	[sflag:s21] =	ssyncset.done $0x0  }
.Ltmp1:
0x7e: {  	s30 =	sadd.s32 $0x1480, s29;
	[sflag:s21] =	ssyncadd.s32 $0xFFFFC000;
	(pc) =	sbr.rel @p1 .LBB2_4-.Ltmp1, $4  }
0x7f: {  	[spmem:s1] =	stream.indirect.scatter.add.f32 [tilespmem:s18], [sflag:$0x3], $0x80, s30, s16, $0xb8;
	[tilespmem:$0x1E0C0] =	vst v63  }
0x80: {  	_ =	swait.ge [sflag:s14], $0x4000  }
0x81: {  	[sflag:s14] =	ssyncset.done $0x0  }
0x82: {  	s29 =	sadd.s32 $0x180, s29;
	[sflag:s14] =	ssyncadd.s32 $0xFFFFC000  }
0x83: {  	[tilespmem:s18], [sflag:$0x2] =	stream.indirect.gather [hbm4b:s4+s16], $0x80, s29, s16, $0xb8;
	[tilespmem:$0x1E0C0] =	vst v63  }
0x84: {  	_ =	swait.ge [sflag:s20], $0x4000  }
0x85: {  	[sflag:s20] =	ssyncset.done $0x0  }
0x86: {  	[sflag:s20] =	ssyncadd.s32 $0xFFFFC000  }
0x87: {  	[spmem:s1] =	stream.indirect.scatter.add.f32 [tilespmem:s17], [sflag:$0x3], $0x80, s22, s16, $0xb8;
	[tilespmem:$0x1E0C0] =	vst v63  }
0x88: {  	_ =	swait.ge [sflag:s14], $0x4000  }
0x89: {  	[sflag:s14] =	ssyncset.done $0x0  }
0x8a: {  	[sflag:s14] =	ssyncadd.s32 $0xFFFFC000  }
0x8b: {  	_ =	swait.ge [sflag:s21], $0x4000  }
0x8c: {  	[sflag:s21] =	ssyncset.done $0x0  }
0x8d: {  	[sflag:s21] =	ssyncadd.s32 $0xFFFFC000  }
0x8e: {  	[spmem:s1] =	stream.indirect.scatter.add.f32 [tilespmem:s18], [sflag:$0x3], $0x80, s23, s16, $0xb8;
	[tilespmem:$0x1E0C0] =	vst v63  }
0x8f: {  	_ =	swait.ge [sflag:s14], $0x4000  }
0x90: {  	[sflag:s14] =	ssyncset.done $0x0  }
0x91: {  	[sflag:s14] =	ssyncadd.s32 $0xFFFFC000  }
0x92: {  	s28 =	simm.s32 @p0 $0x1FC3;
	[bflag:$0x0] =	sbarrier.arrive $0xFFFF  }
0x93: {  	[hbm:s12], [sflag:s28] =	dma.local @p0 [spmem:s19], $0x2080  }
0x94: {  	s28 =	simm.s32 @p0 $0x3  }
0x95: {  	_ =	swait.ge @p0 [sflag:s28], $0x2080  }
0x96: {  	s24 =	sadd.s32 $0x1, s24;
	[sflag:s28] =	ssyncset.done @p0 $0x0  }
0x97: {  	p1 =	sne.s32 s24, s13;
	[sflag:s28] =	ssyncadd.s32 @p0 $0xFFFFDF80  }
0x98: {  	[hbm:s11], [sflag:s25] =	dma.local @!p0 [spmem:s26], $0x2780  }
.Ltmp2:
0x99: {  	_ = 	snop;
	(pc) =	sbr.rel @p1 .LBB2_1-.Ltmp2, $4  }
0x9a: {  	s25 =	simm.s32 @!p0 $0x3  }
0x9b: {  	_ =	swait.ge @!p0 [sflag:s25], $0x2780  }
0x9c: {  	[sflag:s25] =	ssyncset.done @!p0 $0x0  }
0x9d: {  	[sflag:s25] =	ssyncadd.s32 @!p0 $0xFFFFD880  }
0x9e: {  	_ =	sfence.sel $0x180000  }
0x9f: {  	[bflag:$0x0] =	sbarrier.arrive $0xFFFF  }
0xa0: {  	p0 =	sne.s32 s3, $0x0;
	_ =	strace $0x9000004D  }
0xa1: {  	s0 =	sadd.s32 @!p0 $0x100000, s0;
	[bflag:$0x2] =	sbarrier.arrive $0xFFFF  }
0xa2: {  	[sflag:s0] =	ssyncadd.tile.s32 @!p0 $0x1;
	_ =	shalt  }
.Lfunc_end2:
_tile_overlayer_lowered:
.L_overlay_start_2:
0xa3: {  	(tag) =	ssettag $0x2  }
0xa4: {  	s0 =	rddreg [dreg:$0x0];
	s2 =	stileid.u32  }
0xa5: {  	s1 =	rddreg [dreg:$0x1];
	p0 =	sne.s32 s2, $0x0  }
0xa6: {  	s3 =	rddreg [dreg:$0x2];
	[bflag:$0x3] =	sbarrier.arrive $0xFFFF;
	s2 =	simm.s32 @!p0 $0x1C03  }
0xa7: {  	[timem:s3], [sflag:s2] =	dma.local @!p0 [hbm:s0], s1  }
0xa8: {  	s0 =	simm.s32 @!p0 $0x3  }
0xa9: {  	_ =	swait.ge @!p0 [sflag:s0], s1  }
0xaa: {  	s1 =	ssub.s32 @!p0 $0x0, s1;
	[sflag:s0] =	ssyncset.done @!p0 $0x0  }
0xab: {  	[sflag:s0] =	ssyncadd.s32 @!p0 s1  }
0xac: {  	[bflag:$0x3] =	sbarrier.arrive $0xFFFF  }
0xad: {  	_ =	shalt  }

// kernel: kernel.9.cloned.1.call-start
scs
__scs_entry_jumppad:
0x0: {  	(pc) =	sbr.rel $0x88, $3  }
0x1: {  	(tag) =	ssettag $0x0;
	lr =	simm.s32 $0x1  }
0x2: {  	[smem:$0x3F98] =	sst lr;
	_ =	strace $0xD0000000  }
0x3: {  	_ = 	snop  }
0x4: {  	_ = 	snop  }
0x5: {  	_ = 	snop  }
0x6: {  	_ = 	snop  }
0x7: {  	_ = 	snop  }
__scs_overlays_trampoline_lowered:
0x8: {  	[smem:$0x3FA7] =	sst s0  }
0x9: {  	[smem:$0x3FA8] =	sst s1  }
0xa: {  	[smem:$0x3FA9] =	sst s2  }
0xb: {  	[smem:$0x3FAA] =	sst s3  }
0xc: {  	[smem:$0x3FAB] =	sst s4  }
0xd: {  	[smem:$0x3FAC] =	sst s5  }
0xe: {  	[smem:$0x3FAD] =	sst s6  }
0xf: {  	[smem:$0x3FAE] =	sst s7  }
0x10: {  	[smem:$0x3FAF] =	sst s8  }
0x11: {  	[smem:$0x3FB0] =	sst s9;
	s0 =	simm.s32 @!p0 $0x0  }
0x12: {  	s1 =	sld [smem:$0x3F96];
	s0 =	simm.s32 @p0 $0x1  }
0x13: {  	[smem:$0x3FB1] =	sst s0;
	s0 =	simm.s32 @!p1 $0x0  }
0x14: {  	s2 =	sld [smem:$0x3F95];
	s0 =	simm.s32 @p1 $0x1  }
0x15: {  	[smem:$0x3FB2] =	sst s0;
	s0 =	simm.s32 @!p2 $0x0  }
0x16: {  	s3 =	sld [smem:$0x3FDB];
	s0 =	simm.s32 @p2 $0x1  }
0x17: {  	s4 =	simm.s32 $0x1BF5;
	[smem:$0x3FB4] =	sst s0  }
0x18: {  	s0 =	sld [smem:$0x3F97];
	_ =	swait.ge [sflag:s4], $0x0  }
0x19: {  	s7 =	sld [smem:$0x3F98]  }
0x1a: {  	s8 =	sadd.s32 $0xFFFFE003, lr  }
0x1b: {  	s9 =	sadd.s32 $0xFFFFFEF7, lr;
	s5 =	simm.s32 $0xFFFFFFFF;
	p2 =	slt.u32 s8, $0xFFFFF086  }
0x1c: {  	p1 =	slt.u32 s9, $0xF7A;
	s5 =	simm.s32 @!p2 $0x0  }
0x1d: {  	s5 =	simm.s32 @p1 $0x1;
	p0 =	seq.s32 s7, s2  }
0x1e: {  	s7 =	smul.u32 @!p0 $0xF7A, s2;
	p2 =	seq.s32 @!p0 s5, $0x0  }
0x1f: {  	s9 =	smul.u32 $0xF7A, s1;
	s8 =	simm.s32 @!p0 $0x1BF5;
	p2 =	por !p2, p0  }
0x20: {  	[sflag:s8] =	ssyncset.s32 @!p0 $0xFFFFF086;
	s6 =	sadd.s32 @!p0 s3, s7;
	s7 =	simm.s32 @!p0 $0x108  }
0x21: {  	s3 =	sadd.s32 s3, s9;
	s6 =	sadd.s32 @!p0 $0x88, s6;
	s7 =	simm.s32 @p2 $0x1082  }
0x22: {  	[simem:s7], [sflag:s8] =	dma.local @!p0 [hbm:s6], $0xF7A  }
0x23: {  	s9 =	sor.u32 $0xD0000000, s2;
	s6 =	simm.s32 $0x108;
	_ =	swait.ge @!p0 [sflag:s8], $0x0  }
0x24: {  	s3 =	sadd.s32 $0x88, s3;
	s6 =	simm.s32 @!p1 $0x1082;
	[sflag:s4] =	ssyncset.s32 $0xFFFFF086  }
0x25: {  	[simem:s6], [sflag:s4] =	dma.local [hbm:s3], $0xF7A  }
0x26: {  	[smem:$0x3F98] =	sst s1;
	(tag) =	ssettag s2;
	_ =	strace s9  }
0x27: {  	s1 =	sld [smem:$0x3FA8]  }
0x28: {  	s2 =	sld [smem:$0x3FA9]  }
0x29: {  	s4 =	sld [smem:$0x3FAB]  }
0x2a: {  	p0 =	seq.s32 s5, $0x0;
	s5 =	sld [smem:$0x3FAC]  }
0x2b: {  	s6 =	sld [smem:$0x3FAD]  }
0x2c: {  	s7 =	sld [smem:$0x3FAE]  }
0x2d: {  	s3 =	simm.s32 $0x108;
	s8 =	sld [smem:$0x3FAF]  }
0x2e: {  	s3 =	simm.s32 @!p0 $0x1082;
	s9 =	sld [smem:$0x3FB0]  }
0x2f: {  	lr =	sadd.s32 s0, s3;
	s0 =	sld [smem:$0x3FA7]  }
0x30: {  	s3 =	sld [smem:$0x3FAA]  }
0x31: {  	[smem:$0x3FB3] =	sst s10  }
0x32: {  	s10 =	sld [smem:$0x3FB1];
	_ =	sdelay $0x3  }
0x33: {  	p0 =	seq.s32 s10, $0x1;
	s10 =	sld [smem:$0x3FB3];
	_ =	sdelay $0x3  }
0x34: {  	[smem:$0x3FB3] =	sst s10  }
0x35: {  	s10 =	sld [smem:$0x3FB2];
	_ =	sdelay $0x3  }
0x36: {  	p1 =	seq.s32 s10, $0x1;
	s10 =	sld [smem:$0x3FB3];
	_ =	sdelay $0x3  }
0x37: {  	[smem:$0x3FB3] =	sst s10  }
0x38: {  	s10 =	sld [smem:$0x3FB4]  }
0x39: {  	_ = 	snop;
	(pc) =	sbr.ind lr, $3  }
0x3a: {  	_ = 	snop  }
0x3b: {  	_ = 	snop  }
0x3c: {  	p2 =	seq.s32 s10, $0x1;
	s10 =	sld [smem:$0x3FB3]  }
0x3d: {  	_ =	shalt  }
0x3e: {  	_ =	shalt  }
0x3f: {  	_ =	shalt  }
0x40: {  	_ =	shalt  }
0x41: {  	_ =	shalt  }
0x42: {  	_ =	shalt  }
0x43: {  	_ =	shalt  }
0x44: {  	_ =	shalt  }
0x45: {  	_ =	shalt  }
0x46: {  	_ =	shalt  }
0x47: {  	_ =	shalt  }
0x48: {  	_ =	shalt  }
0x49: {  	_ =	shalt  }
0x4a: {  	_ =	shalt  }
0x4b: {  	_ =	shalt  }
0x4c: {  	_ =	shalt  }
0x4d: {  	_ =	shalt  }
0x4e: {  	_ =	shalt  }
0x4f: {  	_ =	shalt  }
0x50: {  	_ =	shalt  }
0x51: {  	_ =	shalt  }
0x52: {  	_ =	shalt  }
0x53: {  	_ =	shalt  }
0x54: {  	_ =	shalt  }
0x55: {  	_ =	shalt  }
0x56: {  	_ =	shalt  }
0x57: {  	_ =	shalt  }
0x58: {  	_ =	shalt  }
0x59: {  	_ =	shalt  }
0x5a: {  	_ =	shalt  }
0x5b: {  	_ =	shalt  }
0x5c: {  	_ =	shalt  }
0x5d: {  	_ =	shalt  }
0x5e: {  	_ =	shalt  }
0x5f: {  	_ =	shalt  }
0x60: {  	_ =	shalt  }
0x61: {  	_ =	shalt  }
0x62: {  	_ =	shalt  }
0x63: {  	_ =	shalt  }
0x64: {  	_ =	shalt  }
0x65: {  	_ =	shalt  }
0x66: {  	_ =	shalt  }
0x67: {  	_ =	shalt  }
0x68: {  	_ =	shalt  }
0x69: {  	_ =	shalt  }
0x6a: {  	_ =	shalt  }
0x6b: {  	_ =	shalt  }
0x6c: {  	_ =	shalt  }
0x6d: {  	_ =	shalt  }
0x6e: {  	_ =	shalt  }
0x6f: {  	_ =	shalt  }
0x70: {  	_ =	shalt  }
0x71: {  	_ =	shalt  }
0x72: {  	_ =	shalt  }
0x73: {  	_ =	shalt  }
0x74: {  	_ =	shalt  }
0x75: {  	_ =	shalt  }
0x76: {  	_ =	shalt  }
0x77: {  	_ =	shalt  }
0x78: {  	_ =	shalt  }
0x79: {  	_ =	shalt  }
0x7a: {  	_ =	shalt  }
0x7b: {  	_ =	shalt  }
0x7c: {  	_ =	shalt  }
0x7d: {  	_ =	shalt  }
0x7e: {  	_ =	shalt  }
0x7f: {  	_ =	shalt  }
0x80: {  	_ =	shalt  }
0x81: {  	_ =	shalt  }
0x82: {  	_ =	shalt  }
0x83: {  	_ =	shalt  }
0x84: {  	_ =	shalt  }
0x85: {  	_ =	shalt  }
0x86: {  	_ =	shalt  }
0x87: {  	_ =	shalt  }
.Lfunc_end0:
.L_simem_size_0:
called_computation_lowered:
.L_overlay_start_0:
0x88: {  	s2 =	sld [smem:$0x3FD9]  }
0x89: {  	s3 =	sld [smem:$0x3FFE];
	_ =	sdelay $0x1  }
0x8a: {  	s1 =	srdreg.scid  }
0x8b: {  	s0 =	sand.u32 $0x1, s1  }
0x8c: {  	s16 =	sshll.u32 s0, $0xA;
	s2 =	sadd.s32 s3, s2  }
0x8d: {  	s2 =	sadd.s32 s2, s16  }
0x8e: {  	[smem:$0x3FBF] =	sst s2  }
0x8f: {  	_ = 	snop  }
0x90: {  	(tm) =	ssettm $0x1  }
0x91: {  	s17 =	sld [smem:$0x3FFB];
	_ =	sdelay $0x3  }
0x92: {  	_ =	strace s17  }
0x93: {  	s2 =	sld [smem:$0x3FFC];
	_ =	sdelay $0x3  }
0x94: {  	_ =	strace s2  }
0x95: {  	s2 =	sld [smem:$0x3FFD];
	_ =	sdelay $0x3  }
0x96: {  	_ =	strace s2  }
0x97: {  	_ =	strace $0x8FFFFFFF  }
0x98: {  	s18 =	sld [smem:$0x3FDB];
	_ =	sdelay $0x1  }
0x99: {  	s19 =	simm.s32 $_scs_section_size  }
0x9a: {  	s4 =	simm.s32 $_size__tile_overlayer_lowered;
	s5 =	simm.s32 $_tile_overlayer_lowered  }
0x9b: {  	s22 =	simm.s32 $0x1BFF;
	s21 =	sshll.u32 s5, $0x1;
	s2 =	sadd.s32 s19, s18  }
0x9c: {  	s6 =	simm.s32 $0x0;
	s20 =	sshll.u32 s4, $0x1;
	s4 =	sadd.s32 s21, s2  }
0x9d: {  	[timem:s6], [sflag:s22] =	dma.local [hbm:s4], s20  }
0x9e: {  	_ =	swait.ge [sflag:s22], s20  }
0x9f: {  	s3 =	ssub.s32 $0x0, s20;
	[sflag:s22] =	ssyncset.done $0x0  }
0xa0: {  	[sflag:s22] =	ssyncadd.s32 s3;
	_ =	sdelay $0x1  }
0xa1: {  	s23 =	simm.s32 $0x1B8B  }
0xa2: {  	_ =	swait.ge [sflag:s23], $0x1  }
0xa3: {  	[sflag:s23] =	ssyncset.done $0x0  }
0xa4: {  	s25 =	simm.s32 $0x1B8E;
	s24 =	sld [smem:$0x3FFE];
	[sflag:s23] =	ssyncadd.s32 $0xFFFFFFFF  }
0xa5: {  	s26 =	simm.s32 $execute0_lowered;
	[smem:$0x3FD2] =	sst s25  }
0xa6: {  	s4 =	sshll.u32 s26, $0x1;
	_ =	strace $0x80000046;
	[dreg:$0x1] =	wrdreg $0xFFFFFFFF  }
0xa7: {  	s28 =	simm.s32 $_size_execute0_lowered;
	s2 =	sadd.s32 s2, s4;
	[dreg:$0x0] =	wrdreg $0x0  }
0xa8: {  	s4 =	sshll.u32 s28, $0x1;
	[dreg:$0x2] =	wrdreg s2  }
0xa9: {  	[dreg:$0x3] =	wrdreg s4  }
0xaa: {  	[dreg:$0x4] =	wrdreg $0xC0  }
0xab: {  	_ =	task [dreg:s6], $0x5FFFF  }
0xac: {  	[dreg:$0x1] =	wrdreg $0xFFFFFFFF  }
0xad: {  	[dreg:$0x0] =	wrdreg $0x60  }
0xae: {  	[dreg:$0x2] =	wrdreg s24  }
0xaf: {  	[dreg:$0x3] =	wrdreg $0x68000  }
0xb0: {  	[dreg:$0x4] =	wrdreg $0x9  }
0xb1: {  	_ =	task.clear_ibuf [dreg:s6], $0x5FFFF;
	_ =	strace $0x90000046  }
0xb2: {  	s29 =	simm.s32 $0x9;
	_ =	strace $0x80000048  }
0xb3: {  	_ =	swait.ge [sflag:s29], $0x1  }
0xb4: {  	[sflag:s29] =	ssyncadd.s32 $0xFFFFFFFF  }
0xb5: {  	_ =	strace $0x90000048  }
0xb6: {  	_ =	sfence  }
0xb7: {  	s30 =	sld [smem:$0x0];
	_ =	sdelay $0x2  }
0xb8: {  	s31 =	sshll.u32 s1, $0xD;
	s1 =	sshrl.u32 s1, $0x2  }
0xb9: {  	s3 =	sand.u32 $0x4000, s31;
	s1 =	sadd.s32 s1, s30  }
0xba: {  	s0 =	sor.u32 s3, s0;
	s1 =	sshll.u32 s1, $0x11  }
0xbb: {  	s0 =	sor.u32 s1, s0  }
0xbc: {  	s0 =	sadd.s32 $0x8F2B, s0  }
0xbd: {  	[sflag:s0] =	ssyncadd.remote.s32 $0x1  }
0xbe: {  	_ =	sfence.sel $0xFFFF  }
0xbf: {  	[dreg:$0x0] =	wrdreg $0xFFFFFFFF;
	(pc) =	sbr.abs _section_cstart, $3  }
0xc0: {  	[dreg:$0x1] =	wrdreg $0xFFFFFFFF  }
0xc1: {  	_ =	task.clear_ibuf [dreg:s6], $0x2FFFF;
	_ =	strace $0x9FFFFFFF  }
0xc2: {  	(tm) =	ssettm $0x7FFFFFFF  }
0xc3: {  	_ =	shalt  }
tec
execute0_lowered:
.L_overlay_start_1:
0x0: {  	(tag) =	ssettag $0x1  }
0x1: {  	s0 =	srdreg.scid;
	s6 =	rddreg [dreg:$0x0]  }
0x2: {  	s2 =	rddreg [dreg:$0x1];
	s3 =	simm.s32 $0x0;
	s15 =	simm.s32 $0x80  }
0x3: {  	s16 =	simm.s32 $0x1;
	s17 =	simm.s32 $0x2;
	s18 =	simm.s32 $0x0  }
0x4: {  	s5 =	sand.u32 $0x1, s0;
	s0 =	stileid.u32;
	[smem:$0x7FF] =	sst s3  }
0x5: {  	s13 =	sadd.s32 $0xFC00, s6;
	s1 =	sshll.u32 s5, $0x4;
	s8 =	smul.u32 $0x4F000, s0  }
0x6: {  	s9 =	ssub.s32 $0x2, s5;
	s10 =	smul.u32 $0x138800, s5;
	s5 =	sadd.s32 $0xCC00, s6  }
0x7: {  	s12 =	smul.u32 $0x13C00, s0;
	p0 =	seq.s32 s0, $0xF;
	s4 =	sor.u32 s0, s1  }
0x8: {  	s1 =	rddreg [dreg:$0x2];
	_ =	strace $0x80000047;
	s11 =	sshrl.u32 s9, $0x1  }
0x9: {  	s4 =	smul.u32 $0x500, s4;
	s9 =	ssub.s32 s9, s11;
	s28 =	sshrl.u32 s8, $0x2  }
0xa: {  	s11 =	sadd.s32 $0x128400, s2;
	s29 =	sadd.s32 s12, s10;
	s31 =	sshrl.u32 s10, $0x3  }
0xb: {  	s12 =	sshll.u32 @!p0 s0, $0x6;
	s14 =	sadd.s32 s28, s2;
	s30 =	sshrl.u32 s29, $0x3  }
0xc: {  	s8 =	sadd.s32 s13, s31;
	s9 =	smax.u32 s9, $0x1;
	s10 =	sshrl.u32 @p0 s11, $0x3  }
0xd: {  	s11 =	sor.u32 @!p0 $0x1C03, s12;
	s7 =	sadd.s32 s4, s6;
	s4 =	sadd.s32 $0xF400, s6  }
0xe: {  	s8 =	sadd.s32 $0x25080, s8;
	s12 =	sshrl.u32 @!p0 s14, $0x3;
	s14 =	simm.s32 $0x3  }
0xf: {  	s6 =	sadd.s32 $0x2C00, s7;
	s7 =	sadd.s32 s13, s30;
	s13 =	simm.s32 $0x2800  }
.LBB2_1:
0x10: {  	s19 =	simm.s32 @p0 $0x1FC3  }
0x11: {  	[spmem:s10], [sflag:s19] =	dma.local @p0 [hbm:s5], $0x2080  }
0x12: {  	s19 =	simm.s32 @p0 $0x3  }
0x13: {  	_ =	swait.ge @p0 [sflag:s19], $0x2080  }
0x14: {  	[sflag:s19] =	ssyncset.done @p0 $0x0  }
0x15: {  	[sflag:s19] =	ssyncadd.s32 @p0 $0xFFFFDF80;
	s19 =	simm.s32 @!p0 $0x3  }
0x16: {  	[spmem:s12], [sflag:s11] =	dma.local @!p0 [hbm:s5], $0x2780  }
0x17: {  	_ =	swait.ge @!p0 [sflag:s19], $0x2780  }
0x18: {  	[sflag:s19] =	ssyncset.done @!p0 $0x0  }
0x19: {  	[sflag:s19] =	ssyncadd.s32 @!p0 $0xFFFFD880  }
0x1a: {  	[tilespmem:s13], [sflag:$0x3] =	stream.linear.gather [hbm4b:s4+s3], $0x4000, $0x38;
	[tilespmem:$0x1A0C0] =	vst v63  }
0x1b: {  	_ =	swait.ge [sflag:s14], $0x4000  }
0x1c: {  	[sflag:s14] =	ssyncset.done $0x0  }
0x1d: {  	[sflag:s14] =	ssyncadd.s32 $0xFFFFC000  }
0x1e: {  	[tilespmem:s3], [sflag:$0x3] =	stream.linear.gather [hbm4b:s6+s3], $0x2800, $0x38;
	[tilespmem:$0x1A0C0] =	vst v63  }
0x1f: {  	_ =	swait.ge [sflag:s14], $0x2800  }
0x20: {  	[sflag:s14] =	ssyncset.done $0x0  }
0x21: {  	[sflag:s14] =	ssyncadd.s32 $0xFFFFD800  }
0x22: {  	[bflag:$0x0] =	sbarrier.arrive $0xFFFF  }
0x23: {  	[spmem:s2] =	stream.indirect.scatter.add.f32 [tilespmem:s13], [sflag:$0x1], $0x80, s3, s15, $0xb8;
	[tilespmem:$0x1A0C0] =	vst v63  }
0x24: {  	_ = 	snop  }
0x25: {  	[spmem:s2] =	stream.indirect.scatter.add.f32 [tilespmem:s13], [sflag:$0x2], $0x80, s15, s15, $0xb8;
	[tilespmem:$0x1A0C0] =	vst v63  }
0x26: {  	_ =	swait.ge [sflag:s16], $0x4000  }
0x27: {  	[sflag:s16] =	ssyncset.done $0x0  }
0x28: {  	s31 =	simm.s32 $0x100;
	[sflag:s16] =	ssyncadd.s32 $0xFFFFC000  }
0x29: {  	[spmem:s2] =	stream.indirect.scatter.add.f32 [tilespmem:s13], [sflag:$0x1], $0x80, s31, s15, $0xb8;
	[tilespmem:$0x1A0C0] =	vst v63  }
0x2a: {  	_ =	swait.ge [sflag:s17], $0x4000  }
0x2b: {  	[sflag:s17] =	ssyncset.done $0x0  }
0x2c: {  	s20 =	simm.s32 $0x180;
	s19 =	simm.s32 $0xFFFF6800;
	[sflag:s17] =	ssyncadd.s32 $0xFFFFC000  }
.LBB2_2:
0x2d: {  	[spmem:s2] =	stream.indirect.scatter.add.f32 [tilespmem:s13], [sflag:$0x2], $0x80, s20, s15, $0xb8;
	[tilespmem:$0x1A0C0] =	vst v63  }
0x2e: {  	s20 =	smov.u32 s19  }
0x2f: {  	p1 =	sne.s32 s19, $0xFFFFFC00;
	s19 =	sadd.s32 $0x400, s19;
	_ =	swait.ge [sflag:s16], $0x4000  }
0x30: {  	s20 =	sshra.s32 s20, $0x2;
	[sflag:s16] =	ssyncset.done $0x0  }
.Ltmp0:
0x31: {  	s21 =	sadd.s32 $0x2800, s20;
	[sflag:s16] =	ssyncadd.s32 $0xFFFFC000;
	(pc) =	sbr.rel @p1 .LBB2_2-.Ltmp0, $4  }
0x32: {  	[spmem:s2] =	stream.indirect.scatter.add.f32 [tilespmem:s13], [sflag:$0x1], $0x80, s21, s15, $0xb8;
	[tilespmem:$0x1A0C0] =	vst v63  }
0x33: {  	_ =	swait.ge [sflag:s17], $0x4000  }
0x34: {  	[sflag:s17] =	ssyncset.done $0x0  }
0x35: {  	s20 =	sadd.s32 $0x2880, s20;
	[sflag:s17] =	ssyncadd.s32 $0xFFFFC000  }
0x36: {  	[spmem:s2] =	stream.indirect.scatter.add.f32 [tilespmem:s13], [sflag:$0x2], $0x80, s20, s15, $0xb8;
	[tilespmem:$0x1A0C0] =	vst v63  }
0x37: {  	_ =	swait.ge [sflag:s16], $0x4000  }
0x38: {  	[sflag:s16] =	ssyncset.done $0x0  }
0x39: {  	[sflag:s16] =	ssyncadd.s32 $0xFFFFC000  }
0x3a: {  	_ =	swait.ge [sflag:s17], $0x4000  }
0x3b: {  	[sflag:s17] =	ssyncset.done $0x0  }
0x3c: {  	[sflag:s17] =	ssyncadd.s32 $0xFFFFC000  }
0x3d: {  	s19 =	simm.s32 @p0 $0x1FC3;
	[bflag:$0x0] =	sbarrier.arrive $0xFFFF  }
0x3e: {  	[hbm:s8], [sflag:s19] =	dma.local @p0 [spmem:s10], $0x2080  }
0x3f: {  	s19 =	simm.s32 @p0 $0x3  }
0x40: {  	s18 =	sadd.s32 $0x1, s18;
	_ =	swait.ge @p0 [sflag:s19], $0x2080  }
0x41: {  	p1 =	sne.s32 s18, s9;
	[sflag:s19] =	ssyncset.done @p0 $0x0  }
.Ltmp1:
0x42: {  	[sflag:s19] =	ssyncadd.s32 @p0 $0xFFFFDF80;
	s19 =	simm.s32 @!p0 $0x3;
	(pc) =	sbr.rel @p1 .LBB2_1-.Ltmp1, $4  }
0x43: {  	[hbm:s7], [sflag:s11] =	dma.local @!p0 [spmem:s12], $0x2780  }
0x44: {  	_ =	swait.ge @!p0 [sflag:s19], $0x2780  }
0x45: {  	[sflag:s19] =	ssyncset.done @!p0 $0x0  }
0x46: {  	[sflag:s19] =	ssyncadd.s32 @!p0 $0xFFFFD880  }
0x47: {  	_ =	sfence.sel $0x180000  }
0x48: {  	[bflag:$0x0] =	sbarrier.arrive $0xFFFF  }
0x49: {  	p0 =	sne.s32 s0, $0x0;
	_ =	strace $0x90000047  }
0x4a: {  	s0 =	sadd.s32 @!p0 $0x100000, s1;
	[bflag:$0x2] =	sbarrier.arrive $0xFFFF  }
0x4b: {  	[sflag:s0] =	ssyncadd.tile.s32 @!p0 $0x1;
	_ =	shalt  }
.Lfunc_end2:
_tile_overlayer_lowered:
.L_overlay_start_2:
0x4c: {  	(tag) =	ssettag $0x2  }
0x4d: {  	s0 =	rddreg [dreg:$0x0];
	s2 =	stileid.u32  }
0x4e: {  	s1 =	rddreg [dreg:$0x1];
	p0 =	sne.s32 s2, $0x0  }
0x4f: {  	s3 =	rddreg [dreg:$0x2];
	[bflag:$0x3] =	sbarrier.arrive $0xFFFF;
	s2 =	simm.s32 @!p0 $0x1C03  }
0x50: {  	[timem:s3], [sflag:s2] =	dma.local @!p0 [hbm:s0], s1  }
0x51: {  	s0 =	simm.s32 @!p0 $0x3  }
0x52: {  	_ =	swait.ge @!p0 [sflag:s0], s1  }
0x53: {  	s1 =	ssub.s32 @!p0 $0x0, s1;
	[sflag:s0] =	ssyncset.done @!p0 $0x0  }
0x54: {  	[sflag:s0] =	ssyncadd.s32 @!p0 s1  }
0x55: {  	[bflag:$0x3] =	sbarrier.arrive $0xFFFF  }
0x56: {  	_ =	shalt  }

</sc_bundles>
